<compile_context>
chip_gen: v7x
topology: tpu7x:2x2x1
jax: 0.10.2.dev20260603
libtpu: 0.0.44.dev20260713+nightly
codegen_flags: <defaults>
</compile_context>

<pallas_src>
import functools

import jax
import jax.numpy as jnp
from jax import lax
from jax.experimental import pallas as pl
from jax.experimental.pallas import tpu as pltpu
from jax.experimental.pallas import tpu_sc as plsc

N = 10000
E = 320000
D_IN = 128
H = 128
D_OUT = 64
B = 2048

NC = 2
NS = 16
NW = NC * NS

EPW = E // NS
CH = 128
NFULL = EPW // CH
ETAIL = EPW - NFULL * CH
K = 2
NG = NFULL // K
RPT = 624
TAIL0 = NS * RPT
TAIL = N - TAIL0
BPW = 2 * B // NW

_MESH = plsc.VectorSubcoreMesh(core_axis_name="c", subcore_axis_name="s")



def _spmm_body(with_deg, h_hbm, src_hbm, dst_hbm, zeros_hbm, zeros1d_hbm,
               agg_out, hist_out, sidx, didx, rows, sidx_t, didx_t, rows_t,
               hist, agg_s, isem, *gssems):
    gsems = gssems[:K]
    ssems = gssems[K:]
    c = lax.axis_index("c")
    s = lax.axis_index("s")

    r0 = pl.multiple_of(s * RPT, 8)
    pltpu.sync_copy(zeros_hbm.at[pl.ds(r0, RPT)], agg_s.at[pl.ds(r0, RPT)])
    if with_deg:
        pltpu.sync_copy(zeros1d_hbm, hist)

    @pl.when(s == NS - 1)
    def _zero_tail():
        pltpu.sync_copy(zeros_hbm.at[pl.ds(TAIL0, TAIL)],
                        agg_s.at[pl.ds(TAIL0, TAIL)])

    plsc.subcore_barrier()

    ebase = pl.multiple_of(c * E + s * EPW, 8)
    ones16 = jnp.ones((16,), jnp.float32)

    def issue_idx(gi, par):
        gbase = pl.multiple_of(ebase + gi * (K * CH), 8)
        for k in range(K):
            off = pl.multiple_of(gbase + k * CH, 8)
            pltpu.async_copy(src_hbm.at[pl.ds(off, CH)], sidx.at[par, k], isem)
            pltpu.async_copy(dst_hbm.at[pl.ds(off, CH)], didx.at[par, k], isem)

    def one_group(gi, par):
        for k in range(K):
            pltpu.make_async_copy(src_hbm.at[pl.ds(0, CH)],
                                  sidx.at[par, k], isem).wait()
            pltpu.make_async_copy(dst_hbm.at[pl.ds(0, CH)],
                                  didx.at[par, k], isem).wait()

        @pl.when(gi < NG - 1)
        def _prefetch():
            issue_idx(gi + 1, 1 - par)

        for k in range(K):
            @pl.when(gi > 0)
            def _drain(k=k):
                pltpu.make_async_copy(rows.at[k], agg_s.at[didx.at[par, k]],
                                      ssems[k]).wait()
        gdesc = [pltpu.async_copy(h_hbm.at[sidx.at[par, k]], rows.at[k],
                                  gsems[k]) for k in range(K)]
        if with_deg:
            for k in range(K):
                for j in range(CH // 16):
                    plsc.addupdate_scatter(
                        hist, [didx[par, k, pl.ds(j * 16, 16)]], ones16)
        for k in range(K):
            gdesc[k].wait()
            pltpu.async_copy(rows.at[k], agg_s.at[didx.at[par, k]], ssems[k],
                             add=True)

    issue_idx(0, 0)

    def dgroup(di, carry):
        one_group(di * 2, 0)
        one_group(di * 2 + 1, 1)
        return carry

    lax.fori_loop(0, NG // 2, dgroup, 0)

    toff = pl.multiple_of(ebase + NFULL * CH, 8)
    t1 = pltpu.async_copy(src_hbm.at[pl.ds(toff, ETAIL)], sidx_t, isem)
    t2 = pltpu.async_copy(dst_hbm.at[pl.ds(toff, ETAIL)], didx_t, isem)
    t1.wait()
    t2.wait()
    tg = pltpu.async_copy(h_hbm.at[sidx_t], rows_t, isem)
    if with_deg:
        for j in range(ETAIL // 16):
            plsc.addupdate_scatter(hist, [didx_t[pl.ds(j * 16, 16)]], ones16)
    tg.wait()
    pltpu.sync_copy(rows_t, agg_s.at[didx_t], add=True)

    for k in range(K):
        pltpu.make_async_copy(rows.at[k], agg_s.at[didx.at[1, k]],
                              ssems[k]).wait()
    plsc.subcore_barrier()

    pltpu.sync_copy(agg_s.at[pl.ds(r0, RPT)], agg_out.at[c, pl.ds(r0, RPT)])
    if with_deg:
        pltpu.sync_copy(hist, hist_out.at[pl.ds((c * NS + s) * N, N)])

    @pl.when(s == NS - 1)
    def _write_tail():
        pltpu.sync_copy(agg_s.at[pl.ds(TAIL0, TAIL)],
                        agg_out.at[c, pl.ds(TAIL0, TAIL)])


def _make_spmm(with_deg):
    out_type = [jax.ShapeDtypeStruct((NC, N, H), jnp.float32),
                jax.ShapeDtypeStruct((NW * N,), jnp.float32)]
    scratch = [
        pltpu.VMEM((2, K, CH), jnp.int32),
        pltpu.VMEM((2, K, CH), jnp.int32),
        pltpu.VMEM((K, CH, H), jnp.float32),
        pltpu.VMEM((ETAIL,), jnp.int32),
        pltpu.VMEM((ETAIL,), jnp.int32),
        pltpu.VMEM((ETAIL, H), jnp.float32),
        pltpu.VMEM((N,), jnp.float32),
        pltpu.VMEM_SHARED((N, H), jnp.float32),
        pltpu.SemaphoreType.DMA,
    ] + [pltpu.SemaphoreType.DMA] * (2 * K)
    return pl.kernel(functools.partial(_spmm_body, with_deg),
                     out_type=out_type, mesh=_MESH, scratch_types=scratch,
                     compiler_params=pltpu.CompilerParams(
                         needs_layout_passes=False))


_spmm_deg = _make_spmm(True)
_spmm = _make_spmm(False)


def _gather_body(h_hbm, tgt_hbm, out_hbm, tidx, rows, sem):
    c = lax.axis_index("c")
    s = lax.axis_index("s")
    base = pl.multiple_of((c * NS + s) * BPW, 8)
    pltpu.sync_copy(tgt_hbm.at[pl.ds(base, BPW)], tidx)
    pltpu.async_copy(h_hbm.at[tidx], rows, sem).wait()
    pltpu.sync_copy(rows, out_hbm.at[pl.ds(base, BPW)])


_gather_tgt = pl.kernel(
    _gather_body,
    out_type=jax.ShapeDtypeStruct((2 * B, H), jnp.float32),
    mesh=_MESH,
    scratch_types=[
        pltpu.VMEM((BPW,), jnp.int32),
        pltpu.VMEM((BPW, H), jnp.float32),
        pltpu.SemaphoreType.DMA,
    ],
)



def _mlp_bn_body(nf1, nf2, Wm1, Wm2, bm1, bm2, g1, g2, be1, be2, out):
    for p, (nf, Wm, bm, g, be) in enumerate(
            ((nf1, Wm1, bm1, g1, be1), (nf2, Wm2, bm2, g2, be2))):
        h = jnp.dot(nf[...], Wm[...], preferred_element_type=jnp.float32) \
            + bm[...]
        h = jnp.where(h > 0, h, 0.1 * h)
        mu = jnp.mean(h, axis=0, keepdims=True)
        xc = h - mu
        var = jnp.mean(xc * xc, axis=0, keepdims=True)
        out[p] = xc * lax.rsqrt(var + 1e-5) * g[...] + be[...]


_mlp_bn = pl.pallas_call(
    _mlp_bn_body,
    out_shape=jax.ShapeDtypeStruct((NC, N, H), jnp.float32),
)


def _layer_body(h, agg, dcols, Ws1, Wn1, b1, Ws2, Wn2, b2, out):
    for p, (Ws, Wn, b) in enumerate(((Ws1, Wn1, b1), (Ws2, Wn2, b2))):
        deg = jnp.maximum(
            jnp.sum(dcols[p], axis=1, keepdims=True), 1.0)
        a = agg[p] / deg
        out[p] = jnp.maximum(
            jnp.dot(h[p], Ws[...], preferred_element_type=jnp.float32)
            + jnp.dot(a, Wn[...], preferred_element_type=jnp.float32)
            + b[...], 0.0)


_layer = pl.pallas_call(
    _layer_body,
    out_shape=jax.ShapeDtypeStruct((NC, N, H), jnp.float32),
)


def _loss_body(ht, x1, x2, Wp1, Wp2, bp1, bp2, out):
    for p, (x, Wp, bp) in enumerate(((x1, Wp1, bp1), (x2, Wp2, bp2))):
        xp = jnp.dot(ht[pl.ds(p * B, B)], Wp[...],
                     preferred_element_type=jnp.float32) + bp[...]
        r = xp - x[...]
        out[pl.ds(p, 1)] = jnp.sum(r * r, keepdims=True) * (1.0 / (B * D_OUT))


_loss = pl.pallas_call(
    _loss_body,
    out_shape=jax.ShapeDtypeStruct((2, 1), jnp.float32),
)



def kernel(node_feat1, edge_index1, tgt1, x1, Wm1, bm1, g1, be1,
           Wsa1, Wna1, ba1, Wsb1, Wnb1, bb1, Wp1, bp1,
           node_feat2, edge_index2, tgt2, x2, Wm2, bm2, g2, be2,
           Wsa2, Wna2, ba2, Wsb2, Wnb2, bb2, Wp2, bp2):
    src = jnp.concatenate([edge_index1[0], edge_index2[0] + N])
    dst = jnp.concatenate([edge_index1[1], edge_index2[1]])
    tgt = jnp.concatenate([tgt1, tgt2 + N])
    zeros = jnp.zeros((N, H), jnp.float32)
    zeros1d = jnp.zeros((N,), jnp.float32)

    r = lambda v: v.reshape(1, -1)
    h = _mlp_bn(node_feat1, node_feat2, Wm1, Wm2, r(bm1), r(bm2),
                r(g1), r(g2), r(be1), r(be2))
    agg, hists = _spmm_deg(h.reshape(2 * N, H), src, dst, zeros, zeros1d)
    dcols = jnp.transpose(hists.reshape(NC, NS, N), (0, 2, 1))
    h = _layer(h, agg, dcols, Wsa1, Wna1, r(ba1), Wsa2, Wna2, r(ba2))
    agg, _ = _spmm(h.reshape(2 * N, H), src, dst, zeros, zeros1d)
    h = _layer(h, agg, dcols, Wsb1, Wnb1, r(bb1), Wsb2, Wnb2, r(bb2))
    ht = _gather_tgt(h.reshape(2 * N, H), tgt)
    out = _loss(ht, x1, x2, Wp1, Wp2, r(bp1), r(bp2))
    return out.reshape(2)

# --- scband reference (transcript-rebuilt; emitter-appended) ---
"""Pipeline reference for scband-model-hp-59571196395834 (READ-ONLY COPY).

The authoritative reference and input builder live on the scoring server;
editing this copy changes nothing except your own understanding.
"""

import jax, jax.numpy as jnp
import numpy as np

N, E, D_IN, H, D_OUT, B = 10000, 320000, 128, 128, 64, 2048

def setup_inputs(seed=0):
    key = jax.random.key(seed)
    ks = jax.random.split(key, 40)
    inp = {}
    i = 0
    for p in (1, 2):
        inp[f"node_feat{p}"] = jax.random.normal(ks[i], (N, D_IN), jnp.float32); i += 1
        inp[f"edge_index{p}"] = jax.random.randint(ks[i], (2, E), 0, N, dtype=jnp.int32); i += 1
        inp[f"tgt{p}"] = jax.random.randint(ks[i], (B,), 0, N, dtype=jnp.int32); i += 1
        inp[f"x{p}"] = jax.random.normal(ks[i], (B, D_OUT), jnp.float32); i += 1
        inp[f"Wm{p}"] = jax.random.normal(ks[i], (D_IN, H), jnp.float32) * 0.05; i += 1
        inp[f"bm{p}"] = jnp.zeros((H,), jnp.float32)
        inp[f"g{p}"] = jnp.ones((H,), jnp.float32)
        inp[f"be{p}"] = jnp.zeros((H,), jnp.float32)
        inp[f"Wsa{p}"] = jax.random.normal(ks[i], (H, H), jnp.float32) * 0.05; i += 1
        inp[f"Wna{p}"] = jax.random.normal(ks[i], (H, H), jnp.float32) * 0.05; i += 1
        inp[f"ba{p}"] = jnp.zeros((H,), jnp.float32)
        inp[f"Wsb{p}"] = jax.random.normal(ks[i], (H, H), jnp.float32) * 0.05; i += 1
        inp[f"Wnb{p}"] = jax.random.normal(ks[i], (H, H), jnp.float32) * 0.05; i += 1
        inp[f"bb{p}"] = jnp.zeros((H,), jnp.float32)
        inp[f"Wp{p}"] = jax.random.normal(ks[i], (H, D_OUT), jnp.float32) * 0.05; i += 1
        inp[f"bp{p}"] = jnp.zeros((D_OUT,), jnp.float32)
    return inp

def _panel(nf, ei, tgt, xt, Wm, bm, g, be, Wsa, Wna, ba, Wsb, Wnb, bb, Wp, bp):
    # mlp: Linear -> LeakyReLU(0.1) -> BatchNorm1d (batch stats, affine)
    h = nf @ Wm + bm
    h = jnp.where(h > 0, h, 0.1 * h)
    mu = h.mean(0)
    var = h.var(0)
    h = (h - mu) / jnp.sqrt(var + 1e-5) * g + be
    # 2-layer HyperSAGE-style message passing over node-by-node graph
    src, dst = ei[0], ei[1]
    deg = jnp.zeros((h.shape[0],), h.dtype).at[dst].add(1.0)
    deg = jnp.maximum(deg, 1.0)[:, None]
    for Ws, Wn, b in ((Wsa, Wna, ba), (Wsb, Wnb, bb)):
        agg = jnp.zeros_like(h).at[dst].add(h[src]) / deg
        h = jax.nn.relu(h @ Ws + agg @ Wn + b)
    # predicter + MSE loss against targets (agg_mtx taken as identity on tgt rows)
    xp = h[tgt] @ Wp + bp
    return jnp.mean((xp - xt) ** 2)

def reference(node_feat1, edge_index1, tgt1, x1, Wm1, bm1, g1, be1,
              Wsa1, Wna1, ba1, Wsb1, Wnb1, bb1, Wp1, bp1,
              node_feat2, edge_index2, tgt2, x2, Wm2, bm2, g2, be2,
              Wsa2, Wna2, ba2, Wsb2, Wnb2, bb2, Wp2, bp2):
    kw = {
        "node_feat1": node_feat1, "edge_index1": edge_index1, "tgt1": tgt1, "x1": x1,
        "Wm1": Wm1, "bm1": bm1, "g1": g1, "be1": be1,
        "Wsa1": Wsa1, "Wna1": Wna1, "ba1": ba1,
        "Wsb1": Wsb1, "Wnb1": Wnb1, "bb1": bb1,
        "Wp1": Wp1, "bp1": bp1,
        "node_feat2": node_feat2, "edge_index2": edge_index2, "tgt2": tgt2, "x2": x2,
        "Wm2": Wm2, "bm2": bm2, "g2": g2, "be2": be2,
        "Wsa2": Wsa2, "Wna2": Wna2, "ba2": ba2,
        "Wsb2": Wsb2, "Wnb2": Wnb2, "bb2": bb2,
        "Wp2": Wp2, "bp2": bp2,
    }
    losses = []
    for p in (1, 2):
        losses.append(_panel(kw[f"node_feat{p}"], kw[f"edge_index{p}"], kw[f"tgt{p}"], kw[f"x{p}"],
                             kw[f"Wm{p}"], kw[f"bm{p}"], kw[f"g{p}"], kw[f"be{p}"],
                             kw[f"Wsa{p}"], kw[f"Wna{p}"], kw[f"ba{p}"],
                             kw[f"Wsb{p}"], kw[f"Wnb{p}"], kw[f"bb{p}"],
                             kw[f"Wp{p}"], kw[f"bp{p}"]))
    return jnp.stack(losses)

if __name__ == "__main__":
    import jax
    _d = setup_inputs()
    print(jax.jit(kernel)(*tuple(_d.values())))

</pallas_src>

<mosaic_0001>
#map = affine_map<(d0, d1) -> (0, 0)>
#map1 = affine_map<(d0, d1) -> (0)>
#map2 = affine_map<(d0, d1) -> (0, 0, 0)>
module attributes {stable_mosaic.version = 14 : i64} {
  func.func @_spmm_body(%arg0: i32, %arg1: i32, %arg2: memref<20000x128xf32, #tpu.memory_space<hbm>>, %arg3: memref<640000xi32, #tpu.memory_space<hbm>>, %arg4: memref<640000xi32, #tpu.memory_space<hbm>>, %arg5: memref<10000x128xf32, #tpu.memory_space<hbm>>, %arg6: memref<10000xf32, #tpu.memory_space<hbm>>, %arg7: memref<2x10000x128xf32, #tpu.memory_space<hbm>>, %arg8: memref<320000xf32, #tpu.memory_space<hbm>>, %arg9: memref<2x2x128xi32, #tpu.memory_space<vmem>>, %arg10: memref<2x2x128xi32, #tpu.memory_space<vmem>>, %arg11: memref<2x128x128xf32, #tpu.memory_space<vmem>>, %arg12: memref<32xi32, #tpu.memory_space<vmem>>, %arg13: memref<32xi32, #tpu.memory_space<vmem>>, %arg14: memref<32x128xf32, #tpu.memory_space<vmem>>, %arg15: memref<10000xf32, #tpu.memory_space<vmem>>, %arg16: memref<10000x128xf32, #tpu.memory_space<vmem_shared>>, %arg17: memref<!tpu.dma_semaphore, #tpu.memory_space<semaphore_mem>>, %arg18: memref<!tpu.dma_semaphore, #tpu.memory_space<semaphore_mem>>, %arg19: memref<!tpu.dma_semaphore, #tpu.memory_space<semaphore_mem>>, %arg20: memref<!tpu.dma_semaphore, #tpu.memory_space<semaphore_mem>>, %arg21: memref<!tpu.dma_semaphore, #tpu.memory_space<semaphore_mem>>) attributes {dimension_semantics = [#tpu.dimension_semantics<core_parallel>, #tpu.dimension_semantics<subcore_parallel>], iteration_bounds = array<i64: 2, 16>, scalar_prefetch = 0 : i64, scratch_operands = 13 : i64, tpu.core_type = #tpu.core_type<sc_vector_subcore>, window_params = [{transform_indices = #map}, {transform_indices = #map1}, {transform_indices = #map1}, {transform_indices = #map}, {transform_indices = #map1}, {transform_indices = #map2}, {transform_indices = #map1}]} {
    %mul3A = arith.constant 624 : i32
    %mul3A_0 = arith.muli %arg1, %mul3A : i32
    %multiple_of3A = tpu.assume_multiple %mul3A_0, 8 : i32
    "tpu.region"() ({
      %run_scoped3A = tpu.sem_alloc : memref<!tpu.dma_semaphore, #tpu.memory_space<semaphore_mem>>
      %dma_start3A_110 = arith.constant 0 : i32
      %dma_start3A_111 = tpu.memref_slice %arg16[%multiple_of3A, %dma_start3A_110] : memref<10000x128xf32, #tpu.memory_space<vmem_shared>> -> memref<624x128xf32, #tpu.memory_space<vmem_shared>>
      %dma_start3A_112 = arith.constant 0 : i32
      %dma_start3A_113 = tpu.memref_slice %arg5[%multiple_of3A, %dma_start3A_112] : memref<10000x128xf32, #tpu.memory_space<hbm>> -> memref<624x128xf32, #tpu.memory_space<hbm>>
      tpu.enqueue_dma source(%dma_start3A_113 : memref<624x128xf32, #tpu.memory_space<hbm>>) target(%dma_start3A_111 : memref<624x128xf32, #tpu.memory_space<vmem_shared>>) target_semaphore(%run_scoped3A : memref<!tpu.dma_semaphore, #tpu.memory_space<semaphore_mem>>)
      %dma_wait3A_114 = arith.constant 0 : i32
      %dma_wait3A_115 = tpu.memref_slice %arg16[%multiple_of3A, %dma_wait3A_114] : memref<10000x128xf32, #tpu.memory_space<vmem_shared>> -> memref<624x128xf32, #tpu.memory_space<vmem_shared>>
      %dma_wait3A_116 = arith.constant 0 : i32
      %dma_wait3A_117 = tpu.memref_slice %arg5[%multiple_of3A, %dma_wait3A_116] : memref<10000x128xf32, #tpu.memory_space<hbm>> -> memref<624x128xf32, #tpu.memory_space<hbm>>
      tpu.wait_dma2 semaphore(%run_scoped3A : memref<!tpu.dma_semaphore, #tpu.memory_space<semaphore_mem>>) src(%dma_wait3A_117 : memref<624x128xf32, #tpu.memory_space<hbm>>) dst(%dma_wait3A_115 : memref<624x128xf32, #tpu.memory_space<vmem_shared>>)
      tpu.yield
    }) : () -> ()
    %eq3A = arith.constant 15 : i32
    %eq3A_1 = arith.cmpi eq, %arg1, %eq3A : i32
    %convert_element_type3A = arith.extui %eq3A_1 : i1 to i32
    %cond3A = arith.constant 0 : i32
    %cond3A_2 = arith.cmpi ne, %convert_element_type3A, %cond3A : i32
    scf.if %cond3A_2 {
      "tpu.region"() ({
        %run_scoped3A = tpu.sem_alloc : memref<!tpu.dma_semaphore, #tpu.memory_space<semaphore_mem>>
        %dma_start3A_110 = arith.constant 9984 : i32
        %dma_start3A_111 = arith.constant 0 : i32
        %dma_start3A_112 = tpu.memref_slice %arg16[%dma_start3A_110, %dma_start3A_111] : memref<10000x128xf32, #tpu.memory_space<vmem_shared>> -> memref<16x128xf32, #tpu.memory_space<vmem_shared>>
        %dma_start3A_113 = arith.constant 9984 : i32
        %dma_start3A_114 = arith.constant 0 : i32
        %dma_start3A_115 = tpu.memref_slice %arg5[%dma_start3A_113, %dma_start3A_114] : memref<10000x128xf32, #tpu.memory_space<hbm>> -> memref<16x128xf32, #tpu.memory_space<hbm>>
        tpu.enqueue_dma source(%dma_start3A_115 : memref<16x128xf32, #tpu.memory_space<hbm>>) target(%dma_start3A_112 : memref<16x128xf32, #tpu.memory_space<vmem_shared>>) target_semaphore(%run_scoped3A : memref<!tpu.dma_semaphore, #tpu.memory_space<semaphore_mem>>)
        %dma_wait3A_116 = arith.constant 9984 : i32
        %dma_wait3A_117 = arith.constant 0 : i32
        %dma_wait3A_118 = tpu.memref_slice %arg16[%dma_wait3A_116, %dma_wait3A_117] : memref<10000x128xf32, #tpu.memory_space<vmem_shared>> -> memref<16x128xf32, #tpu.memory_space<vmem_shared>>
        %dma_wait3A_119 = arith.constant 9984 : i32
        %dma_wait3A_120 = arith.constant 0 : i32
        %dma_wait3A_121 = tpu.memref_slice %arg5[%dma_wait3A_119, %dma_wait3A_120] : memref<10000x128xf32, #tpu.memory_space<hbm>> -> memref<16x128xf32, #tpu.memory_space<hbm>>
        tpu.wait_dma2 semaphore(%run_scoped3A : memref<!tpu.dma_semaphore, #tpu.memory_space<semaphore_mem>>) src(%dma_wait3A_121 : memref<16x128xf32, #tpu.memory_space<hbm>>) dst(%dma_wait3A_118 : memref<16x128xf32, #tpu.memory_space<vmem_shared>>)
        tpu.yield
      }) : () -> ()
    } else {
    }
    %barrier3A = arith.constant 0 : index
    tpu.barrier barrier_id(%barrier3A)
    %mul3A_3 = arith.constant 320000 : i32
    %mul3A_4 = arith.muli %arg0, %mul3A_3 : i32
    %mul3A_5 = arith.constant 20000 : i32
    %mul3A_6 = arith.muli %arg1, %mul3A_5 : i32
    %add3A = arith.addi %mul3A_4, %mul3A_6 : i32
    %multiple_of3A_7 = tpu.assume_multiple %add3A, 8 : i32
    %broadcast_in_dim3A = arith.constant 1.000000e+00 : f32
    %broadcast_in_dim3A_8 = vector.broadcast %broadcast_in_dim3A : f32 to vector<16xf32>
    %add3A_9 = arith.constant 0 : i32
    %add3A_10 = arith.addi %multiple_of3A_7, %add3A_9 : i32
    %multiple_of3A_11 = tpu.assume_multiple %add3A_10, 8 : i32
    %add3A_12 = arith.constant 0 : i32
    %add3A_13 = arith.addi %multiple_of3A_11, %add3A_12 : i32
    %multiple_of3A_14 = tpu.assume_multiple %add3A_13, 8 : i32
    %dma_start3A = arith.constant 0 : i32
    %dma_start3A_15 = arith.constant 0 : i32
    %dma_start3A_16 = arith.constant 0 : i32
    %dma_start3A_17 = tpu.memref_slice %arg9[%dma_start3A, %dma_start3A_15, %dma_start3A_16] : memref<2x2x128xi32, #tpu.memory_space<vmem>> -> memref<1x1x128xi32, #tpu.memory_space<vmem>>
    %dma_start3A_18 = tpu.memref_squeeze %dma_start3A_17 : memref<1x1x128xi32, #tpu.memory_space<vmem>> -> memref<128xi32, #tpu.memory_space<vmem>>
    %dma_start3A_19 = tpu.memref_slice %arg3[%multiple_of3A_14] : memref<640000xi32, #tpu.memory_space<hbm>> -> memref<128xi32, #tpu.memory_space<hbm>>
    %dma_start3A_20 = arith.constant 0 : i32
    %dma_start3A_21 = tpu.memref_slice %arg9[%dma_start3A, %dma_start3A_15, %dma_start3A_20] : memref<2x2x128xi32, #tpu.memory_space<vmem>> -> memref<1x1x128xi32, #tpu.memory_space<vmem>>
    %dma_start3A_22 = tpu.memref_squeeze %dma_start3A_21 : memref<1x1x128xi32, #tpu.memory_space<vmem>> -> memref<128xi32, #tpu.memory_space<vmem>>
    %dma_start3A_23 = tpu.memref_slice %arg3[%multiple_of3A_14] : memref<640000xi32, #tpu.memory_space<hbm>> -> memref<128xi32, #tpu.memory_space<hbm>>
    tpu.enqueue_dma source(%dma_start3A_23 : memref<128xi32, #tpu.memory_space<hbm>>) target(%dma_start3A_22 : memref<128xi32, #tpu.memory_space<vmem>>) target_semaphore(%arg17 : memref<!tpu.dma_semaphore, #tpu.memory_space<semaphore_mem>>)
    %dma_start3A_24 = arith.constant 0 : i32
    %dma_start3A_25 = arith.constant 0 : i32
    %dma_start3A_26 = arith.constant 0 : i32
    %dma_start3A_27 = tpu.memref_slice %arg10[%dma_start3A_24, %dma_start3A_25, %dma_start3A_26] : memref<2x2x128xi32, #tpu.memory_space<vmem>> -> memref<1x1x128xi32, #tpu.memory_space<vmem>>
    %dma_start3A_28 = tpu.memref_squeeze %dma_start3A_27 : memref<1x1x128xi32, #tpu.memory_space<vmem>> -> memref<128xi32, #tpu.memory_space<vmem>>
    %dma_start3A_29 = tpu.memref_slice %arg4[%multiple_of3A_14] : memref<640000xi32, #tpu.memory_space<hbm>> -> memref<128xi32, #tpu.memory_space<hbm>>
    %dma_start3A_30 = arith.constant 0 : i32
    %dma_start3A_31 = tpu.memref_slice %arg10[%dma_start3A_24, %dma_start3A_25, %dma_start3A_30] : memref<2x2x128xi32, #tpu.memory_space<vmem>> -> memref<1x1x128xi32, #tpu.memory_space<vmem>>
    %dma_start3A_32 = tpu.memref_squeeze %dma_start3A_31 : memref<1x1x128xi32, #tpu.memory_space<vmem>> -> memref<128xi32, #tpu.memory_space<vmem>>
    %dma_start3A_33 = tpu.memref_slice %arg4[%multiple_of3A_14] : memref<640000xi32, #tpu.memory_space<hbm>> -> memref<128xi32, #tpu.memory_space<hbm>>
    tpu.enqueue_dma source(%dma_start3A_33 : memref<128xi32, #tpu.memory_space<hbm>>) target(%dma_start3A_32 : memref<128xi32, #tpu.memory_space<vmem>>) target_semaphore(%arg17 : memref<!tpu.dma_semaphore, #tpu.memory_space<semaphore_mem>>)
    %add3A_34 = arith.constant 128 : i32
    %add3A_35 = arith.addi %multiple_of3A_11, %add3A_34 : i32
    %multiple_of3A_36 = tpu.assume_multiple %add3A_35, 8 : i32
    %dma_start3A_37 = arith.constant 0 : i32
    %dma_start3A_38 = arith.constant 1 : i32
    %dma_start3A_39 = arith.constant 0 : i32
    %dma_start3A_40 = tpu.memref_slice %arg9[%dma_start3A_37, %dma_start3A_38, %dma_start3A_39] : memref<2x2x128xi32, #tpu.memory_space<vmem>> -> memref<1x1x128xi32, #tpu.memory_space<vmem>>
    %dma_start3A_41 = tpu.memref_squeeze %dma_start3A_40 : memref<1x1x128xi32, #tpu.memory_space<vmem>> -> memref<128xi32, #tpu.memory_space<vmem>>
    %dma_start3A_42 = tpu.memref_slice %arg3[%multiple_of3A_36] : memref<640000xi32, #tpu.memory_space<hbm>> -> memref<128xi32, #tpu.memory_space<hbm>>
    %dma_start3A_43 = arith.constant 0 : i32
    %dma_start3A_44 = tpu.memref_slice %arg9[%dma_start3A_37, %dma_start3A_38, %dma_start3A_43] : memref<2x2x128xi32, #tpu.memory_space<vmem>> -> memref<1x1x128xi32, #tpu.memory_space<vmem>>
    %dma_start3A_45 = tpu.memref_squeeze %dma_start3A_44 : memref<1x1x128xi32, #tpu.memory_space<vmem>> -> memref<128xi32, #tpu.memory_space<vmem>>
    %dma_start3A_46 = tpu.memref_slice %arg3[%multiple_of3A_36] : memref<640000xi32, #tpu.memory_space<hbm>> -> memref<128xi32, #tpu.memory_space<hbm>>
    tpu.enqueue_dma source(%dma_start3A_46 : memref<128xi32, #tpu.memory_space<hbm>>) target(%dma_start3A_45 : memref<128xi32, #tpu.memory_space<vmem>>) target_semaphore(%arg17 : memref<!tpu.dma_semaphore, #tpu.memory_space<semaphore_mem>>)
    %dma_start3A_47 = arith.constant 0 : i32
    %dma_start3A_48 = arith.constant 1 : i32
    %dma_start3A_49 = arith.constant 0 : i32
    %dma_start3A_50 = tpu.memref_slice %arg10[%dma_start3A_47, %dma_start3A_48, %dma_start3A_49] : memref<2x2x128xi32, #tpu.memory_space<vmem>> -> memref<1x1x128xi32, #tpu.memory_space<vmem>>
    %dma_start3A_51 = tpu.memref_squeeze %dma_start3A_50 : memref<1x1x128xi32, #tpu.memory_space<vmem>> -> memref<128xi32, #tpu.memory_space<vmem>>
    %dma_start3A_52 = tpu.memref_slice %arg4[%multiple_of3A_36] : memref<640000xi32, #tpu.memory_space<hbm>> -> memref<128xi32, #tpu.memory_space<hbm>>
    %dma_start3A_53 = arith.constant 0 : i32
    %dma_start3A_54 = tpu.memref_slice %arg10[%dma_start3A_47, %dma_start3A_48, %dma_start3A_53] : memref<2x2x128xi32, #tpu.memory_space<vmem>> -> memref<1x1x128xi32, #tpu.memory_space<vmem>>
    %dma_start3A_55 = tpu.memref_squeeze %dma_start3A_54 : memref<1x1x128xi32, #tpu.memory_space<vmem>> -> memref<128xi32, #tpu.memory_space<vmem>>
    %dma_start3A_56 = tpu.memref_slice %arg4[%multiple_of3A_36] : memref<640000xi32, #tpu.memory_space<hbm>> -> memref<128xi32, #tpu.memory_space<hbm>>
    tpu.enqueue_dma source(%dma_start3A_56 : memref<128xi32, #tpu.memory_space<hbm>>) target(%dma_start3A_55 : memref<128xi32, #tpu.memory_space<vmem>>) target_semaphore(%arg17 : memref<!tpu.dma_semaphore, #tpu.memory_space<semaphore_mem>>)
    %scan3A = arith.constant 0 : i32
    %scan3A_57 = arith.constant 0 : i32
    %scan3A_58 = arith.constant 39 : i32
    %scan3A_59 = arith.addi %scan3A_57, %scan3A_58 : i32
    %scan3A_60 = arith.constant 1 : i32
    scf.for %scan3A_110 = %scan3A_57 to %scan3A_59 step %scan3A_60  : i32 {
      %mul3A_111 = arith.constant 2 : i32
      %mul3A_112 = arith.muli %scan3A_110, %mul3A_111 : i32
      %dma_wait3A_113 = arith.constant 0 : i32
      %dma_wait3A_114 = arith.constant 0 : i32
      %dma_wait3A_115 = arith.constant 0 : i32
      %dma_wait3A_116 = tpu.memref_slice %arg9[%dma_wait3A_113, %dma_wait3A_114, %dma_wait3A_115] : memref<2x2x128xi32, #tpu.memory_space<vmem>> -> memref<1x1x128xi32, #tpu.memory_space<vmem>>
      %dma_wait3A_117 = tpu.memref_squeeze %dma_wait3A_116 : memref<1x1x128xi32, #tpu.memory_space<vmem>> -> memref<128xi32, #tpu.memory_space<vmem>>
      %dma_wait3A_118 = arith.constant 0 : i32
      %dma_wait3A_119 = tpu.memref_slice %arg3[%dma_wait3A_118] : memref<640000xi32, #tpu.memory_space<hbm>> -> memref<128xi32, #tpu.memory_space<hbm>>
      %dma_wait3A_120 = arith.constant 0 : i32
      %dma_wait3A_121 = tpu.memref_slice %arg9[%dma_wait3A_113, %dma_wait3A_114, %dma_wait3A_120] : memref<2x2x128xi32, #tpu.memory_space<vmem>> -> memref<1x1x128xi32, #tpu.memory_space<vmem>>
      %dma_wait3A_122 = tpu.memref_squeeze %dma_wait3A_121 : memref<1x1x128xi32, #tpu.memory_space<vmem>> -> memref<128xi32, #tpu.memory_space<vmem>>
      %dma_wait3A_123 = arith.constant 0 : i32
      %dma_wait3A_124 = tpu.memref_slice %arg3[%dma_wait3A_123] : memref<640000xi32, #tpu.memory_space<hbm>> -> memref<128xi32, #tpu.memory_space<hbm>>
      tpu.wait_dma2 semaphore(%arg17 : memref<!tpu.dma_semaphore, #tpu.memory_space<semaphore_mem>>) src(%dma_wait3A_124 : memref<128xi32, #tpu.memory_space<hbm>>) dst(%dma_wait3A_122 : memref<128xi32, #tpu.memory_space<vmem>>)
      %dma_wait3A_125 = arith.constant 0 : i32
      %dma_wait3A_126 = arith.constant 0 : i32
      %dma_wait3A_127 = arith.constant 0 : i32
      %dma_wait3A_128 = tpu.memref_slice %arg10[%dma_wait3A_125, %dma_wait3A_126, %dma_wait3A_127] : memref<2x2x128xi32, #tpu.memory_space<vmem>> -> memref<1x1x128xi32, #tpu.memory_space<vmem>>
      %dma_wait3A_129 = tpu.memref_squeeze %dma_wait3A_128 : memref<1x1x128xi32, #tpu.memory_space<vmem>> -> memref<128xi32, #tpu.memory_space<vmem>>
      %dma_wait3A_130 = arith.constant 0 : i32
      %dma_wait3A_131 = tpu.memref_slice %arg4[%dma_wait3A_130] : memref<640000xi32, #tpu.memory_space<hbm>> -> memref<128xi32, #tpu.memory_space<hbm>>
      %dma_wait3A_132 = arith.constant 0 : i32
      %dma_wait3A_133 = tpu.memref_slice %arg10[%dma_wait3A_125, %dma_wait3A_126, %dma_wait3A_132] : memref<2x2x128xi32, #tpu.memory_space<vmem>> -> memref<1x1x128xi32, #tpu.memory_space<vmem>>
      %dma_wait3A_134 = tpu.memref_squeeze %dma_wait3A_133 : memref<1x1x128xi32, #tpu.memory_space<vmem>> -> memref<128xi32, #tpu.memory_space<vmem>>
      %dma_wait3A_135 = arith.constant 0 : i32
      %dma_wait3A_136 = tpu.memref_slice %arg4[%dma_wait3A_135] : memref<640000xi32, #tpu.memory_space<hbm>> -> memref<128xi32, #tpu.memory_space<hbm>>
      tpu.wait_dma2 semaphore(%arg17 : memref<!tpu.dma_semaphore, #tpu.memory_space<semaphore_mem>>) src(%dma_wait3A_136 : memref<128xi32, #tpu.memory_space<hbm>>) dst(%dma_wait3A_134 : memref<128xi32, #tpu.memory_space<vmem>>)
      %dma_wait3A_137 = arith.constant 0 : i32
      %dma_wait3A_138 = arith.constant 1 : i32
      %dma_wait3A_139 = arith.constant 0 : i32
      %dma_wait3A_140 = tpu.memref_slice %arg9[%dma_wait3A_137, %dma_wait3A_138, %dma_wait3A_139] : memref<2x2x128xi32, #tpu.memory_space<vmem>> -> memref<1x1x128xi32, #tpu.memory_space<vmem>>
      %dma_wait3A_141 = tpu.memref_squeeze %dma_wait3A_140 : memref<1x1x128xi32, #tpu.memory_space<vmem>> -> memref<128xi32, #tpu.memory_space<vmem>>
      %dma_wait3A_142 = arith.constant 0 : i32
      %dma_wait3A_143 = tpu.memref_slice %arg3[%dma_wait3A_142] : memref<640000xi32, #tpu.memory_space<hbm>> -> memref<128xi32, #tpu.memory_space<hbm>>
      %dma_wait3A_144 = arith.constant 0 : i32
      %dma_wait3A_145 = tpu.memref_slice %arg9[%dma_wait3A_137, %dma_wait3A_138, %dma_wait3A_144] : memref<2x2x128xi32, #tpu.memory_space<vmem>> -> memref<1x1x128xi32, #tpu.memory_space<vmem>>
      %dma_wait3A_146 = tpu.memref_squeeze %dma_wait3A_145 : memref<1x1x128xi32, #tpu.memory_space<vmem>> -> memref<128xi32, #tpu.memory_space<vmem>>
      %dma_wait3A_147 = arith.constant 0 : i32
      %dma_wait3A_148 = tpu.memref_slice %arg3[%dma_wait3A_147] : memref<640000xi32, #tpu.memory_space<hbm>> -> memref<128xi32, #tpu.memory_space<hbm>>
      tpu.wait_dma2 semaphore(%arg17 : memref<!tpu.dma_semaphore, #tpu.memory_space<semaphore_mem>>) src(%dma_wait3A_148 : memref<128xi32, #tpu.memory_space<hbm>>) dst(%dma_wait3A_146 : memref<128xi32, #tpu.memory_space<vmem>>)
      %dma_wait3A_149 = arith.constant 0 : i32
      %dma_wait3A_150 = arith.constant 1 : i32
      %dma_wait3A_151 = arith.constant 0 : i32
      %dma_wait3A_152 = tpu.memref_slice %arg10[%dma_wait3A_149, %dma_wait3A_150, %dma_wait3A_151] : memref<2x2x128xi32, #tpu.memory_space<vmem>> -> memref<1x1x128xi32, #tpu.memory_space<vmem>>
      %dma_wait3A_153 = tpu.memref_squeeze %dma_wait3A_152 : memref<1x1x128xi32, #tpu.memory_space<vmem>> -> memref<128xi32, #tpu.memory_space<vmem>>
      %dma_wait3A_154 = arith.constant 0 : i32
      %dma_wait3A_155 = tpu.memref_slice %arg4[%dma_wait3A_154] : memref<640000xi32, #tpu.memory_space<hbm>> -> memref<128xi32, #tpu.memory_space<hbm>>
      %dma_wait3A_156 = arith.constant 0 : i32
      %dma_wait3A_157 = tpu.memref_slice %arg10[%dma_wait3A_149, %dma_wait3A_150, %dma_wait3A_156] : memref<2x2x128xi32, #tpu.memory_space<vmem>> -> memref<1x1x128xi32, #tpu.memory_space<vmem>>
      %dma_wait3A_158 = tpu.memref_squeeze %dma_wait3A_157 : memref<1x1x128xi32, #tpu.memory_space<vmem>> -> memref<128xi32, #tpu.memory_space<vmem>>
      %dma_wait3A_159 = arith.constant 0 : i32
      %dma_wait3A_160 = tpu.memref_slice %arg4[%dma_wait3A_159] : memref<640000xi32, #tpu.memory_space<hbm>> -> memref<128xi32, #tpu.memory_space<hbm>>
      tpu.wait_dma2 semaphore(%arg17 : memref<!tpu.dma_semaphore, #tpu.memory_space<semaphore_mem>>) src(%dma_wait3A_160 : memref<128xi32, #tpu.memory_space<hbm>>) dst(%dma_wait3A_158 : memref<128xi32, #tpu.memory_space<vmem>>)
      %lt3A = arith.constant 77 : i32
      %lt3A_161 = arith.cmpi slt, %mul3A_112, %lt3A : i32
      %convert_element_type3A_162 = arith.extui %lt3A_161 : i1 to i32
      %cond3A_163 = arith.constant 0 : i32
      %cond3A_164 = arith.cmpi ne, %convert_element_type3A_162, %cond3A_163 : i32
      scf.if %cond3A_164 {
        %add3A_397 = arith.constant 1 : i32
        %add3A_398 = arith.addi %mul3A_112, %add3A_397 : i32
        %mul3A_399 = arith.constant 256 : i32
        %mul3A_400 = arith.muli %add3A_398, %mul3A_399 : i32
        %add3A_401 = arith.addi %multiple_of3A_7, %mul3A_400 : i32
        %multiple_of3A_402 = tpu.assume_multiple %add3A_401, 8 : i32
        %add3A_403 = arith.constant 0 : i32
        %add3A_404 = arith.addi %multiple_of3A_402, %add3A_403 : i32
        %multiple_of3A_405 = tpu.assume_multiple %add3A_404, 8 : i32
        %dma_start3A_406 = arith.constant 1 : i32
        %dma_start3A_407 = arith.constant 0 : i32
        %dma_start3A_408 = arith.constant 0 : i32
        %dma_start3A_409 = tpu.memref_slice %arg9[%dma_start3A_406, %dma_start3A_407, %dma_start3A_408] : memref<2x2x128xi32, #tpu.memory_space<vmem>> -> memref<1x1x128xi32, #tpu.memory_space<vmem>>
        %dma_start3A_410 = tpu.memref_squeeze %dma_start3A_409 : memref<1x1x128xi32, #tpu.memory_space<vmem>> -> memref<128xi32, #tpu.memory_space<vmem>>
        %dma_start3A_411 = tpu.memref_slice %arg3[%multiple_of3A_405] : memref<640000xi32, #tpu.memory_space<hbm>> -> memref<128xi32, #tpu.memory_space<hbm>>
        %dma_start3A_412 = arith.constant 0 : i32
        %dma_start3A_413 = tpu.memref_slice %arg9[%dma_start3A_406, %dma_start3A_407, %dma_start3A_412] : memref<2x2x128xi32, #tpu.memory_space<vmem>> -> memref<1x1x128xi32, #tpu.memory_space<vmem>>
        %dma_start3A_414 = tpu.memref_squeeze %dma_start3A_413 : memref<1x1x128xi32, #tpu.memory_space<vmem>> -> memref<128xi32, #tpu.memory_space<vmem>>
        %dma_start3A_415 = tpu.memref_slice %arg3[%multiple_of3A_405] : memref<640000xi32, #tpu.memory_space<hbm>> -> memref<128xi32, #tpu.memory_space<hbm>>
        tpu.enqueue_dma source(%dma_start3A_415 : memref<128xi32, #tpu.memory_space<hbm>>) target(%dma_start3A_414 : memref<128xi32, #tpu.memory_space<vmem>>) target_semaphore(%arg17 : memref<!tpu.dma_semaphore, #tpu.memory_space<semaphore_mem>>)
        %dma_start3A_416 = arith.constant 1 : i32
        %dma_start3A_417 = arith.constant 0 : i32
        %dma_start3A_418 = arith.constant 0 : i32
        %dma_start3A_419 = tpu.memref_slice %arg10[%dma_start3A_416, %dma_start3A_417, %dma_start3A_418] : memref<2x2x128xi32, #tpu.memory_space<vmem>> -> memref<1x1x128xi32, #tpu.memory_space<vmem>>
        %dma_start3A_420 = tpu.memref_squeeze %dma_start3A_419 : memref<1x1x128xi32, #tpu.memory_space<vmem>> -> memref<128xi32, #tpu.memory_space<vmem>>
        %dma_start3A_421 = tpu.memref_slice %arg4[%multiple_of3A_405] : memref<640000xi32, #tpu.memory_space<hbm>> -> memref<128xi32, #tpu.memory_space<hbm>>
        %dma_start3A_422 = arith.constant 0 : i32
        %dma_start3A_423 = tpu.memref_slice %arg10[%dma_start3A_416, %dma_start3A_417, %dma_start3A_422] : memref<2x2x128xi32, #tpu.memory_space<vmem>> -> memref<1x1x128xi32, #tpu.memory_space<vmem>>
        %dma_start3A_424 = tpu.memref_squeeze %dma_start3A_423 : memref<1x1x128xi32, #tpu.memory_space<vmem>> -> memref<128xi32, #tpu.memory_space<vmem>>
        %dma_start3A_425 = tpu.memref_slice %arg4[%multiple_of3A_405] : memref<640000xi32, #tpu.memory_space<hbm>> -> memref<128xi32, #tpu.memory_space<hbm>>
        tpu.enqueue_dma source(%dma_start3A_425 : memref<128xi32, #tpu.memory_space<hbm>>) target(%dma_start3A_424 : memref<128xi32, #tpu.memory_space<vmem>>) target_semaphore(%arg17 : memref<!tpu.dma_semaphore, #tpu.memory_space<semaphore_mem>>)
        %add3A_426 = arith.constant 128 : i32
        %add3A_427 = arith.addi %multiple_of3A_402, %add3A_426 : i32
        %multiple_of3A_428 = tpu.assume_multiple %add3A_427, 8 : i32
        %dma_start3A_429 = arith.constant 1 : i32
        %dma_start3A_430 = arith.constant 1 : i32
        %dma_start3A_431 = arith.constant 0 : i32
        %dma_start3A_432 = tpu.memref_slice %arg9[%dma_start3A_429, %dma_start3A_430, %dma_start3A_431] : memref<2x2x128xi32, #tpu.memory_space<vmem>> -> memref<1x1x128xi32, #tpu.memory_space<vmem>>
        %dma_start3A_433 = tpu.memref_squeeze %dma_start3A_432 : memref<1x1x128xi32, #tpu.memory_space<vmem>> -> memref<128xi32, #tpu.memory_space<vmem>>
        %dma_start3A_434 = tpu.memref_slice %arg3[%multiple_of3A_428] : memref<640000xi32, #tpu.memory_space<hbm>> -> memref<128xi32, #tpu.memory_space<hbm>>
        %dma_start3A_435 = arith.constant 0 : i32
        %dma_start3A_436 = tpu.memref_slice %arg9[%dma_start3A_429, %dma_start3A_430, %dma_start3A_435] : memref<2x2x128xi32, #tpu.memory_space<vmem>> -> memref<1x1x128xi32, #tpu.memory_space<vmem>>
        %dma_start3A_437 = tpu.memref_squeeze %dma_start3A_436 : memref<1x1x128xi32, #tpu.memory_space<vmem>> -> memref<128xi32, #tpu.memory_space<vmem>>
        %dma_start3A_438 = tpu.memref_slice %arg3[%multiple_of3A_428] : memref<640000xi32, #tpu.memory_space<hbm>> -> memref<128xi32, #tpu.memory_space<hbm>>
        tpu.enqueue_dma source(%dma_start3A_438 : memref<128xi32, #tpu.memory_space<hbm>>) target(%dma_start3A_437 : memref<128xi32, #tpu.memory_space<vmem>>) target_semaphore(%arg17 : memref<!tpu.dma_semaphore, #tpu.memory_space<semaphore_mem>>)
        %dma_start3A_439 = arith.constant 1 : i32
        %dma_start3A_440 = arith.constant 1 : i32
        %dma_start3A_441 = arith.constant 0 : i32
        %dma_start3A_442 = tpu.memref_slice %arg10[%dma_start3A_439, %dma_start3A_440, %dma_start3A_441] : memref<2x2x128xi32, #tpu.memory_space<vmem>> -> memref<1x1x128xi32, #tpu.memory_space<vmem>>
        %dma_start3A_443 = tpu.memref_squeeze %dma_start3A_442 : memref<1x1x128xi32, #tpu.memory_space<vmem>> -> memref<128xi32, #tpu.memory_space<vmem>>
        %dma_start3A_444 = tpu.memref_slice %arg4[%multiple_of3A_428] : memref<640000xi32, #tpu.memory_space<hbm>> -> memref<128xi32, #tpu.memory_space<hbm>>
        %dma_start3A_445 = arith.constant 0 : i32
        %dma_start3A_446 = tpu.memref_slice %arg10[%dma_start3A_439, %dma_start3A_440, %dma_start3A_445] : memref<2x2x128xi32, #tpu.memory_space<vmem>> -> memref<1x1x128xi32, #tpu.memory_space<vmem>>
        %dma_start3A_447 = tpu.memref_squeeze %dma_start3A_446 : memref<1x1x128xi32, #tpu.memory_space<vmem>> -> memref<128xi32, #tpu.memory_space<vmem>>
        %dma_start3A_448 = tpu.memref_slice %arg4[%multiple_of3A_428] : memref<640000xi32, #tpu.memory_space<hbm>> -> memref<128xi32, #tpu.memory_space<hbm>>
        tpu.enqueue_dma source(%dma_start3A_448 : memref<128xi32, #tpu.memory_space<hbm>>) target(%dma_start3A_447 : memref<128xi32, #tpu.memory_space<vmem>>) target_semaphore(%arg17 : memref<!tpu.dma_semaphore, #tpu.memory_space<semaphore_mem>>)
      } else {
      }
      %gt3A = arith.constant 0 : i32
      %gt3A_165 = arith.cmpi sgt, %mul3A_112, %gt3A : i32
      %convert_element_type3A_166 = arith.extui %gt3A_165 : i1 to i32
      %cond3A_167 = arith.constant 0 : i32
      %cond3A_168 = arith.cmpi ne, %convert_element_type3A_166, %cond3A_167 : i32
      scf.if %cond3A_168 {
        %dma_wait3A_397 = arith.constant 0 : i32
        %dma_wait3A_398 = arith.constant 0 : i32
        %dma_wait3A_399 = arith.constant 0 : i32
        %dma_wait3A_400 = arith.constant 0 : i32
        %dma_wait3A_401 = arith.constant 0 : i32
        %dma_wait3A_402 = tpu.memref_slice %arg11[%dma_wait3A_397, %dma_wait3A_400, %dma_wait3A_401] : memref<2x128x128xf32, #tpu.memory_space<vmem>> -> memref<1x128x128xf32, #tpu.memory_space<vmem>>
        %dma_wait3A_403 = tpu.memref_squeeze %dma_wait3A_402 : memref<1x128x128xf32, #tpu.memory_space<vmem>> -> memref<128x128xf32, #tpu.memory_space<vmem>>
        %dma_wait3A_404 = arith.constant 0 : i32
        %dma_wait3A_405 = tpu.memref_slice %arg10[%dma_wait3A_398, %dma_wait3A_399, %dma_wait3A_404] : memref<2x2x128xi32, #tpu.memory_space<vmem>> -> memref<1x1x128xi32, #tpu.memory_space<vmem>>
        %dma_wait3A_406 = tpu.memref_squeeze %dma_wait3A_405 : memref<1x1x128xi32, #tpu.memory_space<vmem>> -> memref<128xi32, #tpu.memory_space<vmem>>
        %dma_wait3A_407 = arith.constant 0 : i32
        %dma_wait3A_408 = arith.constant 0 : i32
        %dma_wait3A_409 = tpu.memref_slice %arg16[%dma_wait3A_407, %dma_wait3A_408] : memref<10000x128xf32, #tpu.memory_space<vmem_shared>> -> memref<10000x128xf32, #tpu.memory_space<vmem_shared>>
        tpu.wait_indirect_dma semaphore(%arg20 : memref<!tpu.dma_semaphore, #tpu.memory_space<semaphore_mem>>) src(%dma_wait3A_403 : memref<128x128xf32, #tpu.memory_space<vmem>>) dst(%dma_wait3A_409 : memref<10000x128xf32, #tpu.memory_space<vmem_shared>>)
      } else {
      }
      %gt3A_169 = arith.constant 0 : i32
      %gt3A_170 = arith.cmpi sgt, %mul3A_112, %gt3A_169 : i32
      %convert_element_type3A_171 = arith.extui %gt3A_170 : i1 to i32
      %cond3A_172 = arith.constant 0 : i32
      %cond3A_173 = arith.cmpi ne, %convert_element_type3A_171, %cond3A_172 : i32
      scf.if %cond3A_173 {
        %dma_wait3A_397 = arith.constant 1 : i32
        %dma_wait3A_398 = arith.constant 0 : i32
        %dma_wait3A_399 = arith.constant 1 : i32
        %dma_wait3A_400 = arith.constant 0 : i32
        %dma_wait3A_401 = arith.constant 0 : i32
        %dma_wait3A_402 = tpu.memref_slice %arg11[%dma_wait3A_397, %dma_wait3A_400, %dma_wait3A_401] : memref<2x128x128xf32, #tpu.memory_space<vmem>> -> memref<1x128x128xf32, #tpu.memory_space<vmem>>
        %dma_wait3A_403 = tpu.memref_squeeze %dma_wait3A_402 : memref<1x128x128xf32, #tpu.memory_space<vmem>> -> memref<128x128xf32, #tpu.memory_space<vmem>>
        %dma_wait3A_404 = arith.constant 0 : i32
        %dma_wait3A_405 = tpu.memref_slice %arg10[%dma_wait3A_398, %dma_wait3A_399, %dma_wait3A_404] : memref<2x2x128xi32, #tpu.memory_space<vmem>> -> memref<1x1x128xi32, #tpu.memory_space<vmem>>
        %dma_wait3A_406 = tpu.memref_squeeze %dma_wait3A_405 : memref<1x1x128xi32, #tpu.memory_space<vmem>> -> memref<128xi32, #tpu.memory_space<vmem>>
        %dma_wait3A_407 = arith.constant 0 : i32
        %dma_wait3A_408 = arith.constant 0 : i32
        %dma_wait3A_409 = tpu.memref_slice %arg16[%dma_wait3A_407, %dma_wait3A_408] : memref<10000x128xf32, #tpu.memory_space<vmem_shared>> -> memref<10000x128xf32, #tpu.memory_space<vmem_shared>>
        tpu.wait_indirect_dma semaphore(%arg21 : memref<!tpu.dma_semaphore, #tpu.memory_space<semaphore_mem>>) src(%dma_wait3A_403 : memref<128x128xf32, #tpu.memory_space<vmem>>) dst(%dma_wait3A_409 : memref<10000x128xf32, #tpu.memory_space<vmem_shared>>)
      } else {
      }
      %dma_start3A_174 = arith.constant 0 : i32
      %dma_start3A_175 = arith.constant 0 : i32
      %dma_start3A_176 = arith.constant 0 : i32
      %dma_start3A_177 = arith.constant 0 : i32
      %dma_start3A_178 = arith.constant 0 : i32
      %dma_start3A_179 = tpu.memref_slice %arg11[%dma_start3A_176, %dma_start3A_177, %dma_start3A_178] : memref<2x128x128xf32, #tpu.memory_space<vmem>> -> memref<1x128x128xf32, #tpu.memory_space<vmem>>
      %dma_start3A_180 = tpu.memref_squeeze %dma_start3A_179 : memref<1x128x128xf32, #tpu.memory_space<vmem>> -> memref<128x128xf32, #tpu.memory_space<vmem>>
      %dma_start3A_181 = arith.constant 0 : i32
      %dma_start3A_182 = tpu.memref_slice %arg9[%dma_start3A_174, %dma_start3A_175, %dma_start3A_181] : memref<2x2x128xi32, #tpu.memory_space<vmem>> -> memref<1x1x128xi32, #tpu.memory_space<vmem>>
      %dma_start3A_183 = tpu.memref_squeeze %dma_start3A_182 : memref<1x1x128xi32, #tpu.memory_space<vmem>> -> memref<128xi32, #tpu.memory_space<vmem>>
      %dma_start3A_184 = arith.constant 0 : i32
      %dma_start3A_185 = arith.constant 0 : i32
      %dma_start3A_186 = tpu.memref_slice %arg2[%dma_start3A_184, %dma_start3A_185] : memref<20000x128xf32, #tpu.memory_space<hbm>> -> memref<20000x128xf32, #tpu.memory_space<hbm>>
      tpu.enqueue_indirect_dma source(%dma_start3A_186 : memref<20000x128xf32, #tpu.memory_space<hbm>>) target(%dma_start3A_180 : memref<128x128xf32, #tpu.memory_space<vmem>>) offsets(%dma_start3A_183 : memref<128xi32, #tpu.memory_space<vmem>>) semaphore(%arg18 : memref<!tpu.dma_semaphore, #tpu.memory_space<semaphore_mem>>)
      %dma_start3A_187 = arith.constant 0 : i32
      %dma_start3A_188 = arith.constant 1 : i32
      %dma_start3A_189 = arith.constant 1 : i32
      %dma_start3A_190 = arith.constant 0 : i32
      %dma_start3A_191 = arith.constant 0 : i32
      %dma_start3A_192 = tpu.memref_slice %arg11[%dma_start3A_189, %dma_start3A_190, %dma_start3A_191] : memref<2x128x128xf32, #tpu.memory_space<vmem>> -> memref<1x128x128xf32, #tpu.memory_space<vmem>>
      %dma_start3A_193 = tpu.memref_squeeze %dma_start3A_192 : memref<1x128x128xf32, #tpu.memory_space<vmem>> -> memref<128x128xf32, #tpu.memory_space<vmem>>
      %dma_start3A_194 = arith.constant 0 : i32
      %dma_start3A_195 = tpu.memref_slice %arg9[%dma_start3A_187, %dma_start3A_188, %dma_start3A_194] : memref<2x2x128xi32, #tpu.memory_space<vmem>> -> memref<1x1x128xi32, #tpu.memory_space<vmem>>
      %dma_start3A_196 = tpu.memref_squeeze %dma_start3A_195 : memref<1x1x128xi32, #tpu.memory_space<vmem>> -> memref<128xi32, #tpu.memory_space<vmem>>
      %dma_start3A_197 = arith.constant 0 : i32
      %dma_start3A_198 = arith.constant 0 : i32
      %dma_start3A_199 = tpu.memref_slice %arg2[%dma_start3A_197, %dma_start3A_198] : memref<20000x128xf32, #tpu.memory_space<hbm>> -> memref<20000x128xf32, #tpu.memory_space<hbm>>
      tpu.enqueue_indirect_dma source(%dma_start3A_199 : memref<20000x128xf32, #tpu.memory_space<hbm>>) target(%dma_start3A_193 : memref<128x128xf32, #tpu.memory_space<vmem>>) offsets(%dma_start3A_196 : memref<128xi32, #tpu.memory_space<vmem>>) semaphore(%arg19 : memref<!tpu.dma_semaphore, #tpu.memory_space<semaphore_mem>>)
      %dma_wait3A_200 = arith.constant 0 : i32
      %dma_wait3A_201 = arith.constant 0 : i32
      %dma_wait3A_202 = arith.constant 0 : i32
      %dma_wait3A_203 = arith.constant 0 : i32
      %dma_wait3A_204 = arith.constant 0 : i32
      %dma_wait3A_205 = tpu.memref_slice %arg11[%dma_wait3A_202, %dma_wait3A_203, %dma_wait3A_204] : memref<2x128x128xf32, #tpu.memory_space<vmem>> -> memref<1x128x128xf32, #tpu.memory_space<vmem>>
      %dma_wait3A_206 = tpu.memref_squeeze %dma_wait3A_205 : memref<1x128x128xf32, #tpu.memory_space<vmem>> -> memref<128x128xf32, #tpu.memory_space<vmem>>
      %dma_wait3A_207 = arith.constant 0 : i32
      %dma_wait3A_208 = tpu.memref_slice %arg9[%dma_wait3A_200, %dma_wait3A_201, %dma_wait3A_207] : memref<2x2x128xi32, #tpu.memory_space<vmem>> -> memref<1x1x128xi32, #tpu.memory_space<vmem>>
      %dma_wait3A_209 = tpu.memref_squeeze %dma_wait3A_208 : memref<1x1x128xi32, #tpu.memory_space<vmem>> -> memref<128xi32, #tpu.memory_space<vmem>>
      %dma_wait3A_210 = arith.constant 0 : i32
      %dma_wait3A_211 = arith.constant 0 : i32
      %dma_wait3A_212 = tpu.memref_slice %arg2[%dma_wait3A_210, %dma_wait3A_211] : memref<20000x128xf32, #tpu.memory_space<hbm>> -> memref<20000x128xf32, #tpu.memory_space<hbm>>
      tpu.wait_indirect_dma semaphore(%arg18 : memref<!tpu.dma_semaphore, #tpu.memory_space<semaphore_mem>>) src(%dma_wait3A_212 : memref<20000x128xf32, #tpu.memory_space<hbm>>) dst(%dma_wait3A_206 : memref<128x128xf32, #tpu.memory_space<vmem>>)
      %dma_start3A_213 = arith.constant 0 : i32
      %dma_start3A_214 = arith.constant 0 : i32
      %dma_start3A_215 = arith.constant 0 : i32
      %dma_start3A_216 = arith.constant 0 : i32
      %dma_start3A_217 = arith.constant 0 : i32
      %dma_start3A_218 = tpu.memref_slice %arg11[%dma_start3A_213, %dma_start3A_216, %dma_start3A_217] : memref<2x128x128xf32, #tpu.memory_space<vmem>> -> memref<1x128x128xf32, #tpu.memory_space<vmem>>
      %dma_start3A_219 = tpu.memref_squeeze %dma_start3A_218 : memref<1x128x128xf32, #tpu.memory_space<vmem>> -> memref<128x128xf32, #tpu.memory_space<vmem>>
      %dma_start3A_220 = arith.constant 0 : i32
      %dma_start3A_221 = tpu.memref_slice %arg10[%dma_start3A_214, %dma_start3A_215, %dma_start3A_220] : memref<2x2x128xi32, #tpu.memory_space<vmem>> -> memref<1x1x128xi32, #tpu.memory_space<vmem>>
      %dma_start3A_222 = tpu.memref_squeeze %dma_start3A_221 : memref<1x1x128xi32, #tpu.memory_space<vmem>> -> memref<128xi32, #tpu.memory_space<vmem>>
      %dma_start3A_223 = arith.constant 0 : i32
      %dma_start3A_224 = arith.constant 0 : i32
      %dma_start3A_225 = tpu.memref_slice %arg16[%dma_start3A_223, %dma_start3A_224] : memref<10000x128xf32, #tpu.memory_space<vmem_shared>> -> memref<10000x128xf32, #tpu.memory_space<vmem_shared>>
      tpu.enqueue_indirect_dma source(%dma_start3A_219 : memref<128x128xf32, #tpu.memory_space<vmem>>) target(%dma_start3A_225 : memref<10000x128xf32, #tpu.memory_space<vmem_shared>>) offsets(%dma_start3A_222 : memref<128xi32, #tpu.memory_space<vmem>>) semaphore(%arg20 : memref<!tpu.dma_semaphore, #tpu.memory_space<semaphore_mem>>) {add = true}
      %dma_wait3A_226 = arith.constant 0 : i32
      %dma_wait3A_227 = arith.constant 1 : i32
      %dma_wait3A_228 = arith.constant 1 : i32
      %dma_wait3A_229 = arith.constant 0 : i32
      %dma_wait3A_230 = arith.constant 0 : i32
      %dma_wait3A_231 = tpu.memref_slice %arg11[%dma_wait3A_228, %dma_wait3A_229, %dma_wait3A_230] : memref<2x128x128xf32, #tpu.memory_space<vmem>> -> memref<1x128x128xf32, #tpu.memory_space<vmem>>
      %dma_wait3A_232 = tpu.memref_squeeze %dma_wait3A_231 : memref<1x128x128xf32, #tpu.memory_space<vmem>> -> memref<128x128xf32, #tpu.memory_space<vmem>>
      %dma_wait3A_233 = arith.constant 0 : i32
      %dma_wait3A_234 = tpu.memref_slice %arg9[%dma_wait3A_226, %dma_wait3A_227, %dma_wait3A_233] : memref<2x2x128xi32, #tpu.memory_space<vmem>> -> memref<1x1x128xi32, #tpu.memory_space<vmem>>
      %dma_wait3A_235 = tpu.memref_squeeze %dma_wait3A_234 : memref<1x1x128xi32, #tpu.memory_space<vmem>> -> memref<128xi32, #tpu.memory_space<vmem>>
      %dma_wait3A_236 = arith.constant 0 : i32
      %dma_wait3A_237 = arith.constant 0 : i32
      %dma_wait3A_238 = tpu.memref_slice %arg2[%dma_wait3A_236, %dma_wait3A_237] : memref<20000x128xf32, #tpu.memory_space<hbm>> -> memref<20000x128xf32, #tpu.memory_space<hbm>>
      tpu.wait_indirect_dma semaphore(%arg19 : memref<!tpu.dma_semaphore, #tpu.memory_space<semaphore_mem>>) src(%dma_wait3A_238 : memref<20000x128xf32, #tpu.memory_space<hbm>>) dst(%dma_wait3A_232 : memref<128x128xf32, #tpu.memory_space<vmem>>)
      %dma_start3A_239 = arith.constant 1 : i32
      %dma_start3A_240 = arith.constant 0 : i32
      %dma_start3A_241 = arith.constant 1 : i32
      %dma_start3A_242 = arith.constant 0 : i32
      %dma_start3A_243 = arith.constant 0 : i32
      %dma_start3A_244 = tpu.memref_slice %arg11[%dma_start3A_239, %dma_start3A_242, %dma_start3A_243] : memref<2x128x128xf32, #tpu.memory_space<vmem>> -> memref<1x128x128xf32, #tpu.memory_space<vmem>>
      %dma_start3A_245 = tpu.memref_squeeze %dma_start3A_244 : memref<1x128x128xf32, #tpu.memory_space<vmem>> -> memref<128x128xf32, #tpu.memory_space<vmem>>
      %dma_start3A_246 = arith.constant 0 : i32
      %dma_start3A_247 = tpu.memref_slice %arg10[%dma_start3A_240, %dma_start3A_241, %dma_start3A_246] : memref<2x2x128xi32, #tpu.memory_space<vmem>> -> memref<1x1x128xi32, #tpu.memory_space<vmem>>
      %dma_start3A_248 = tpu.memref_squeeze %dma_start3A_247 : memref<1x1x128xi32, #tpu.memory_space<vmem>> -> memref<128xi32, #tpu.memory_space<vmem>>
      %dma_start3A_249 = arith.constant 0 : i32
      %dma_start3A_250 = arith.constant 0 : i32
      %dma_start3A_251 = tpu.memref_slice %arg16[%dma_start3A_249, %dma_start3A_250] : memref<10000x128xf32, #tpu.memory_space<vmem_shared>> -> memref<10000x128xf32, #tpu.memory_space<vmem_shared>>
      tpu.enqueue_indirect_dma source(%dma_start3A_245 : memref<128x128xf32, #tpu.memory_space<vmem>>) target(%dma_start3A_251 : memref<10000x128xf32, #tpu.memory_space<vmem_shared>>) offsets(%dma_start3A_248 : memref<128xi32, #tpu.memory_space<vmem>>) semaphore(%arg21 : memref<!tpu.dma_semaphore, #tpu.memory_space<semaphore_mem>>) {add = true}
      %mul3A_252 = arith.constant 2 : i32
      %mul3A_253 = arith.muli %scan3A_110, %mul3A_252 : i32
      %add3A_254 = arith.constant 1 : i32
      %add3A_255 = arith.addi %mul3A_253, %add3A_254 : i32
      %dma_wait3A_256 = arith.constant 1 : i32
      %dma_wait3A_257 = arith.constant 0 : i32
      %dma_wait3A_258 = arith.constant 0 : i32
      %dma_wait3A_259 = tpu.memref_slice %arg9[%dma_wait3A_256, %dma_wait3A_257, %dma_wait3A_258] : memref<2x2x128xi32, #tpu.memory_space<vmem>> -> memref<1x1x128xi32, #tpu.memory_space<vmem>>
      %dma_wait3A_260 = tpu.memref_squeeze %dma_wait3A_259 : memref<1x1x128xi32, #tpu.memory_space<vmem>> -> memref<128xi32, #tpu.memory_space<vmem>>
      %dma_wait3A_261 = arith.constant 0 : i32
      %dma_wait3A_262 = tpu.memref_slice %arg3[%dma_wait3A_261] : memref<640000xi32, #tpu.memory_space<hbm>> -> memref<128xi32, #tpu.memory_space<hbm>>
      %dma_wait3A_263 = arith.constant 0 : i32
      %dma_wait3A_264 = tpu.memref_slice %arg9[%dma_wait3A_256, %dma_wait3A_257, %dma_wait3A_263] : memref<2x2x128xi32, #tpu.memory_space<vmem>> -> memref<1x1x128xi32, #tpu.memory_space<vmem>>
      %dma_wait3A_265 = tpu.memref_squeeze %dma_wait3A_264 : memref<1x1x128xi32, #tpu.memory_space<vmem>> -> memref<128xi32, #tpu.memory_space<vmem>>
      %dma_wait3A_266 = arith.constant 0 : i32
      %dma_wait3A_267 = tpu.memref_slice %arg3[%dma_wait3A_266] : memref<640000xi32, #tpu.memory_space<hbm>> -> memref<128xi32, #tpu.memory_space<hbm>>
      tpu.wait_dma2 semaphore(%arg17 : memref<!tpu.dma_semaphore, #tpu.memory_space<semaphore_mem>>) src(%dma_wait3A_267 : memref<128xi32, #tpu.memory_space<hbm>>) dst(%dma_wait3A_265 : memref<128xi32, #tpu.memory_space<vmem>>)
      %dma_wait3A_268 = arith.constant 1 : i32
      %dma_wait3A_269 = arith.constant 0 : i32
      %dma_wait3A_270 = arith.constant 0 : i32
      %dma_wait3A_271 = tpu.memref_slice %arg10[%dma_wait3A_268, %dma_wait3A_269, %dma_wait3A_270] : memref<2x2x128xi32, #tpu.memory_space<vmem>> -> memref<1x1x128xi32, #tpu.memory_space<vmem>>
      %dma_wait3A_272 = tpu.memref_squeeze %dma_wait3A_271 : memref<1x1x128xi32, #tpu.memory_space<vmem>> -> memref<128xi32, #tpu.memory_space<vmem>>
      %dma_wait3A_273 = arith.constant 0 : i32
      %dma_wait3A_274 = tpu.memref_slice %arg4[%dma_wait3A_273] : memref<640000xi32, #tpu.memory_space<hbm>> -> memref<128xi32, #tpu.memory_space<hbm>>
      %dma_wait3A_275 = arith.constant 0 : i32
      %dma_wait3A_276 = tpu.memref_slice %arg10[%dma_wait3A_268, %dma_wait3A_269, %dma_wait3A_275] : memref<2x2x128xi32, #tpu.memory_space<vmem>> -> memref<1x1x128xi32, #tpu.memory_space<vmem>>
      %dma_wait3A_277 = tpu.memref_squeeze %dma_wait3A_276 : memref<1x1x128xi32, #tpu.memory_space<vmem>> -> memref<128xi32, #tpu.memory_space<vmem>>
      %dma_wait3A_278 = arith.constant 0 : i32
      %dma_wait3A_279 = tpu.memref_slice %arg4[%dma_wait3A_278] : memref<640000xi32, #tpu.memory_space<hbm>> -> memref<128xi32, #tpu.memory_space<hbm>>
      tpu.wait_dma2 semaphore(%arg17 : memref<!tpu.dma_semaphore, #tpu.memory_space<semaphore_mem>>) src(%dma_wait3A_279 : memref<128xi32, #tpu.memory_space<hbm>>) dst(%dma_wait3A_277 : memref<128xi32, #tpu.memory_space<vmem>>)
      %dma_wait3A_280 = arith.constant 1 : i32
      %dma_wait3A_281 = arith.constant 1 : i32
      %dma_wait3A_282 = arith.constant 0 : i32
      %dma_wait3A_283 = tpu.memref_slice %arg9[%dma_wait3A_280, %dma_wait3A_281, %dma_wait3A_282] : memref<2x2x128xi32, #tpu.memory_space<vmem>> -> memref<1x1x128xi32, #tpu.memory_space<vmem>>
      %dma_wait3A_284 = tpu.memref_squeeze %dma_wait3A_283 : memref<1x1x128xi32, #tpu.memory_space<vmem>> -> memref<128xi32, #tpu.memory_space<vmem>>
      %dma_wait3A_285 = arith.constant 0 : i32
      %dma_wait3A_286 = tpu.memref_slice %arg3[%dma_wait3A_285] : memref<640000xi32, #tpu.memory_space<hbm>> -> memref<128xi32, #tpu.memory_space<hbm>>
      %dma_wait3A_287 = arith.constant 0 : i32
      %dma_wait3A_288 = tpu.memref_slice %arg9[%dma_wait3A_280, %dma_wait3A_281, %dma_wait3A_287] : memref<2x2x128xi32, #tpu.memory_space<vmem>> -> memref<1x1x128xi32, #tpu.memory_space<vmem>>
      %dma_wait3A_289 = tpu.memref_squeeze %dma_wait3A_288 : memref<1x1x128xi32, #tpu.memory_space<vmem>> -> memref<128xi32, #tpu.memory_space<vmem>>
      %dma_wait3A_290 = arith.constant 0 : i32
      %dma_wait3A_291 = tpu.memref_slice %arg3[%dma_wait3A_290] : memref<640000xi32, #tpu.memory_space<hbm>> -> memref<128xi32, #tpu.memory_space<hbm>>
      tpu.wait_dma2 semaphore(%arg17 : memref<!tpu.dma_semaphore, #tpu.memory_space<semaphore_mem>>) src(%dma_wait3A_291 : memref<128xi32, #tpu.memory_space<hbm>>) dst(%dma_wait3A_289 : memref<128xi32, #tpu.memory_space<vmem>>)
      %dma_wait3A_292 = arith.constant 1 : i32
      %dma_wait3A_293 = arith.constant 1 : i32
      %dma_wait3A_294 = arith.constant 0 : i32
      %dma_wait3A_295 = tpu.memref_slice %arg10[%dma_wait3A_292, %dma_wait3A_293, %dma_wait3A_294] : memref<2x2x128xi32, #tpu.memory_space<vmem>> -> memref<1x1x128xi32, #tpu.memory_space<vmem>>
      %dma_wait3A_296 = tpu.memref_squeeze %dma_wait3A_295 : memref<1x1x128xi32, #tpu.memory_space<vmem>> -> memref<128xi32, #tpu.memory_space<vmem>>
      %dma_wait3A_297 = arith.constant 0 : i32
      %dma_wait3A_298 = tpu.memref_slice %arg4[%dma_wait3A_297] : memref<640000xi32, #tpu.memory_space<hbm>> -> memref<128xi32, #tpu.memory_space<hbm>>
      %dma_wait3A_299 = arith.constant 0 : i32
      %dma_wait3A_300 = tpu.memref_slice %arg10[%dma_wait3A_292, %dma_wait3A_293, %dma_wait3A_299] : memref<2x2x128xi32, #tpu.memory_space<vmem>> -> memref<1x1x128xi32, #tpu.memory_space<vmem>>
      %dma_wait3A_301 = tpu.memref_squeeze %dma_wait3A_300 : memref<1x1x128xi32, #tpu.memory_space<vmem>> -> memref<128xi32, #tpu.memory_space<vmem>>
      %dma_wait3A_302 = arith.constant 0 : i32
      %dma_wait3A_303 = tpu.memref_slice %arg4[%dma_wait3A_302] : memref<640000xi32, #tpu.memory_space<hbm>> -> memref<128xi32, #tpu.memory_space<hbm>>
      tpu.wait_dma2 semaphore(%arg17 : memref<!tpu.dma_semaphore, #tpu.memory_space<semaphore_mem>>) src(%dma_wait3A_303 : memref<128xi32, #tpu.memory_space<hbm>>) dst(%dma_wait3A_301 : memref<128xi32, #tpu.memory_space<vmem>>)
      %lt3A_304 = arith.constant 77 : i32
      %lt3A_305 = arith.cmpi slt, %add3A_255, %lt3A_304 : i32
      %convert_element_type3A_306 = arith.extui %lt3A_305 : i1 to i32
      %cond3A_307 = arith.constant 0 : i32
      %cond3A_308 = arith.cmpi ne, %convert_element_type3A_306, %cond3A_307 : i32
      scf.if %cond3A_308 {
        %add3A_397 = arith.constant 1 : i32
        %add3A_398 = arith.addi %add3A_255, %add3A_397 : i32
        %mul3A_399 = arith.constant 256 : i32
        %mul3A_400 = arith.muli %add3A_398, %mul3A_399 : i32
        %add3A_401 = arith.addi %multiple_of3A_7, %mul3A_400 : i32
        %multiple_of3A_402 = tpu.assume_multiple %add3A_401, 8 : i32
        %add3A_403 = arith.constant 0 : i32
        %add3A_404 = arith.addi %multiple_of3A_402, %add3A_403 : i32
        %multiple_of3A_405 = tpu.assume_multiple %add3A_404, 8 : i32
        %dma_start3A_406 = arith.constant 0 : i32
        %dma_start3A_407 = arith.constant 0 : i32
        %dma_start3A_408 = arith.constant 0 : i32
        %dma_start3A_409 = tpu.memref_slice %arg9[%dma_start3A_406, %dma_start3A_407, %dma_start3A_408] : memref<2x2x128xi32, #tpu.memory_space<vmem>> -> memref<1x1x128xi32, #tpu.memory_space<vmem>>
        %dma_start3A_410 = tpu.memref_squeeze %dma_start3A_409 : memref<1x1x128xi32, #tpu.memory_space<vmem>> -> memref<128xi32, #tpu.memory_space<vmem>>
        %dma_start3A_411 = tpu.memref_slice %arg3[%multiple_of3A_405] : memref<640000xi32, #tpu.memory_space<hbm>> -> memref<128xi32, #tpu.memory_space<hbm>>
        %dma_start3A_412 = arith.constant 0 : i32
        %dma_start3A_413 = tpu.memref_slice %arg9[%dma_start3A_406, %dma_start3A_407, %dma_start3A_412] : memref<2x2x128xi32, #tpu.memory_space<vmem>> -> memref<1x1x128xi32, #tpu.memory_space<vmem>>
        %dma_start3A_414 = tpu.memref_squeeze %dma_start3A_413 : memref<1x1x128xi32, #tpu.memory_space<vmem>> -> memref<128xi32, #tpu.memory_space<vmem>>
        %dma_start3A_415 = tpu.memref_slice %arg3[%multiple_of3A_405] : memref<640000xi32, #tpu.memory_space<hbm>> -> memref<128xi32, #tpu.memory_space<hbm>>
        tpu.enqueue_dma source(%dma_start3A_415 : memref<128xi32, #tpu.memory_space<hbm>>) target(%dma_start3A_414 : memref<128xi32, #tpu.memory_space<vmem>>) target_semaphore(%arg17 : memref<!tpu.dma_semaphore, #tpu.memory_space<semaphore_mem>>)
        %dma_start3A_416 = arith.constant 0 : i32
        %dma_start3A_417 = arith.constant 0 : i32
        %dma_start3A_418 = arith.constant 0 : i32
        %dma_start3A_419 = tpu.memref_slice %arg10[%dma_start3A_416, %dma_start3A_417, %dma_start3A_418] : memref<2x2x128xi32, #tpu.memory_space<vmem>> -> memref<1x1x128xi32, #tpu.memory_space<vmem>>
        %dma_start3A_420 = tpu.memref_squeeze %dma_start3A_419 : memref<1x1x128xi32, #tpu.memory_space<vmem>> -> memref<128xi32, #tpu.memory_space<vmem>>
        %dma_start3A_421 = tpu.memref_slice %arg4[%multiple_of3A_405] : memref<640000xi32, #tpu.memory_space<hbm>> -> memref<128xi32, #tpu.memory_space<hbm>>
        %dma_start3A_422 = arith.constant 0 : i32
        %dma_start3A_423 = tpu.memref_slice %arg10[%dma_start3A_416, %dma_start3A_417, %dma_start3A_422] : memref<2x2x128xi32, #tpu.memory_space<vmem>> -> memref<1x1x128xi32, #tpu.memory_space<vmem>>
        %dma_start3A_424 = tpu.memref_squeeze %dma_start3A_423 : memref<1x1x128xi32, #tpu.memory_space<vmem>> -> memref<128xi32, #tpu.memory_space<vmem>>
        %dma_start3A_425 = tpu.memref_slice %arg4[%multiple_of3A_405] : memref<640000xi32, #tpu.memory_space<hbm>> -> memref<128xi32, #tpu.memory_space<hbm>>
        tpu.enqueue_dma source(%dma_start3A_425 : memref<128xi32, #tpu.memory_space<hbm>>) target(%dma_start3A_424 : memref<128xi32, #tpu.memory_space<vmem>>) target_semaphore(%arg17 : memref<!tpu.dma_semaphore, #tpu.memory_space<semaphore_mem>>)
        %add3A_426 = arith.constant 128 : i32
        %add3A_427 = arith.addi %multiple_of3A_402, %add3A_426 : i32
        %multiple_of3A_428 = tpu.assume_multiple %add3A_427, 8 : i32
        %dma_start3A_429 = arith.constant 0 : i32
        %dma_start3A_430 = arith.constant 1 : i32
        %dma_start3A_431 = arith.constant 0 : i32
        %dma_start3A_432 = tpu.memref_slice %arg9[%dma_start3A_429, %dma_start3A_430, %dma_start3A_431] : memref<2x2x128xi32, #tpu.memory_space<vmem>> -> memref<1x1x128xi32, #tpu.memory_space<vmem>>
        %dma_start3A_433 = tpu.memref_squeeze %dma_start3A_432 : memref<1x1x128xi32, #tpu.memory_space<vmem>> -> memref<128xi32, #tpu.memory_space<vmem>>
        %dma_start3A_434 = tpu.memref_slice %arg3[%multiple_of3A_428] : memref<640000xi32, #tpu.memory_space<hbm>> -> memref<128xi32, #tpu.memory_space<hbm>>
        %dma_start3A_435 = arith.constant 0 : i32
        %dma_start3A_436 = tpu.memref_slice %arg9[%dma_start3A_429, %dma_start3A_430, %dma_start3A_435] : memref<2x2x128xi32, #tpu.memory_space<vmem>> -> memref<1x1x128xi32, #tpu.memory_space<vmem>>
        %dma_start3A_437 = tpu.memref_squeeze %dma_start3A_436 : memref<1x1x128xi32, #tpu.memory_space<vmem>> -> memref<128xi32, #tpu.memory_space<vmem>>
        %dma_start3A_438 = tpu.memref_slice %arg3[%multiple_of3A_428] : memref<640000xi32, #tpu.memory_space<hbm>> -> memref<128xi32, #tpu.memory_space<hbm>>
        tpu.enqueue_dma source(%dma_start3A_438 : memref<128xi32, #tpu.memory_space<hbm>>) target(%dma_start3A_437 : memref<128xi32, #tpu.memory_space<vmem>>) target_semaphore(%arg17 : memref<!tpu.dma_semaphore, #tpu.memory_space<semaphore_mem>>)
        %dma_start3A_439 = arith.constant 0 : i32
        %dma_start3A_440 = arith.constant 1 : i32
        %dma_start3A_441 = arith.constant 0 : i32
        %dma_start3A_442 = tpu.memref_slice %arg10[%dma_start3A_439, %dma_start3A_440, %dma_start3A_441] : memref<2x2x128xi32, #tpu.memory_space<vmem>> -> memref<1x1x128xi32, #tpu.memory_space<vmem>>
        %dma_start3A_443 = tpu.memref_squeeze %dma_start3A_442 : memref<1x1x128xi32, #tpu.memory_space<vmem>> -> memref<128xi32, #tpu.memory_space<vmem>>
        %dma_start3A_444 = tpu.memref_slice %arg4[%multiple_of3A_428] : memref<640000xi32, #tpu.memory_space<hbm>> -> memref<128xi32, #tpu.memory_space<hbm>>
        %dma_start3A_445 = arith.constant 0 : i32
        %dma_start3A_446 = tpu.memref_slice %arg10[%dma_start3A_439, %dma_start3A_440, %dma_start3A_445] : memref<2x2x128xi32, #tpu.memory_space<vmem>> -> memref<1x1x128xi32, #tpu.memory_space<vmem>>
        %dma_start3A_447 = tpu.memref_squeeze %dma_start3A_446 : memref<1x1x128xi32, #tpu.memory_space<vmem>> -> memref<128xi32, #tpu.memory_space<vmem>>
        %dma_start3A_448 = tpu.memref_slice %arg4[%multiple_of3A_428] : memref<640000xi32, #tpu.memory_space<hbm>> -> memref<128xi32, #tpu.memory_space<hbm>>
        tpu.enqueue_dma source(%dma_start3A_448 : memref<128xi32, #tpu.memory_space<hbm>>) target(%dma_start3A_447 : memref<128xi32, #tpu.memory_space<vmem>>) target_semaphore(%arg17 : memref<!tpu.dma_semaphore, #tpu.memory_space<semaphore_mem>>)
      } else {
      }
      %gt3A_309 = arith.constant 0 : i32
      %gt3A_310 = arith.cmpi sgt, %add3A_255, %gt3A_309 : i32
      %convert_element_type3A_311 = arith.extui %gt3A_310 : i1 to i32
      %cond3A_312 = arith.constant 0 : i32
      %cond3A_313 = arith.cmpi ne, %convert_element_type3A_311, %cond3A_312 : i32
      scf.if %cond3A_313 {
        %dma_wait3A_397 = arith.constant 0 : i32
        %dma_wait3A_398 = arith.constant 1 : i32
        %dma_wait3A_399 = arith.constant 0 : i32
        %dma_wait3A_400 = arith.constant 0 : i32
        %dma_wait3A_401 = arith.constant 0 : i32
        %dma_wait3A_402 = tpu.memref_slice %arg11[%dma_wait3A_397, %dma_wait3A_400, %dma_wait3A_401] : memref<2x128x128xf32, #tpu.memory_space<vmem>> -> memref<1x128x128xf32, #tpu.memory_space<vmem>>
        %dma_wait3A_403 = tpu.memref_squeeze %dma_wait3A_402 : memref<1x128x128xf32, #tpu.memory_space<vmem>> -> memref<128x128xf32, #tpu.memory_space<vmem>>
        %dma_wait3A_404 = arith.constant 0 : i32
        %dma_wait3A_405 = tpu.memref_slice %arg10[%dma_wait3A_398, %dma_wait3A_399, %dma_wait3A_404] : memref<2x2x128xi32, #tpu.memory_space<vmem>> -> memref<1x1x128xi32, #tpu.memory_space<vmem>>
        %dma_wait3A_406 = tpu.memref_squeeze %dma_wait3A_405 : memref<1x1x128xi32, #tpu.memory_space<vmem>> -> memref<128xi32, #tpu.memory_space<vmem>>
        %dma_wait3A_407 = arith.constant 0 : i32
        %dma_wait3A_408 = arith.constant 0 : i32
        %dma_wait3A_409 = tpu.memref_slice %arg16[%dma_wait3A_407, %dma_wait3A_408] : memref<10000x128xf32, #tpu.memory_space<vmem_shared>> -> memref<10000x128xf32, #tpu.memory_space<vmem_shared>>
        tpu.wait_indirect_dma semaphore(%arg20 : memref<!tpu.dma_semaphore, #tpu.memory_space<semaphore_mem>>) src(%dma_wait3A_403 : memref<128x128xf32, #tpu.memory_space<vmem>>) dst(%dma_wait3A_409 : memref<10000x128xf32, #tpu.memory_space<vmem_shared>>)
      } else {
      }
      %gt3A_314 = arith.constant 0 : i32
      %gt3A_315 = arith.cmpi sgt, %add3A_255, %gt3A_314 : i32
      %convert_element_type3A_316 = arith.extui %gt3A_315 : i1 to i32
      %cond3A_317 = arith.constant 0 : i32
      %cond3A_318 = arith.cmpi ne, %convert_element_type3A_316, %cond3A_317 : i32
      scf.if %cond3A_318 {
        %dma_wait3A_397 = arith.constant 1 : i32
        %dma_wait3A_398 = arith.constant 1 : i32
        %dma_wait3A_399 = arith.constant 1 : i32
        %dma_wait3A_400 = arith.constant 0 : i32
        %dma_wait3A_401 = arith.constant 0 : i32
        %dma_wait3A_402 = tpu.memref_slice %arg11[%dma_wait3A_397, %dma_wait3A_400, %dma_wait3A_401] : memref<2x128x128xf32, #tpu.memory_space<vmem>> -> memref<1x128x128xf32, #tpu.memory_space<vmem>>
        %dma_wait3A_403 = tpu.memref_squeeze %dma_wait3A_402 : memref<1x128x128xf32, #tpu.memory_space<vmem>> -> memref<128x128xf32, #tpu.memory_space<vmem>>
        %dma_wait3A_404 = arith.constant 0 : i32
        %dma_wait3A_405 = tpu.memref_slice %arg10[%dma_wait3A_398, %dma_wait3A_399, %dma_wait3A_404] : memref<2x2x128xi32, #tpu.memory_space<vmem>> -> memref<1x1x128xi32, #tpu.memory_space<vmem>>
        %dma_wait3A_406 = tpu.memref_squeeze %dma_wait3A_405 : memref<1x1x128xi32, #tpu.memory_space<vmem>> -> memref<128xi32, #tpu.memory_space<vmem>>
        %dma_wait3A_407 = arith.constant 0 : i32
        %dma_wait3A_408 = arith.constant 0 : i32
        %dma_wait3A_409 = tpu.memref_slice %arg16[%dma_wait3A_407, %dma_wait3A_408] : memref<10000x128xf32, #tpu.memory_space<vmem_shared>> -> memref<10000x128xf32, #tpu.memory_space<vmem_shared>>
        tpu.wait_indirect_dma semaphore(%arg21 : memref<!tpu.dma_semaphore, #tpu.memory_space<semaphore_mem>>) src(%dma_wait3A_403 : memref<128x128xf32, #tpu.memory_space<vmem>>) dst(%dma_wait3A_409 : memref<10000x128xf32, #tpu.memory_space<vmem_shared>>)
      } else {
      }
      %dma_start3A_319 = arith.constant 1 : i32
      %dma_start3A_320 = arith.constant 0 : i32
      %dma_start3A_321 = arith.constant 0 : i32
      %dma_start3A_322 = arith.constant 0 : i32
      %dma_start3A_323 = arith.constant 0 : i32
      %dma_start3A_324 = tpu.memref_slice %arg11[%dma_start3A_321, %dma_start3A_322, %dma_start3A_323] : memref<2x128x128xf32, #tpu.memory_space<vmem>> -> memref<1x128x128xf32, #tpu.memory_space<vmem>>
      %dma_start3A_325 = tpu.memref_squeeze %dma_start3A_324 : memref<1x128x128xf32, #tpu.memory_space<vmem>> -> memref<128x128xf32, #tpu.memory_space<vmem>>
      %dma_start3A_326 = arith.constant 0 : i32
      %dma_start3A_327 = tpu.memref_slice %arg9[%dma_start3A_319, %dma_start3A_320, %dma_start3A_326] : memref<2x2x128xi32, #tpu.memory_space<vmem>> -> memref<1x1x128xi32, #tpu.memory_space<vmem>>
      %dma_start3A_328 = tpu.memref_squeeze %dma_start3A_327 : memref<1x1x128xi32, #tpu.memory_space<vmem>> -> memref<128xi32, #tpu.memory_space<vmem>>
      %dma_start3A_329 = arith.constant 0 : i32
      %dma_start3A_330 = arith.constant 0 : i32
      %dma_start3A_331 = tpu.memref_slice %arg2[%dma_start3A_329, %dma_start3A_330] : memref<20000x128xf32, #tpu.memory_space<hbm>> -> memref<20000x128xf32, #tpu.memory_space<hbm>>
      tpu.enqueue_indirect_dma source(%dma_start3A_331 : memref<20000x128xf32, #tpu.memory_space<hbm>>) target(%dma_start3A_325 : memref<128x128xf32, #tpu.memory_space<vmem>>) offsets(%dma_start3A_328 : memref<128xi32, #tpu.memory_space<vmem>>) semaphore(%arg18 : memref<!tpu.dma_semaphore, #tpu.memory_space<semaphore_mem>>)
      %dma_start3A_332 = arith.constant 1 : i32
      %dma_start3A_333 = arith.constant 1 : i32
      %dma_start3A_334 = arith.constant 1 : i32
      %dma_start3A_335 = arith.constant 0 : i32
      %dma_start3A_336 = arith.constant 0 : i32
      %dma_start3A_337 = tpu.memref_slice %arg11[%dma_start3A_334, %dma_start3A_335, %dma_start3A_336] : memref<2x128x128xf32, #tpu.memory_space<vmem>> -> memref<1x128x128xf32, #tpu.memory_space<vmem>>
      %dma_start3A_338 = tpu.memref_squeeze %dma_start3A_337 : memref<1x128x128xf32, #tpu.memory_space<vmem>> -> memref<128x128xf32, #tpu.memory_space<vmem>>
      %dma_start3A_339 = arith.constant 0 : i32
      %dma_start3A_340 = tpu.memref_slice %arg9[%dma_start3A_332, %dma_start3A_333, %dma_start3A_339] : memref<2x2x128xi32, #tpu.memory_space<vmem>> -> memref<1x1x128xi32, #tpu.memory_space<vmem>>
      %dma_start3A_341 = tpu.memref_squeeze %dma_start3A_340 : memref<1x1x128xi32, #tpu.memory_space<vmem>> -> memref<128xi32, #tpu.memory_space<vmem>>
      %dma_start3A_342 = arith.constant 0 : i32
      %dma_start3A_343 = arith.constant 0 : i32
      %dma_start3A_344 = tpu.memref_slice %arg2[%dma_start3A_342, %dma_start3A_343] : memref<20000x128xf32, #tpu.memory_space<hbm>> -> memref<20000x128xf32, #tpu.memory_space<hbm>>
      tpu.enqueue_indirect_dma source(%dma_start3A_344 : memref<20000x128xf32, #tpu.memory_space<hbm>>) target(%dma_start3A_338 : memref<128x128xf32, #tpu.memory_space<vmem>>) offsets(%dma_start3A_341 : memref<128xi32, #tpu.memory_space<vmem>>) semaphore(%arg19 : memref<!tpu.dma_semaphore, #tpu.memory_space<semaphore_mem>>)
      %dma_wait3A_345 = arith.constant 1 : i32
      %dma_wait3A_346 = arith.constant 0 : i32
      %dma_wait3A_347 = arith.constant 0 : i32
      %dma_wait3A_348 = arith.constant 0 : i32
      %dma_wait3A_349 = arith.constant 0 : i32
      %dma_wait3A_350 = tpu.memref_slice %arg11[%dma_wait3A_347, %dma_wait3A_348, %dma_wait3A_349] : memref<2x128x128xf32, #tpu.memory_space<vmem>> -> memref<1x128x128xf32, #tpu.memory_space<vmem>>
      %dma_wait3A_351 = tpu.memref_squeeze %dma_wait3A_350 : memref<1x128x128xf32, #tpu.memory_space<vmem>> -> memref<128x128xf32, #tpu.memory_space<vmem>>
      %dma_wait3A_352 = arith.constant 0 : i32
      %dma_wait3A_353 = tpu.memref_slice %arg9[%dma_wait3A_345, %dma_wait3A_346, %dma_wait3A_352] : memref<2x2x128xi32, #tpu.memory_space<vmem>> -> memref<1x1x128xi32, #tpu.memory_space<vmem>>
      %dma_wait3A_354 = tpu.memref_squeeze %dma_wait3A_353 : memref<1x1x128xi32, #tpu.memory_space<vmem>> -> memref<128xi32, #tpu.memory_space<vmem>>
      %dma_wait3A_355 = arith.constant 0 : i32
      %dma_wait3A_356 = arith.constant 0 : i32
      %dma_wait3A_357 = tpu.memref_slice %arg2[%dma_wait3A_355, %dma_wait3A_356] : memref<20000x128xf32, #tpu.memory_space<hbm>> -> memref<20000x128xf32, #tpu.memory_space<hbm>>
      tpu.wait_indirect_dma semaphore(%arg18 : memref<!tpu.dma_semaphore, #tpu.memory_space<semaphore_mem>>) src(%dma_wait3A_357 : memref<20000x128xf32, #tpu.memory_space<hbm>>) dst(%dma_wait3A_351 : memref<128x128xf32, #tpu.memory_space<vmem>>)
      %dma_start3A_358 = arith.constant 0 : i32
      %dma_start3A_359 = arith.constant 1 : i32
      %dma_start3A_360 = arith.constant 0 : i32
      %dma_start3A_361 = arith.constant 0 : i32
      %dma_start3A_362 = arith.constant 0 : i32
      %dma_start3A_363 = tpu.memref_slice %arg11[%dma_start3A_358, %dma_start3A_361, %dma_start3A_362] : memref<2x128x128xf32, #tpu.memory_space<vmem>> -> memref<1x128x128xf32, #tpu.memory_space<vmem>>
      %dma_start3A_364 = tpu.memref_squeeze %dma_start3A_363 : memref<1x128x128xf32, #tpu.memory_space<vmem>> -> memref<128x128xf32, #tpu.memory_space<vmem>>
      %dma_start3A_365 = arith.constant 0 : i32
      %dma_start3A_366 = tpu.memref_slice %arg10[%dma_start3A_359, %dma_start3A_360, %dma_start3A_365] : memref<2x2x128xi32, #tpu.memory_space<vmem>> -> memref<1x1x128xi32, #tpu.memory_space<vmem>>
      %dma_start3A_367 = tpu.memref_squeeze %dma_start3A_366 : memref<1x1x128xi32, #tpu.memory_space<vmem>> -> memref<128xi32, #tpu.memory_space<vmem>>
      %dma_start3A_368 = arith.constant 0 : i32
      %dma_start3A_369 = arith.constant 0 : i32
      %dma_start3A_370 = tpu.memref_slice %arg16[%dma_start3A_368, %dma_start3A_369] : memref<10000x128xf32, #tpu.memory_space<vmem_shared>> -> memref<10000x128xf32, #tpu.memory_space<vmem_shared>>
      tpu.enqueue_indirect_dma source(%dma_start3A_364 : memref<128x128xf32, #tpu.memory_space<vmem>>) target(%dma_start3A_370 : memref<10000x128xf32, #tpu.memory_space<vmem_shared>>) offsets(%dma_start3A_367 : memref<128xi32, #tpu.memory_space<vmem>>) semaphore(%arg20 : memref<!tpu.dma_semaphore, #tpu.memory_space<semaphore_mem>>) {add = true}
      %dma_wait3A_371 = arith.constant 1 : i32
      %dma_wait3A_372 = arith.constant 1 : i32
      %dma_wait3A_373 = arith.constant 1 : i32
      %dma_wait3A_374 = arith.constant 0 : i32
      %dma_wait3A_375 = arith.constant 0 : i32
      %dma_wait3A_376 = tpu.memref_slice %arg11[%dma_wait3A_373, %dma_wait3A_374, %dma_wait3A_375] : memref<2x128x128xf32, #tpu.memory_space<vmem>> -> memref<1x128x128xf32, #tpu.memory_space<vmem>>
      %dma_wait3A_377 = tpu.memref_squeeze %dma_wait3A_376 : memref<1x128x128xf32, #tpu.memory_space<vmem>> -> memref<128x128xf32, #tpu.memory_space<vmem>>
      %dma_wait3A_378 = arith.constant 0 : i32
      %dma_wait3A_379 = tpu.memref_slice %arg9[%dma_wait3A_371, %dma_wait3A_372, %dma_wait3A_378] : memref<2x2x128xi32, #tpu.memory_space<vmem>> -> memref<1x1x128xi32, #tpu.memory_space<vmem>>
      %dma_wait3A_380 = tpu.memref_squeeze %dma_wait3A_379 : memref<1x1x128xi32, #tpu.memory_space<vmem>> -> memref<128xi32, #tpu.memory_space<vmem>>
      %dma_wait3A_381 = arith.constant 0 : i32
      %dma_wait3A_382 = arith.constant 0 : i32
      %dma_wait3A_383 = tpu.memref_slice %arg2[%dma_wait3A_381, %dma_wait3A_382] : memref<20000x128xf32, #tpu.memory_space<hbm>> -> memref<20000x128xf32, #tpu.memory_space<hbm>>
      tpu.wait_indirect_dma semaphore(%arg19 : memref<!tpu.dma_semaphore, #tpu.memory_space<semaphore_mem>>) src(%dma_wait3A_383 : memref<20000x128xf32, #tpu.memory_space<hbm>>) dst(%dma_wait3A_377 : memref<128x128xf32, #tpu.memory_space<vmem>>)
      %dma_start3A_384 = arith.constant 1 : i32
      %dma_start3A_385 = arith.constant 1 : i32
      %dma_start3A_386 = arith.constant 1 : i32
      %dma_start3A_387 = arith.constant 0 : i32
      %dma_start3A_388 = arith.constant 0 : i32
      %dma_start3A_389 = tpu.memref_slice %arg11[%dma_start3A_384, %dma_start3A_387, %dma_start3A_388] : memref<2x128x128xf32, #tpu.memory_space<vmem>> -> memref<1x128x128xf32, #tpu.memory_space<vmem>>
      %dma_start3A_390 = tpu.memref_squeeze %dma_start3A_389 : memref<1x128x128xf32, #tpu.memory_space<vmem>> -> memref<128x128xf32, #tpu.memory_space<vmem>>
      %dma_start3A_391 = arith.constant 0 : i32
      %dma_start3A_392 = tpu.memref_slice %arg10[%dma_start3A_385, %dma_start3A_386, %dma_start3A_391] : memref<2x2x128xi32, #tpu.memory_space<vmem>> -> memref<1x1x128xi32, #tpu.memory_space<vmem>>
      %dma_start3A_393 = tpu.memref_squeeze %dma_start3A_392 : memref<1x1x128xi32, #tpu.memory_space<vmem>> -> memref<128xi32, #tpu.memory_space<vmem>>
      %dma_start3A_394 = arith.constant 0 : i32
      %dma_start3A_395 = arith.constant 0 : i32
      %dma_start3A_396 = tpu.memref_slice %arg16[%dma_start3A_394, %dma_start3A_395] : memref<10000x128xf32, #tpu.memory_space<vmem_shared>> -> memref<10000x128xf32, #tpu.memory_space<vmem_shared>>
      tpu.enqueue_indirect_dma source(%dma_start3A_390 : memref<128x128xf32, #tpu.memory_space<vmem>>) target(%dma_start3A_396 : memref<10000x128xf32, #tpu.memory_space<vmem_shared>>) offsets(%dma_start3A_393 : memref<128xi32, #tpu.memory_space<vmem>>) semaphore(%arg21 : memref<!tpu.dma_semaphore, #tpu.memory_space<semaphore_mem>>) {add = true}
    }
    %scan3A_61 = arith.constant 39 : i32
    %add3A_62 = arith.constant 19968 : i32
    %add3A_63 = arith.addi %multiple_of3A_7, %add3A_62 : i32
    %multiple_of3A_64 = tpu.assume_multiple %add3A_63, 8 : i32
    %dma_start3A_65 = tpu.memref_slice %arg3[%multiple_of3A_64] : memref<640000xi32, #tpu.memory_space<hbm>> -> memref<32xi32, #tpu.memory_space<hbm>>
    %dma_start3A_66 = tpu.memref_slice %arg3[%multiple_of3A_64] : memref<640000xi32, #tpu.memory_space<hbm>> -> memref<32xi32, #tpu.memory_space<hbm>>
    tpu.enqueue_dma source(%dma_start3A_66 : memref<32xi32, #tpu.memory_space<hbm>>) target(%arg12 : memref<32xi32, #tpu.memory_space<vmem>>) target_semaphore(%arg17 : memref<!tpu.dma_semaphore, #tpu.memory_space<semaphore_mem>>)
    %dma_start3A_67 = tpu.memref_slice %arg4[%multiple_of3A_64] : memref<640000xi32, #tpu.memory_space<hbm>> -> memref<32xi32, #tpu.memory_space<hbm>>
    %dma_start3A_68 = tpu.memref_slice %arg4[%multiple_of3A_64] : memref<640000xi32, #tpu.memory_space<hbm>> -> memref<32xi32, #tpu.memory_space<hbm>>
    tpu.enqueue_dma source(%dma_start3A_68 : memref<32xi32, #tpu.memory_space<hbm>>) target(%arg13 : memref<32xi32, #tpu.memory_space<vmem>>) target_semaphore(%arg17 : memref<!tpu.dma_semaphore, #tpu.memory_space<semaphore_mem>>)
    %dma_wait3A = tpu.memref_slice %arg3[%multiple_of3A_64] : memref<640000xi32, #tpu.memory_space<hbm>> -> memref<32xi32, #tpu.memory_space<hbm>>
    %dma_wait3A_69 = tpu.memref_slice %arg3[%multiple_of3A_64] : memref<640000xi32, #tpu.memory_space<hbm>> -> memref<32xi32, #tpu.memory_space<hbm>>
    tpu.wait_dma2 semaphore(%arg17 : memref<!tpu.dma_semaphore, #tpu.memory_space<semaphore_mem>>) src(%dma_wait3A_69 : memref<32xi32, #tpu.memory_space<hbm>>) dst(%arg12 : memref<32xi32, #tpu.memory_space<vmem>>)
    %dma_wait3A_70 = tpu.memref_slice %arg4[%multiple_of3A_64] : memref<640000xi32, #tpu.memory_space<hbm>> -> memref<32xi32, #tpu.memory_space<hbm>>
    %dma_wait3A_71 = tpu.memref_slice %arg4[%multiple_of3A_64] : memref<640000xi32, #tpu.memory_space<hbm>> -> memref<32xi32, #tpu.memory_space<hbm>>
    tpu.wait_dma2 semaphore(%arg17 : memref<!tpu.dma_semaphore, #tpu.memory_space<semaphore_mem>>) src(%dma_wait3A_71 : memref<32xi32, #tpu.memory_space<hbm>>) dst(%arg13 : memref<32xi32, #tpu.memory_space<vmem>>)
    %dma_start3A_72 = arith.constant 0 : i32
    %dma_start3A_73 = arith.constant 0 : i32
    %dma_start3A_74 = tpu.memref_slice %arg2[%dma_start3A_72, %dma_start3A_73] : memref<20000x128xf32, #tpu.memory_space<hbm>> -> memref<20000x128xf32, #tpu.memory_space<hbm>>
    tpu.enqueue_indirect_dma source(%dma_start3A_74 : memref<20000x128xf32, #tpu.memory_space<hbm>>) target(%arg14 : memref<32x128xf32, #tpu.memory_space<vmem>>) offsets(%arg12 : memref<32xi32, #tpu.memory_space<vmem>>) semaphore(%arg17 : memref<!tpu.dma_semaphore, #tpu.memory_space<semaphore_mem>>)
    %dma_wait3A_75 = arith.constant 0 : i32
    %dma_wait3A_76 = arith.constant 0 : i32
    %dma_wait3A_77 = tpu.memref_slice %arg2[%dma_wait3A_75, %dma_wait3A_76] : memref<20000x128xf32, #tpu.memory_space<hbm>> -> memref<20000x128xf32, #tpu.memory_space<hbm>>
    tpu.wait_indirect_dma semaphore(%arg17 : memref<!tpu.dma_semaphore, #tpu.memory_space<semaphore_mem>>) src(%dma_wait3A_77 : memref<20000x128xf32, #tpu.memory_space<hbm>>) dst(%arg14 : memref<32x128xf32, #tpu.memory_space<vmem>>)
    "tpu.region"() ({
      %run_scoped3A = tpu.sem_alloc : memref<!tpu.dma_semaphore, #tpu.memory_space<semaphore_mem>>
      %dma_start3A_110 = arith.constant 0 : i32
      %dma_start3A_111 = arith.constant 0 : i32
      %dma_start3A_112 = tpu.memref_slice %arg16[%dma_start3A_110, %dma_start3A_111] : memref<10000x128xf32, #tpu.memory_space<vmem_shared>> -> memref<10000x128xf32, #tpu.memory_space<vmem_shared>>
      tpu.enqueue_indirect_dma source(%arg14 : memref<32x128xf32, #tpu.memory_space<vmem>>) target(%dma_start3A_112 : memref<10000x128xf32, #tpu.memory_space<vmem_shared>>) offsets(%arg13 : memref<32xi32, #tpu.memory_space<vmem>>) semaphore(%run_scoped3A : memref<!tpu.dma_semaphore, #tpu.memory_space<semaphore_mem>>) {add = true}
      %dma_wait3A_113 = arith.constant 0 : i32
      %dma_wait3A_114 = arith.constant 0 : i32
      %dma_wait3A_115 = tpu.memref_slice %arg16[%dma_wait3A_113, %dma_wait3A_114] : memref<10000x128xf32, #tpu.memory_space<vmem_shared>> -> memref<10000x128xf32, #tpu.memory_space<vmem_shared>>
      tpu.wait_indirect_dma semaphore(%run_scoped3A : memref<!tpu.dma_semaphore, #tpu.memory_space<semaphore_mem>>) src(%arg14 : memref<32x128xf32, #tpu.memory_space<vmem>>) dst(%dma_wait3A_115 : memref<10000x128xf32, #tpu.memory_space<vmem_shared>>)
      tpu.yield
    }) : () -> ()
    %dma_wait3A_78 = arith.constant 0 : i32
    %dma_wait3A_79 = arith.constant 1 : i32
    %dma_wait3A_80 = arith.constant 0 : i32
    %dma_wait3A_81 = arith.constant 0 : i32
    %dma_wait3A_82 = arith.constant 0 : i32
    %dma_wait3A_83 = tpu.memref_slice %arg11[%dma_wait3A_78, %dma_wait3A_81, %dma_wait3A_82] : memref<2x128x128xf32, #tpu.memory_space<vmem>> -> memref<1x128x128xf32, #tpu.memory_space<vmem>>
    %dma_wait3A_84 = tpu.memref_squeeze %dma_wait3A_83 : memref<1x128x128xf32, #tpu.memory_space<vmem>> -> memref<128x128xf32, #tpu.memory_space<vmem>>
    %dma_wait3A_85 = arith.constant 0 : i32
    %dma_wait3A_86 = tpu.memref_slice %arg10[%dma_wait3A_79, %dma_wait3A_80, %dma_wait3A_85] : memref<2x2x128xi32, #tpu.memory_space<vmem>> -> memref<1x1x128xi32, #tpu.memory_space<vmem>>
    %dma_wait3A_87 = tpu.memref_squeeze %dma_wait3A_86 : memref<1x1x128xi32, #tpu.memory_space<vmem>> -> memref<128xi32, #tpu.memory_space<vmem>>
    %dma_wait3A_88 = arith.constant 0 : i32
    %dma_wait3A_89 = arith.constant 0 : i32
    %dma_wait3A_90 = tpu.memref_slice %arg16[%dma_wait3A_88, %dma_wait3A_89] : memref<10000x128xf32, #tpu.memory_space<vmem_shared>> -> memref<10000x128xf32, #tpu.memory_space<vmem_shared>>
    tpu.wait_indirect_dma semaphore(%arg20 : memref<!tpu.dma_semaphore, #tpu.memory_space<semaphore_mem>>) src(%dma_wait3A_84 : memref<128x128xf32, #tpu.memory_space<vmem>>) dst(%dma_wait3A_90 : memref<10000x128xf32, #tpu.memory_space<vmem_shared>>)
    %dma_wait3A_91 = arith.constant 1 : i32
    %dma_wait3A_92 = arith.constant 1 : i32
    %dma_wait3A_93 = arith.constant 1 : i32
    %dma_wait3A_94 = arith.constant 0 : i32
    %dma_wait3A_95 = arith.constant 0 : i32
    %dma_wait3A_96 = tpu.memref_slice %arg11[%dma_wait3A_91, %dma_wait3A_94, %dma_wait3A_95] : memref<2x128x128xf32, #tpu.memory_space<vmem>> -> memref<1x128x128xf32, #tpu.memory_space<vmem>>
    %dma_wait3A_97 = tpu.memref_squeeze %dma_wait3A_96 : memref<1x128x128xf32, #tpu.memory_space<vmem>> -> memref<128x128xf32, #tpu.memory_space<vmem>>
    %dma_wait3A_98 = arith.constant 0 : i32
    %dma_wait3A_99 = tpu.memref_slice %arg10[%dma_wait3A_92, %dma_wait3A_93, %dma_wait3A_98] : memref<2x2x128xi32, #tpu.memory_space<vmem>> -> memref<1x1x128xi32, #tpu.memory_space<vmem>>
    %dma_wait3A_100 = tpu.memref_squeeze %dma_wait3A_99 : memref<1x1x128xi32, #tpu.memory_space<vmem>> -> memref<128xi32, #tpu.memory_space<vmem>>
    %dma_wait3A_101 = arith.constant 0 : i32
    %dma_wait3A_102 = arith.constant 0 : i32
    %dma_wait3A_103 = tpu.memref_slice %arg16[%dma_wait3A_101, %dma_wait3A_102] : memref<10000x128xf32, #tpu.memory_space<vmem_shared>> -> memref<10000x128xf32, #tpu.memory_space<vmem_shared>>
    tpu.wait_indirect_dma semaphore(%arg21 : memref<!tpu.dma_semaphore, #tpu.memory_space<semaphore_mem>>) src(%dma_wait3A_97 : memref<128x128xf32, #tpu.memory_space<vmem>>) dst(%dma_wait3A_103 : memref<10000x128xf32, #tpu.memory_space<vmem_shared>>)
    %barrier3A_104 = arith.constant 0 : index
    tpu.barrier barrier_id(%barrier3A_104)
    "tpu.region"() ({
      %run_scoped3A = tpu.sem_alloc : memref<!tpu.dma_semaphore, #tpu.memory_space<semaphore_mem>>
      %dma_start3A_110 = arith.constant 0 : i32
      %dma_start3A_111 = tpu.memref_slice %arg7[%arg0, %multiple_of3A, %dma_start3A_110] : memref<2x10000x128xf32, #tpu.memory_space<hbm>> -> memref<1x624x128xf32, #tpu.memory_space<hbm>>
      %dma_start3A_112 = tpu.memref_squeeze %dma_start3A_111 : memref<1x624x128xf32, #tpu.memory_space<hbm>> -> memref<624x128xf32, #tpu.memory_space<hbm>>
      %dma_start3A_113 = arith.constant 0 : i32
      %dma_start3A_114 = tpu.memref_slice %arg16[%multiple_of3A, %dma_start3A_113] : memref<10000x128xf32, #tpu.memory_space<vmem_shared>> -> memref<624x128xf32, #tpu.memory_space<vmem_shared>>
      tpu.enqueue_dma source(%dma_start3A_114 : memref<624x128xf32, #tpu.memory_space<vmem_shared>>) target(%dma_start3A_112 : memref<624x128xf32, #tpu.memory_space<hbm>>) target_semaphore(%run_scoped3A : memref<!tpu.dma_semaphore, #tpu.memory_space<semaphore_mem>>)
      %dma_wait3A_115 = arith.constant 0 : i32
      %dma_wait3A_116 = tpu.memref_slice %arg7[%arg0, %multiple_of3A, %dma_wait3A_115] : memref<2x10000x128xf32, #tpu.memory_space<hbm>> -> memref<1x624x128xf32, #tpu.memory_space<hbm>>
      %dma_wait3A_117 = tpu.memref_squeeze %dma_wait3A_116 : memref<1x624x128xf32, #tpu.memory_space<hbm>> -> memref<624x128xf32, #tpu.memory_space<hbm>>
      %dma_wait3A_118 = arith.constant 0 : i32
      %dma_wait3A_119 = tpu.memref_slice %arg16[%multiple_of3A, %dma_wait3A_118] : memref<10000x128xf32, #tpu.memory_space<vmem_shared>> -> memref<624x128xf32, #tpu.memory_space<vmem_shared>>
      tpu.wait_dma2 semaphore(%run_scoped3A : memref<!tpu.dma_semaphore, #tpu.memory_space<semaphore_mem>>) src(%dma_wait3A_119 : memref<624x128xf32, #tpu.memory_space<vmem_shared>>) dst(%dma_wait3A_117 : memref<624x128xf32, #tpu.memory_space<hbm>>)
      tpu.yield
    }) : () -> ()
    %eq3A_105 = arith.constant 15 : i32
    %eq3A_106 = arith.cmpi eq, %arg1, %eq3A_105 : i32
    %convert_element_type3A_107 = arith.extui %eq3A_106 : i1 to i32
    %cond3A_108 = arith.constant 0 : i32
    %cond3A_109 = arith.cmpi ne, %convert_element_type3A_107, %cond3A_108 : i32
    scf.if %cond3A_109 {
      "tpu.region"() ({
        %run_scoped3A = tpu.sem_alloc : memref<!tpu.dma_semaphore, #tpu.memory_space<semaphore_mem>>
        %dma_start3A_110 = arith.constant 9984 : i32
        %dma_start3A_111 = arith.constant 0 : i32
        %dma_start3A_112 = tpu.memref_slice %arg7[%arg0, %dma_start3A_110, %dma_start3A_111] : memref<2x10000x128xf32, #tpu.memory_space<hbm>> -> memref<1x16x128xf32, #tpu.memory_space<hbm>>
        %dma_start3A_113 = tpu.memref_squeeze %dma_start3A_112 : memref<1x16x128xf32, #tpu.memory_space<hbm>> -> memref<16x128xf32, #tpu.memory_space<hbm>>
        %dma_start3A_114 = arith.constant 9984 : i32
        %dma_start3A_115 = arith.constant 0 : i32
        %dma_start3A_116 = tpu.memref_slice %arg16[%dma_start3A_114, %dma_start3A_115] : memref<10000x128xf32, #tpu.memory_space<vmem_shared>> -> memref<16x128xf32, #tpu.memory_space<vmem_shared>>
        tpu.enqueue_dma source(%dma_start3A_116 : memref<16x128xf32, #tpu.memory_space<vmem_shared>>) target(%dma_start3A_113 : memref<16x128xf32, #tpu.memory_space<hbm>>) target_semaphore(%run_scoped3A : memref<!tpu.dma_semaphore, #tpu.memory_space<semaphore_mem>>)
        %dma_wait3A_117 = arith.constant 9984 : i32
        %dma_wait3A_118 = arith.constant 0 : i32
        %dma_wait3A_119 = tpu.memref_slice %arg7[%arg0, %dma_wait3A_117, %dma_wait3A_118] : memref<2x10000x128xf32, #tpu.memory_space<hbm>> -> memref<1x16x128xf32, #tpu.memory_space<hbm>>
        %dma_wait3A_120 = tpu.memref_squeeze %dma_wait3A_119 : memref<1x16x128xf32, #tpu.memory_space<hbm>> -> memref<16x128xf32, #tpu.memory_space<hbm>>
        %dma_wait3A_121 = arith.constant 9984 : i32
        %dma_wait3A_122 = arith.constant 0 : i32
        %dma_wait3A_123 = tpu.memref_slice %arg16[%dma_wait3A_121, %dma_wait3A_122] : memref<10000x128xf32, #tpu.memory_space<vmem_shared>> -> memref<16x128xf32, #tpu.memory_space<vmem_shared>>
        tpu.wait_dma2 semaphore(%run_scoped3A : memref<!tpu.dma_semaphore, #tpu.memory_space<semaphore_mem>>) src(%dma_wait3A_123 : memref<16x128xf32, #tpu.memory_space<vmem_shared>>) dst(%dma_wait3A_120 : memref<16x128xf32, #tpu.memory_space<hbm>>)
        tpu.yield
      }) : () -> ()
    } else {
    }
    return
  }
}

#map = affine_map<(d0, d1) -> (0, 0)>
#map1 = affine_map<(d0, d1) -> (0)>
#map2 = affine_map<(d0, d1) -> (0, 0, 0)>
module attributes {stable_mosaic.version = 14 : i64} {
  func.func @_spmm_body(%arg0: i32, %arg1: i32, %arg2: memref<20000x128xf32, #tpu.memory_space<hbm>>, %arg3: memref<640000xi32, #tpu.memory_space<hbm>>, %arg4: memref<640000xi32, #tpu.memory_space<hbm>>, %arg5: memref<10000x128xf32, #tpu.memory_space<hbm>>, %arg6: memref<10000xf32, #tpu.memory_space<hbm>>, %arg7: memref<2x10000x128xf32, #tpu.memory_space<hbm>>, %arg8: memref<320000xf32, #tpu.memory_space<hbm>>, %arg9: memref<2x2x128xi32, #tpu.memory_space<vmem>>, %arg10: memref<2x2x128xi32, #tpu.memory_space<vmem>>, %arg11: memref<2x128x128xf32, #tpu.memory_space<vmem>>, %arg12: memref<32xi32, #tpu.memory_space<vmem>>, %arg13: memref<32xi32, #tpu.memory_space<vmem>>, %arg14: memref<32x128xf32, #tpu.memory_space<vmem>>, %arg15: memref<10000xf32, #tpu.memory_space<vmem>>, %arg16: memref<10000x128xf32, #tpu.memory_space<vmem_shared>>, %arg17: memref<!tpu.dma_semaphore, #tpu.memory_space<semaphore_mem>>, %arg18: memref<!tpu.dma_semaphore, #tpu.memory_space<semaphore_mem>>, %arg19: memref<!tpu.dma_semaphore, #tpu.memory_space<semaphore_mem>>, %arg20: memref<!tpu.dma_semaphore, #tpu.memory_space<semaphore_mem>>, %arg21: memref<!tpu.dma_semaphore, #tpu.memory_space<semaphore_mem>>) attributes {dimension_semantics = [#tpu.dimension_semantics<core_parallel>, #tpu.dimension_semantics<subcore_parallel>], iteration_bounds = array<i64: 2, 16>, scalar_prefetch = 0 : i64, scratch_operands = 13 : i64, tpu.core_type = #tpu.core_type<sc_vector_subcore>, window_params = [{transform_indices = #map}, {transform_indices = #map1}, {transform_indices = #map1}, {transform_indices = #map}, {transform_indices = #map1}, {transform_indices = #map2}, {transform_indices = #map1}]} {
    %mul3A = arith.constant 624 : i32
    %mul3A_0 = arith.muli %arg1, %mul3A : i32
    %multiple_of3A = tpu.assume_multiple %mul3A_0, 8 : i32
    "tpu.region"() ({
      %run_scoped3A = tpu.sem_alloc : memref<!tpu.dma_semaphore, #tpu.memory_space<semaphore_mem>>
      %dma_start3A_118 = arith.constant 0 : i32
      %dma_start3A_119 = tpu.memref_slice %arg16[%multiple_of3A, %dma_start3A_118] : memref<10000x128xf32, #tpu.memory_space<vmem_shared>> -> memref<624x128xf32, #tpu.memory_space<vmem_shared>>
      %dma_start3A_120 = arith.constant 0 : i32
      %dma_start3A_121 = tpu.memref_slice %arg5[%multiple_of3A, %dma_start3A_120] : memref<10000x128xf32, #tpu.memory_space<hbm>> -> memref<624x128xf32, #tpu.memory_space<hbm>>
      tpu.enqueue_dma source(%dma_start3A_121 : memref<624x128xf32, #tpu.memory_space<hbm>>) target(%dma_start3A_119 : memref<624x128xf32, #tpu.memory_space<vmem_shared>>) target_semaphore(%run_scoped3A : memref<!tpu.dma_semaphore, #tpu.memory_space<semaphore_mem>>)
      %dma_wait3A_122 = arith.constant 0 : i32
      %dma_wait3A_123 = tpu.memref_slice %arg16[%multiple_of3A, %dma_wait3A_122] : memref<10000x128xf32, #tpu.memory_space<vmem_shared>> -> memref<624x128xf32, #tpu.memory_space<vmem_shared>>
      %dma_wait3A_124 = arith.constant 0 : i32
      %dma_wait3A_125 = tpu.memref_slice %arg5[%multiple_of3A, %dma_wait3A_124] : memref<10000x128xf32, #tpu.memory_space<hbm>> -> memref<624x128xf32, #tpu.memory_space<hbm>>
      tpu.wait_dma2 semaphore(%run_scoped3A : memref<!tpu.dma_semaphore, #tpu.memory_space<semaphore_mem>>) src(%dma_wait3A_125 : memref<624x128xf32, #tpu.memory_space<hbm>>) dst(%dma_wait3A_123 : memref<624x128xf32, #tpu.memory_space<vmem_shared>>)
      tpu.yield
    }) : () -> ()
    "tpu.region"() ({
      %run_scoped3A = tpu.sem_alloc : memref<!tpu.dma_semaphore, #tpu.memory_space<semaphore_mem>>
      tpu.enqueue_dma source(%arg6 : memref<10000xf32, #tpu.memory_space<hbm>>) target(%arg15 : memref<10000xf32, #tpu.memory_space<vmem>>) target_semaphore(%run_scoped3A : memref<!tpu.dma_semaphore, #tpu.memory_space<semaphore_mem>>)
      tpu.wait_dma2 semaphore(%run_scoped3A : memref<!tpu.dma_semaphore, #tpu.memory_space<semaphore_mem>>) src(%arg6 : memref<10000xf32, #tpu.memory_space<hbm>>) dst(%arg15 : memref<10000xf32, #tpu.memory_space<vmem>>)
      tpu.yield
    }) : () -> ()
    %eq3A = arith.constant 15 : i32
    %eq3A_1 = arith.cmpi eq, %arg1, %eq3A : i32
    %convert_element_type3A = arith.extui %eq3A_1 : i1 to i32
    %cond3A = arith.constant 0 : i32
    %cond3A_2 = arith.cmpi ne, %convert_element_type3A, %cond3A : i32
    scf.if %cond3A_2 {
      "tpu.region"() ({
        %run_scoped3A = tpu.sem_alloc : memref<!tpu.dma_semaphore, #tpu.memory_space<semaphore_mem>>
        %dma_start3A_118 = arith.constant 9984 : i32
        %dma_start3A_119 = arith.constant 0 : i32
        %dma_start3A_120 = tpu.memref_slice %arg16[%dma_start3A_118, %dma_start3A_119] : memref<10000x128xf32, #tpu.memory_space<vmem_shared>> -> memref<16x128xf32, #tpu.memory_space<vmem_shared>>
        %dma_start3A_121 = arith.constant 9984 : i32
        %dma_start3A_122 = arith.constant 0 : i32
        %dma_start3A_123 = tpu.memref_slice %arg5[%dma_start3A_121, %dma_start3A_122] : memref<10000x128xf32, #tpu.memory_space<hbm>> -> memref<16x128xf32, #tpu.memory_space<hbm>>
        tpu.enqueue_dma source(%dma_start3A_123 : memref<16x128xf32, #tpu.memory_space<hbm>>) target(%dma_start3A_120 : memref<16x128xf32, #tpu.memory_space<vmem_shared>>) target_semaphore(%run_scoped3A : memref<!tpu.dma_semaphore, #tpu.memory_space<semaphore_mem>>)
        %dma_wait3A_124 = arith.constant 9984 : i32
        %dma_wait3A_125 = arith.constant 0 : i32
        %dma_wait3A_126 = tpu.memref_slice %arg16[%dma_wait3A_124, %dma_wait3A_125] : memref<10000x128xf32, #tpu.memory_space<vmem_shared>> -> memref<16x128xf32, #tpu.memory_space<vmem_shared>>
        %dma_wait3A_127 = arith.constant 9984 : i32
        %dma_wait3A_128 = arith.constant 0 : i32
        %dma_wait3A_129 = tpu.memref_slice %arg5[%dma_wait3A_127, %dma_wait3A_128] : memref<10000x128xf32, #tpu.memory_space<hbm>> -> memref<16x128xf32, #tpu.memory_space<hbm>>
        tpu.wait_dma2 semaphore(%run_scoped3A : memref<!tpu.dma_semaphore, #tpu.memory_space<semaphore_mem>>) src(%dma_wait3A_129 : memref<16x128xf32, #tpu.memory_space<hbm>>) dst(%dma_wait3A_126 : memref<16x128xf32, #tpu.memory_space<vmem_shared>>)
        tpu.yield
      }) : () -> ()
    } else {
    }
    %barrier3A = arith.constant 0 : index
    tpu.barrier barrier_id(%barrier3A)
    %mul3A_3 = arith.constant 320000 : i32
    %mul3A_4 = arith.muli %arg0, %mul3A_3 : i32
    %mul3A_5 = arith.constant 20000 : i32
    %mul3A_6 = arith.muli %arg1, %mul3A_5 : i32
    %add3A = arith.addi %mul3A_4, %mul3A_6 : i32
    %multiple_of3A_7 = tpu.assume_multiple %add3A, 8 : i32
    %broadcast_in_dim3A = arith.constant 1.000000e+00 : f32
    %broadcast_in_dim3A_8 = vector.broadcast %broadcast_in_dim3A : f32 to vector<16xf32>
    %add3A_9 = arith.constant 0 : i32
    %add3A_10 = arith.addi %multiple_of3A_7, %add3A_9 : i32
    %multiple_of3A_11 = tpu.assume_multiple %add3A_10, 8 : i32
    %add3A_12 = arith.constant 0 : i32
    %add3A_13 = arith.addi %multiple_of3A_11, %add3A_12 : i32
    %multiple_of3A_14 = tpu.assume_multiple %add3A_13, 8 : i32
    %dma_start3A = arith.constant 0 : i32
    %dma_start3A_15 = arith.constant 0 : i32
    %dma_start3A_16 = arith.constant 0 : i32
    %dma_start3A_17 = tpu.memref_slice %arg9[%dma_start3A, %dma_start3A_15, %dma_start3A_16] : memref<2x2x128xi32, #tpu.memory_space<vmem>> -> memref<1x1x128xi32, #tpu.memory_space<vmem>>
    %dma_start3A_18 = tpu.memref_squeeze %dma_start3A_17 : memref<1x1x128xi32, #tpu.memory_space<vmem>> -> memref<128xi32, #tpu.memory_space<vmem>>
    %dma_start3A_19 = tpu.memref_slice %arg3[%multiple_of3A_14] : memref<640000xi32, #tpu.memory_space<hbm>> -> memref<128xi32, #tpu.memory_space<hbm>>
    %dma_start3A_20 = arith.constant 0 : i32
    %dma_start3A_21 = tpu.memref_slice %arg9[%dma_start3A, %dma_start3A_15, %dma_start3A_20] : memref<2x2x128xi32, #tpu.memory_space<vmem>> -> memref<1x1x128xi32, #tpu.memory_space<vmem>>
    %dma_start3A_22 = tpu.memref_squeeze %dma_start3A_21 : memref<1x1x128xi32, #tpu.memory_space<vmem>> -> memref<128xi32, #tpu.memory_space<vmem>>
    %dma_start3A_23 = tpu.memref_slice %arg3[%multiple_of3A_14] : memref<640000xi32, #tpu.memory_space<hbm>> -> memref<128xi32, #tpu.memory_space<hbm>>
    tpu.enqueue_dma source(%dma_start3A_23 : memref<128xi32, #tpu.memory_space<hbm>>) target(%dma_start3A_22 : memref<128xi32, #tpu.memory_space<vmem>>) target_semaphore(%arg17 : memref<!tpu.dma_semaphore, #tpu.memory_space<semaphore_mem>>)
    %dma_start3A_24 = arith.constant 0 : i32
    %dma_start3A_25 = arith.constant 0 : i32
    %dma_start3A_26 = arith.constant 0 : i32
    %dma_start3A_27 = tpu.memref_slice %arg10[%dma_start3A_24, %dma_start3A_25, %dma_start3A_26] : memref<2x2x128xi32, #tpu.memory_space<vmem>> -> memref<1x1x128xi32, #tpu.memory_space<vmem>>
    %dma_start3A_28 = tpu.memref_squeeze %dma_start3A_27 : memref<1x1x128xi32, #tpu.memory_space<vmem>> -> memref<128xi32, #tpu.memory_space<vmem>>
    %dma_start3A_29 = tpu.memref_slice %arg4[%multiple_of3A_14] : memref<640000xi32, #tpu.memory_space<hbm>> -> memref<128xi32, #tpu.memory_space<hbm>>
    %dma_start3A_30 = arith.constant 0 : i32
    %dma_start3A_31 = tpu.memref_slice %arg10[%dma_start3A_24, %dma_start3A_25, %dma_start3A_30] : memref<2x2x128xi32, #tpu.memory_space<vmem>> -> memref<1x1x128xi32, #tpu.memory_space<vmem>>
    %dma_start3A_32 = tpu.memref_squeeze %dma_start3A_31 : memref<1x1x128xi32, #tpu.memory_space<vmem>> -> memref<128xi32, #tpu.memory_space<vmem>>
    %dma_start3A_33 = tpu.memref_slice %arg4[%multiple_of3A_14] : memref<640000xi32, #tpu.memory_space<hbm>> -> memref<128xi32, #tpu.memory_space<hbm>>
    tpu.enqueue_dma source(%dma_start3A_33 : memref<128xi32, #tpu.memory_space<hbm>>) target(%dma_start3A_32 : memref<128xi32, #tpu.memory_space<vmem>>) target_semaphore(%arg17 : memref<!tpu.dma_semaphore, #tpu.memory_space<semaphore_mem>>)
    %add3A_34 = arith.constant 128 : i32
    %add3A_35 = arith.addi %multiple_of3A_11, %add3A_34 : i32
    %multiple_of3A_36 = tpu.assume_multiple %add3A_35, 8 : i32
    %dma_start3A_37 = arith.constant 0 : i32
    %dma_start3A_38 = arith.constant 1 : i32
    %dma_start3A_39 = arith.constant 0 : i32
    %dma_start3A_40 = tpu.memref_slice %arg9[%dma_start3A_37, %dma_start3A_38, %dma_start3A_39] : memref<2x2x128xi32, #tpu.memory_space<vmem>> -> memref<1x1x128xi32, #tpu.memory_space<vmem>>
    %dma_start3A_41 = tpu.memref_squeeze %dma_start3A_40 : memref<1x1x128xi32, #tpu.memory_space<vmem>> -> memref<128xi32, #tpu.memory_space<vmem>>
    %dma_start3A_42 = tpu.memref_slice %arg3[%multiple_of3A_36] : memref<640000xi32, #tpu.memory_space<hbm>> -> memref<128xi32, #tpu.memory_space<hbm>>
    %dma_start3A_43 = arith.constant 0 : i32
    %dma_start3A_44 = tpu.memref_slice %arg9[%dma_start3A_37, %dma_start3A_38, %dma_start3A_43] : memref<2x2x128xi32, #tpu.memory_space<vmem>> -> memref<1x1x128xi32, #tpu.memory_space<vmem>>
    %dma_start3A_45 = tpu.memref_squeeze %dma_start3A_44 : memref<1x1x128xi32, #tpu.memory_space<vmem>> -> memref<128xi32, #tpu.memory_space<vmem>>
    %dma_start3A_46 = tpu.memref_slice %arg3[%multiple_of3A_36] : memref<640000xi32, #tpu.memory_space<hbm>> -> memref<128xi32, #tpu.memory_space<hbm>>
    tpu.enqueue_dma source(%dma_start3A_46 : memref<128xi32, #tpu.memory_space<hbm>>) target(%dma_start3A_45 : memref<128xi32, #tpu.memory_space<vmem>>) target_semaphore(%arg17 : memref<!tpu.dma_semaphore, #tpu.memory_space<semaphore_mem>>)
    %dma_start3A_47 = arith.constant 0 : i32
    %dma_start3A_48 = arith.constant 1 : i32
    %dma_start3A_49 = arith.constant 0 : i32
    %dma_start3A_50 = tpu.memref_slice %arg10[%dma_start3A_47, %dma_start3A_48, %dma_start3A_49] : memref<2x2x128xi32, #tpu.memory_space<vmem>> -> memref<1x1x128xi32, #tpu.memory_space<vmem>>
    %dma_start3A_51 = tpu.memref_squeeze %dma_start3A_50 : memref<1x1x128xi32, #tpu.memory_space<vmem>> -> memref<128xi32, #tpu.memory_space<vmem>>
    %dma_start3A_52 = tpu.memref_slice %arg4[%multiple_of3A_36] : memref<640000xi32, #tpu.memory_space<hbm>> -> memref<128xi32, #tpu.memory_space<hbm>>
    %dma_start3A_53 = arith.constant 0 : i32
    %dma_start3A_54 = tpu.memref_slice %arg10[%dma_start3A_47, %dma_start3A_48, %dma_start3A_53] : memref<2x2x128xi32, #tpu.memory_space<vmem>> -> memref<1x1x128xi32, #tpu.memory_space<vmem>>
    %dma_start3A_55 = tpu.memref_squeeze %dma_start3A_54 : memref<1x1x128xi32, #tpu.memory_space<vmem>> -> memref<128xi32, #tpu.memory_space<vmem>>
    %dma_start3A_56 = tpu.memref_slice %arg4[%multiple_of3A_36] : memref<640000xi32, #tpu.memory_space<hbm>> -> memref<128xi32, #tpu.memory_space<hbm>>
    tpu.enqueue_dma source(%dma_start3A_56 : memref<128xi32, #tpu.memory_space<hbm>>) target(%dma_start3A_55 : memref<128xi32, #tpu.memory_space<vmem>>) target_semaphore(%arg17 : memref<!tpu.dma_semaphore, #tpu.memory_space<semaphore_mem>>)
    %scan3A = arith.constant 0 : i32
    %scan3A_57 = arith.constant 0 : i32
    %scan3A_58 = arith.constant 39 : i32
    %scan3A_59 = arith.addi %scan3A_57, %scan3A_58 : i32
    %scan3A_60 = arith.constant 1 : i32
    scf.for %scan3A_118 = %scan3A_57 to %scan3A_59 step %scan3A_60  : i32 {
      %mul3A_119 = arith.constant 2 : i32
      %mul3A_120 = arith.muli %scan3A_118, %mul3A_119 : i32
      %dma_wait3A_121 = arith.constant 0 : i32
      %dma_wait3A_122 = arith.constant 0 : i32
      %dma_wait3A_123 = arith.constant 0 : i32
      %dma_wait3A_124 = tpu.memref_slice %arg9[%dma_wait3A_121, %dma_wait3A_122, %dma_wait3A_123] : memref<2x2x128xi32, #tpu.memory_space<vmem>> -> memref<1x1x128xi32, #tpu.memory_space<vmem>>
      %dma_wait3A_125 = tpu.memref_squeeze %dma_wait3A_124 : memref<1x1x128xi32, #tpu.memory_space<vmem>> -> memref<128xi32, #tpu.memory_space<vmem>>
      %dma_wait3A_126 = arith.constant 0 : i32
      %dma_wait3A_127 = tpu.memref_slice %arg3[%dma_wait3A_126] : memref<640000xi32, #tpu.memory_space<hbm>> -> memref<128xi32, #tpu.memory_space<hbm>>
      %dma_wait3A_128 = arith.constant 0 : i32
      %dma_wait3A_129 = tpu.memref_slice %arg9[%dma_wait3A_121, %dma_wait3A_122, %dma_wait3A_128] : memref<2x2x128xi32, #tpu.memory_space<vmem>> -> memref<1x1x128xi32, #tpu.memory_space<vmem>>
      %dma_wait3A_130 = tpu.memref_squeeze %dma_wait3A_129 : memref<1x1x128xi32, #tpu.memory_space<vmem>> -> memref<128xi32, #tpu.memory_space<vmem>>
      %dma_wait3A_131 = arith.constant 0 : i32
      %dma_wait3A_132 = tpu.memref_slice %arg3[%dma_wait3A_131] : memref<640000xi32, #tpu.memory_space<hbm>> -> memref<128xi32, #tpu.memory_space<hbm>>
      tpu.wait_dma2 semaphore(%arg17 : memref<!tpu.dma_semaphore, #tpu.memory_space<semaphore_mem>>) src(%dma_wait3A_132 : memref<128xi32, #tpu.memory_space<hbm>>) dst(%dma_wait3A_130 : memref<128xi32, #tpu.memory_space<vmem>>)
      %dma_wait3A_133 = arith.constant 0 : i32
      %dma_wait3A_134 = arith.constant 0 : i32
      %dma_wait3A_135 = arith.constant 0 : i32
      %dma_wait3A_136 = tpu.memref_slice %arg10[%dma_wait3A_133, %dma_wait3A_134, %dma_wait3A_135] : memref<2x2x128xi32, #tpu.memory_space<vmem>> -> memref<1x1x128xi32, #tpu.memory_space<vmem>>
      %dma_wait3A_137 = tpu.memref_squeeze %dma_wait3A_136 : memref<1x1x128xi32, #tpu.memory_space<vmem>> -> memref<128xi32, #tpu.memory_space<vmem>>
      %dma_wait3A_138 = arith.constant 0 : i32
      %dma_wait3A_139 = tpu.memref_slice %arg4[%dma_wait3A_138] : memref<640000xi32, #tpu.memory_space<hbm>> -> memref<128xi32, #tpu.memory_space<hbm>>
      %dma_wait3A_140 = arith.constant 0 : i32
      %dma_wait3A_141 = tpu.memref_slice %arg10[%dma_wait3A_133, %dma_wait3A_134, %dma_wait3A_140] : memref<2x2x128xi32, #tpu.memory_space<vmem>> -> memref<1x1x128xi32, #tpu.memory_space<vmem>>
      %dma_wait3A_142 = tpu.memref_squeeze %dma_wait3A_141 : memref<1x1x128xi32, #tpu.memory_space<vmem>> -> memref<128xi32, #tpu.memory_space<vmem>>
      %dma_wait3A_143 = arith.constant 0 : i32
      %dma_wait3A_144 = tpu.memref_slice %arg4[%dma_wait3A_143] : memref<640000xi32, #tpu.memory_space<hbm>> -> memref<128xi32, #tpu.memory_space<hbm>>
      tpu.wait_dma2 semaphore(%arg17 : memref<!tpu.dma_semaphore, #tpu.memory_space<semaphore_mem>>) src(%dma_wait3A_144 : memref<128xi32, #tpu.memory_space<hbm>>) dst(%dma_wait3A_142 : memref<128xi32, #tpu.memory_space<vmem>>)
      %dma_wait3A_145 = arith.constant 0 : i32
      %dma_wait3A_146 = arith.constant 1 : i32
      %dma_wait3A_147 = arith.constant 0 : i32
      %dma_wait3A_148 = tpu.memref_slice %arg9[%dma_wait3A_145, %dma_wait3A_146, %dma_wait3A_147] : memref<2x2x128xi32, #tpu.memory_space<vmem>> -> memref<1x1x128xi32, #tpu.memory_space<vmem>>
      %dma_wait3A_149 = tpu.memref_squeeze %dma_wait3A_148 : memref<1x1x128xi32, #tpu.memory_space<vmem>> -> memref<128xi32, #tpu.memory_space<vmem>>
      %dma_wait3A_150 = arith.constant 0 : i32
      %dma_wait3A_151 = tpu.memref_slice %arg3[%dma_wait3A_150] : memref<640000xi32, #tpu.memory_space<hbm>> -> memref<128xi32, #tpu.memory_space<hbm>>
      %dma_wait3A_152 = arith.constant 0 : i32
      %dma_wait3A_153 = tpu.memref_slice %arg9[%dma_wait3A_145, %dma_wait3A_146, %dma_wait3A_152] : memref<2x2x128xi32, #tpu.memory_space<vmem>> -> memref<1x1x128xi32, #tpu.memory_space<vmem>>
      %dma_wait3A_154 = tpu.memref_squeeze %dma_wait3A_153 : memref<1x1x128xi32, #tpu.memory_space<vmem>> -> memref<128xi32, #tpu.memory_space<vmem>>
      %dma_wait3A_155 = arith.constant 0 : i32
      %dma_wait3A_156 = tpu.memref_slice %arg3[%dma_wait3A_155] : memref<640000xi32, #tpu.memory_space<hbm>> -> memref<128xi32, #tpu.memory_space<hbm>>
      tpu.wait_dma2 semaphore(%arg17 : memref<!tpu.dma_semaphore, #tpu.memory_space<semaphore_mem>>) src(%dma_wait3A_156 : memref<128xi32, #tpu.memory_space<hbm>>) dst(%dma_wait3A_154 : memref<128xi32, #tpu.memory_space<vmem>>)
      %dma_wait3A_157 = arith.constant 0 : i32
      %dma_wait3A_158 = arith.constant 1 : i32
      %dma_wait3A_159 = arith.constant 0 : i32
      %dma_wait3A_160 = tpu.memref_slice %arg10[%dma_wait3A_157, %dma_wait3A_158, %dma_wait3A_159] : memref<2x2x128xi32, #tpu.memory_space<vmem>> -> memref<1x1x128xi32, #tpu.memory_space<vmem>>
      %dma_wait3A_161 = tpu.memref_squeeze %dma_wait3A_160 : memref<1x1x128xi32, #tpu.memory_space<vmem>> -> memref<128xi32, #tpu.memory_space<vmem>>
      %dma_wait3A_162 = arith.constant 0 : i32
      %dma_wait3A_163 = tpu.memref_slice %arg4[%dma_wait3A_162] : memref<640000xi32, #tpu.memory_space<hbm>> -> memref<128xi32, #tpu.memory_space<hbm>>
      %dma_wait3A_164 = arith.constant 0 : i32
      %dma_wait3A_165 = tpu.memref_slice %arg10[%dma_wait3A_157, %dma_wait3A_158, %dma_wait3A_164] : memref<2x2x128xi32, #tpu.memory_space<vmem>> -> memref<1x1x128xi32, #tpu.memory_space<vmem>>
      %dma_wait3A_166 = tpu.memref_squeeze %dma_wait3A_165 : memref<1x1x128xi32, #tpu.memory_space<vmem>> -> memref<128xi32, #tpu.memory_space<vmem>>
      %dma_wait3A_167 = arith.constant 0 : i32
      %dma_wait3A_168 = tpu.memref_slice %arg4[%dma_wait3A_167] : memref<640000xi32, #tpu.memory_space<hbm>> -> memref<128xi32, #tpu.memory_space<hbm>>
      tpu.wait_dma2 semaphore(%arg17 : memref<!tpu.dma_semaphore, #tpu.memory_space<semaphore_mem>>) src(%dma_wait3A_168 : memref<128xi32, #tpu.memory_space<hbm>>) dst(%dma_wait3A_166 : memref<128xi32, #tpu.memory_space<vmem>>)
      %lt3A = arith.constant 77 : i32
      %lt3A_169 = arith.cmpi slt, %mul3A_120, %lt3A : i32
      %convert_element_type3A_170 = arith.extui %lt3A_169 : i1 to i32
      %cond3A_171 = arith.constant 0 : i32
      %cond3A_172 = arith.cmpi ne, %convert_element_type3A_170, %cond3A_171 : i32
      scf.if %cond3A_172 {
        %add3A_597 = arith.constant 1 : i32
        %add3A_598 = arith.addi %mul3A_120, %add3A_597 : i32
        %mul3A_599 = arith.constant 256 : i32
        %mul3A_600 = arith.muli %add3A_598, %mul3A_599 : i32
        %add3A_601 = arith.addi %multiple_of3A_7, %mul3A_600 : i32
        %multiple_of3A_602 = tpu.assume_multiple %add3A_601, 8 : i32
        %add3A_603 = arith.constant 0 : i32
        %add3A_604 = arith.addi %multiple_of3A_602, %add3A_603 : i32
        %multiple_of3A_605 = tpu.assume_multiple %add3A_604, 8 : i32
        %dma_start3A_606 = arith.constant 1 : i32
        %dma_start3A_607 = arith.constant 0 : i32
        %dma_start3A_608 = arith.constant 0 : i32
        %dma_start3A_609 = tpu.memref_slice %arg9[%dma_start3A_606, %dma_start3A_607, %dma_start3A_608] : memref<2x2x128xi32, #tpu.memory_space<vmem>> -> memref<1x1x128xi32, #tpu.memory_space<vmem>>
        %dma_start3A_610 = tpu.memref_squeeze %dma_start3A_609 : memref<1x1x128xi32, #tpu.memory_space<vmem>> -> memref<128xi32, #tpu.memory_space<vmem>>
        %dma_start3A_611 = tpu.memref_slice %arg3[%multiple_of3A_605] : memref<640000xi32, #tpu.memory_space<hbm>> -> memref<128xi32, #tpu.memory_space<hbm>>
        %dma_start3A_612 = arith.constant 0 : i32
        %dma_start3A_613 = tpu.memref_slice %arg9[%dma_start3A_606, %dma_start3A_607, %dma_start3A_612] : memref<2x2x128xi32, #tpu.memory_space<vmem>> -> memref<1x1x128xi32, #tpu.memory_space<vmem>>
        %dma_start3A_614 = tpu.memref_squeeze %dma_start3A_613 : memref<1x1x128xi32, #tpu.memory_space<vmem>> -> memref<128xi32, #tpu.memory_space<vmem>>
        %dma_start3A_615 = tpu.memref_slice %arg3[%multiple_of3A_605] : memref<640000xi32, #tpu.memory_space<hbm>> -> memref<128xi32, #tpu.memory_space<hbm>>
        tpu.enqueue_dma source(%dma_start3A_615 : memref<128xi32, #tpu.memory_space<hbm>>) target(%dma_start3A_614 : memref<128xi32, #tpu.memory_space<vmem>>) target_semaphore(%arg17 : memref<!tpu.dma_semaphore, #tpu.memory_space<semaphore_mem>>)
        %dma_start3A_616 = arith.constant 1 : i32
        %dma_start3A_617 = arith.constant 0 : i32
        %dma_start3A_618 = arith.constant 0 : i32
        %dma_start3A_619 = tpu.memref_slice %arg10[%dma_start3A_616, %dma_start3A_617, %dma_start3A_618] : memref<2x2x128xi32, #tpu.memory_space<vmem>> -> memref<1x1x128xi32, #tpu.memory_space<vmem>>
        %dma_start3A_620 = tpu.memref_squeeze %dma_start3A_619 : memref<1x1x128xi32, #tpu.memory_space<vmem>> -> memref<128xi32, #tpu.memory_space<vmem>>
        %dma_start3A_621 = tpu.memref_slice %arg4[%multiple_of3A_605] : memref<640000xi32, #tpu.memory_space<hbm>> -> memref<128xi32, #tpu.memory_space<hbm>>
        %dma_start3A_622 = arith.constant 0 : i32
        %dma_start3A_623 = tpu.memref_slice %arg10[%dma_start3A_616, %dma_start3A_617, %dma_start3A_622] : memref<2x2x128xi32, #tpu.memory_space<vmem>> -> memref<1x1x128xi32, #tpu.memory_space<vmem>>
        %dma_start3A_624 = tpu.memref_squeeze %dma_start3A_623 : memref<1x1x128xi32, #tpu.memory_space<vmem>> -> memref<128xi32, #tpu.memory_space<vmem>>
        %dma_start3A_625 = tpu.memref_slice %arg4[%multiple_of3A_605] : memref<640000xi32, #tpu.memory_space<hbm>> -> memref<128xi32, #tpu.memory_space<hbm>>
        tpu.enqueue_dma source(%dma_start3A_625 : memref<128xi32, #tpu.memory_space<hbm>>) target(%dma_start3A_624 : memref<128xi32, #tpu.memory_space<vmem>>) target_semaphore(%arg17 : memref<!tpu.dma_semaphore, #tpu.memory_space<semaphore_mem>>)
        %add3A_626 = arith.constant 128 : i32
        %add3A_627 = arith.addi %multiple_of3A_602, %add3A_626 : i32
        %multiple_of3A_628 = tpu.assume_multiple %add3A_627, 8 : i32
        %dma_start3A_629 = arith.constant 1 : i32
        %dma_start3A_630 = arith.constant 1 : i32
        %dma_start3A_631 = arith.constant 0 : i32
        %dma_start3A_632 = tpu.memref_slice %arg9[%dma_start3A_629, %dma_start3A_630, %dma_start3A_631] : memref<2x2x128xi32, #tpu.memory_space<vmem>> -> memref<1x1x128xi32, #tpu.memory_space<vmem>>
        %dma_start3A_633 = tpu.memref_squeeze %dma_start3A_632 : memref<1x1x128xi32, #tpu.memory_space<vmem>> -> memref<128xi32, #tpu.memory_space<vmem>>
        %dma_start3A_634 = tpu.memref_slice %arg3[%multiple_of3A_628] : memref<640000xi32, #tpu.memory_space<hbm>> -> memref<128xi32, #tpu.memory_space<hbm>>
        %dma_start3A_635 = arith.constant 0 : i32
        %dma_start3A_636 = tpu.memref_slice %arg9[%dma_start3A_629, %dma_start3A_630, %dma_start3A_635] : memref<2x2x128xi32, #tpu.memory_space<vmem>> -> memref<1x1x128xi32, #tpu.memory_space<vmem>>
        %dma_start3A_637 = tpu.memref_squeeze %dma_start3A_636 : memref<1x1x128xi32, #tpu.memory_space<vmem>> -> memref<128xi32, #tpu.memory_space<vmem>>
        %dma_start3A_638 = tpu.memref_slice %arg3[%multiple_of3A_628] : memref<640000xi32, #tpu.memory_space<hbm>> -> memref<128xi32, #tpu.memory_space<hbm>>
        tpu.enqueue_dma source(%dma_start3A_638 : memref<128xi32, #tpu.memory_space<hbm>>) target(%dma_start3A_637 : memref<128xi32, #tpu.memory_space<vmem>>) target_semaphore(%arg17 : memref<!tpu.dma_semaphore, #tpu.memory_space<semaphore_mem>>)
        %dma_start3A_639 = arith.constant 1 : i32
        %dma_start3A_640 = arith.constant 1 : i32
        %dma_start3A_641 = arith.constant 0 : i32
        %dma_start3A_642 = tpu.memref_slice %arg10[%dma_start3A_639, %dma_start3A_640, %dma_start3A_641] : memref<2x2x128xi32, #tpu.memory_space<vmem>> -> memref<1x1x128xi32, #tpu.memory_space<vmem>>
        %dma_start3A_643 = tpu.memref_squeeze %dma_start3A_642 : memref<1x1x128xi32, #tpu.memory_space<vmem>> -> memref<128xi32, #tpu.memory_space<vmem>>
        %dma_start3A_644 = tpu.memref_slice %arg4[%multiple_of3A_628] : memref<640000xi32, #tpu.memory_space<hbm>> -> memref<128xi32, #tpu.memory_space<hbm>>
        %dma_start3A_645 = arith.constant 0 : i32
        %dma_start3A_646 = tpu.memref_slice %arg10[%dma_start3A_639, %dma_start3A_640, %dma_start3A_645] : memref<2x2x128xi32, #tpu.memory_space<vmem>> -> memref<1x1x128xi32, #tpu.memory_space<vmem>>
        %dma_start3A_647 = tpu.memref_squeeze %dma_start3A_646 : memref<1x1x128xi32, #tpu.memory_space<vmem>> -> memref<128xi32, #tpu.memory_space<vmem>>
        %dma_start3A_648 = tpu.memref_slice %arg4[%multiple_of3A_628] : memref<640000xi32, #tpu.memory_space<hbm>> -> memref<128xi32, #tpu.memory_space<hbm>>
        tpu.enqueue_dma source(%dma_start3A_648 : memref<128xi32, #tpu.memory_space<hbm>>) target(%dma_start3A_647 : memref<128xi32, #tpu.memory_space<vmem>>) target_semaphore(%arg17 : memref<!tpu.dma_semaphore, #tpu.memory_space<semaphore_mem>>)
      } else {
      }
      %gt3A = arith.constant 0 : i32
      %gt3A_173 = arith.cmpi sgt, %mul3A_120, %gt3A : i32
      %convert_element_type3A_174 = arith.extui %gt3A_173 : i1 to i32
      %cond3A_175 = arith.constant 0 : i32
      %cond3A_176 = arith.cmpi ne, %convert_element_type3A_174, %cond3A_175 : i32
      scf.if %cond3A_176 {
        %dma_wait3A_597 = arith.constant 0 : i32
        %dma_wait3A_598 = arith.constant 0 : i32
        %dma_wait3A_599 = arith.constant 0 : i32
        %dma_wait3A_600 = arith.constant 0 : i32
        %dma_wait3A_601 = arith.constant 0 : i32
        %dma_wait3A_602 = tpu.memref_slice %arg11[%dma_wait3A_597, %dma_wait3A_600, %dma_wait3A_601] : memref<2x128x128xf32, #tpu.memory_space<vmem>> -> memref<1x128x128xf32, #tpu.memory_space<vmem>>
        %dma_wait3A_603 = tpu.memref_squeeze %dma_wait3A_602 : memref<1x128x128xf32, #tpu.memory_space<vmem>> -> memref<128x128xf32, #tpu.memory_space<vmem>>
        %dma_wait3A_604 = arith.constant 0 : i32
        %dma_wait3A_605 = tpu.memref_slice %arg10[%dma_wait3A_598, %dma_wait3A_599, %dma_wait3A_604] : memref<2x2x128xi32, #tpu.memory_space<vmem>> -> memref<1x1x128xi32, #tpu.memory_space<vmem>>
        %dma_wait3A_606 = tpu.memref_squeeze %dma_wait3A_605 : memref<1x1x128xi32, #tpu.memory_space<vmem>> -> memref<128xi32, #tpu.memory_space<vmem>>
        %dma_wait3A_607 = arith.constant 0 : i32
        %dma_wait3A_608 = arith.constant 0 : i32
        %dma_wait3A_609 = tpu.memref_slice %arg16[%dma_wait3A_607, %dma_wait3A_608] : memref<10000x128xf32, #tpu.memory_space<vmem_shared>> -> memref<10000x128xf32, #tpu.memory_space<vmem_shared>>
        tpu.wait_indirect_dma semaphore(%arg20 : memref<!tpu.dma_semaphore, #tpu.memory_space<semaphore_mem>>) src(%dma_wait3A_603 : memref<128x128xf32, #tpu.memory_space<vmem>>) dst(%dma_wait3A_609 : memref<10000x128xf32, #tpu.memory_space<vmem_shared>>)
      } else {
      }
      %gt3A_177 = arith.constant 0 : i32
      %gt3A_178 = arith.cmpi sgt, %mul3A_120, %gt3A_177 : i32
      %convert_element_type3A_179 = arith.extui %gt3A_178 : i1 to i32
      %cond3A_180 = arith.constant 0 : i32
      %cond3A_181 = arith.cmpi ne, %convert_element_type3A_179, %cond3A_180 : i32
      scf.if %cond3A_181 {
        %dma_wait3A_597 = arith.constant 1 : i32
        %dma_wait3A_598 = arith.constant 0 : i32
        %dma_wait3A_599 = arith.constant 1 : i32
        %dma_wait3A_600 = arith.constant 0 : i32
        %dma_wait3A_601 = arith.constant 0 : i32
        %dma_wait3A_602 = tpu.memref_slice %arg11[%dma_wait3A_597, %dma_wait3A_600, %dma_wait3A_601] : memref<2x128x128xf32, #tpu.memory_space<vmem>> -> memref<1x128x128xf32, #tpu.memory_space<vmem>>
        %dma_wait3A_603 = tpu.memref_squeeze %dma_wait3A_602 : memref<1x128x128xf32, #tpu.memory_space<vmem>> -> memref<128x128xf32, #tpu.memory_space<vmem>>
        %dma_wait3A_604 = arith.constant 0 : i32
        %dma_wait3A_605 = tpu.memref_slice %arg10[%dma_wait3A_598, %dma_wait3A_599, %dma_wait3A_604] : memref<2x2x128xi32, #tpu.memory_space<vmem>> -> memref<1x1x128xi32, #tpu.memory_space<vmem>>
        %dma_wait3A_606 = tpu.memref_squeeze %dma_wait3A_605 : memref<1x1x128xi32, #tpu.memory_space<vmem>> -> memref<128xi32, #tpu.memory_space<vmem>>
        %dma_wait3A_607 = arith.constant 0 : i32
        %dma_wait3A_608 = arith.constant 0 : i32
        %dma_wait3A_609 = tpu.memref_slice %arg16[%dma_wait3A_607, %dma_wait3A_608] : memref<10000x128xf32, #tpu.memory_space<vmem_shared>> -> memref<10000x128xf32, #tpu.memory_space<vmem_shared>>
        tpu.wait_indirect_dma semaphore(%arg21 : memref<!tpu.dma_semaphore, #tpu.memory_space<semaphore_mem>>) src(%dma_wait3A_603 : memref<128x128xf32, #tpu.memory_space<vmem>>) dst(%dma_wait3A_609 : memref<10000x128xf32, #tpu.memory_space<vmem_shared>>)
      } else {
      }
      %dma_start3A_182 = arith.constant 0 : i32
      %dma_start3A_183 = arith.constant 0 : i32
      %dma_start3A_184 = arith.constant 0 : i32
      %dma_start3A_185 = arith.constant 0 : i32
      %dma_start3A_186 = arith.constant 0 : i32
      %dma_start3A_187 = tpu.memref_slice %arg11[%dma_start3A_184, %dma_start3A_185, %dma_start3A_186] : memref<2x128x128xf32, #tpu.memory_space<vmem>> -> memref<1x128x128xf32, #tpu.memory_space<vmem>>
      %dma_start3A_188 = tpu.memref_squeeze %dma_start3A_187 : memref<1x128x128xf32, #tpu.memory_space<vmem>> -> memref<128x128xf32, #tpu.memory_space<vmem>>
      %dma_start3A_189 = arith.constant 0 : i32
      %dma_start3A_190 = tpu.memref_slice %arg9[%dma_start3A_182, %dma_start3A_183, %dma_start3A_189] : memref<2x2x128xi32, #tpu.memory_space<vmem>> -> memref<1x1x128xi32, #tpu.memory_space<vmem>>
      %dma_start3A_191 = tpu.memref_squeeze %dma_start3A_190 : memref<1x1x128xi32, #tpu.memory_space<vmem>> -> memref<128xi32, #tpu.memory_space<vmem>>
      %dma_start3A_192 = arith.constant 0 : i32
      %dma_start3A_193 = arith.constant 0 : i32
      %dma_start3A_194 = tpu.memref_slice %arg2[%dma_start3A_192, %dma_start3A_193] : memref<20000x128xf32, #tpu.memory_space<hbm>> -> memref<20000x128xf32, #tpu.memory_space<hbm>>
      tpu.enqueue_indirect_dma source(%dma_start3A_194 : memref<20000x128xf32, #tpu.memory_space<hbm>>) target(%dma_start3A_188 : memref<128x128xf32, #tpu.memory_space<vmem>>) offsets(%dma_start3A_191 : memref<128xi32, #tpu.memory_space<vmem>>) semaphore(%arg18 : memref<!tpu.dma_semaphore, #tpu.memory_space<semaphore_mem>>)
      %dma_start3A_195 = arith.constant 0 : i32
      %dma_start3A_196 = arith.constant 1 : i32
      %dma_start3A_197 = arith.constant 1 : i32
      %dma_start3A_198 = arith.constant 0 : i32
      %dma_start3A_199 = arith.constant 0 : i32
      %dma_start3A_200 = tpu.memref_slice %arg11[%dma_start3A_197, %dma_start3A_198, %dma_start3A_199] : memref<2x128x128xf32, #tpu.memory_space<vmem>> -> memref<1x128x128xf32, #tpu.memory_space<vmem>>
      %dma_start3A_201 = tpu.memref_squeeze %dma_start3A_200 : memref<1x128x128xf32, #tpu.memory_space<vmem>> -> memref<128x128xf32, #tpu.memory_space<vmem>>
      %dma_start3A_202 = arith.constant 0 : i32
      %dma_start3A_203 = tpu.memref_slice %arg9[%dma_start3A_195, %dma_start3A_196, %dma_start3A_202] : memref<2x2x128xi32, #tpu.memory_space<vmem>> -> memref<1x1x128xi32, #tpu.memory_space<vmem>>
      %dma_start3A_204 = tpu.memref_squeeze %dma_start3A_203 : memref<1x1x128xi32, #tpu.memory_space<vmem>> -> memref<128xi32, #tpu.memory_space<vmem>>
      %dma_start3A_205 = arith.constant 0 : i32
      %dma_start3A_206 = arith.constant 0 : i32
      %dma_start3A_207 = tpu.memref_slice %arg2[%dma_start3A_205, %dma_start3A_206] : memref<20000x128xf32, #tpu.memory_space<hbm>> -> memref<20000x128xf32, #tpu.memory_space<hbm>>
      tpu.enqueue_indirect_dma source(%dma_start3A_207 : memref<20000x128xf32, #tpu.memory_space<hbm>>) target(%dma_start3A_201 : memref<128x128xf32, #tpu.memory_space<vmem>>) offsets(%dma_start3A_204 : memref<128xi32, #tpu.memory_space<vmem>>) semaphore(%arg19 : memref<!tpu.dma_semaphore, #tpu.memory_space<semaphore_mem>>)
      %get3A_208 = arith.constant 0 : i32
      %get3A_209 = arith.constant 0 : i32
      %get3A_210 = arith.index_cast %get3A_208 : i32 to index
      %get3A_211 = arith.index_cast %get3A_209 : i32 to index
      %get3A_212 = arith.constant 0 : index
      %get3A_213 = tpu.vector_load %arg10[%get3A_210, %get3A_211, %get3A_212] {strides = array<i32>} : memref<2x2x128xi32, #tpu.memory_space<vmem>>, vector<16xi32>,
      tpu.vector_store_idx %arg15[%get3A_213], %broadcast_in_dim3A_8 {add = true} : memref<10000xf32, #tpu.memory_space<vmem>>[vector<16xi32>], vector<16xf32>,
      %get3A_214 = arith.constant 0 : i32
      %get3A_215 = arith.constant 0 : i32
      %get3A_216 = arith.index_cast %get3A_214 : i32 to index
      %get3A_217 = arith.index_cast %get3A_215 : i32 to index
      %get3A_218 = arith.constant 16 : index
      %get3A_219 = tpu.vector_load %arg10[%get3A_216, %get3A_217, %get3A_218] {strides = array<i32>} : memref<2x2x128xi32, #tpu.memory_space<vmem>>, vector<16xi32>,
      tpu.vector_store_idx %arg15[%get3A_219], %broadcast_in_dim3A_8 {add = true} : memref<10000xf32, #tpu.memory_space<vmem>>[vector<16xi32>], vector<16xf32>,
      %get3A_220 = arith.constant 0 : i32
      %get3A_221 = arith.constant 0 : i32
      %get3A_222 = arith.index_cast %get3A_220 : i32 to index
      %get3A_223 = arith.index_cast %get3A_221 : i32 to index
      %get3A_224 = arith.constant 32 : index
      %get3A_225 = tpu.vector_load %arg10[%get3A_222, %get3A_223, %get3A_224] {strides = array<i32>} : memref<2x2x128xi32, #tpu.memory_space<vmem>>, vector<16xi32>,
      tpu.vector_store_idx %arg15[%get3A_225], %broadcast_in_dim3A_8 {add = true} : memref<10000xf32, #tpu.memory_space<vmem>>[vector<16xi32>], vector<16xf32>,
      %get3A_226 = arith.constant 0 : i32
      %get3A_227 = arith.constant 0 : i32
      %get3A_228 = arith.index_cast %get3A_226 : i32 to index
      %get3A_229 = arith.index_cast %get3A_227 : i32 to index
      %get3A_230 = arith.constant 48 : index
      %get3A_231 = tpu.vector_load %arg10[%get3A_228, %get3A_229, %get3A_230] {strides = array<i32>} : memref<2x2x128xi32, #tpu.memory_space<vmem>>, vector<16xi32>,
      tpu.vector_store_idx %arg15[%get3A_231], %broadcast_in_dim3A_8 {add = true} : memref<10000xf32, #tpu.memory_space<vmem>>[vector<16xi32>], vector<16xf32>,
      %get3A_232 = arith.constant 0 : i32
      %get3A_233 = arith.constant 0 : i32
      %get3A_234 = arith.index_cast %get3A_232 : i32 to index
      %get3A_235 = arith.index_cast %get3A_233 : i32 to index
      %get3A_236 = arith.constant 64 : index
      %get3A_237 = tpu.vector_load %arg10[%get3A_234, %get3A_235, %get3A_236] {strides = array<i32>} : memref<2x2x128xi32, #tpu.memory_space<vmem>>, vector<16xi32>,
      tpu.vector_store_idx %arg15[%get3A_237], %broadcast_in_dim3A_8 {add = true} : memref<10000xf32, #tpu.memory_space<vmem>>[vector<16xi32>], vector<16xf32>,
      %get3A_238 = arith.constant 0 : i32
      %get3A_239 = arith.constant 0 : i32
      %get3A_240 = arith.index_cast %get3A_238 : i32 to index
      %get3A_241 = arith.index_cast %get3A_239 : i32 to index
      %get3A_242 = arith.constant 80 : index
      %get3A_243 = tpu.vector_load %arg10[%get3A_240, %get3A_241, %get3A_242] {strides = array<i32>} : memref<2x2x128xi32, #tpu.memory_space<vmem>>, vector<16xi32>,
      tpu.vector_store_idx %arg15[%get3A_243], %broadcast_in_dim3A_8 {add = true} : memref<10000xf32, #tpu.memory_space<vmem>>[vector<16xi32>], vector<16xf32>,
      %get3A_244 = arith.constant 0 : i32
      %get3A_245 = arith.constant 0 : i32
      %get3A_246 = arith.index_cast %get3A_244 : i32 to index
      %get3A_247 = arith.index_cast %get3A_245 : i32 to index
      %get3A_248 = arith.constant 96 : index
      %get3A_249 = tpu.vector_load %arg10[%get3A_246, %get3A_247, %get3A_248] {strides = array<i32>} : memref<2x2x128xi32, #tpu.memory_space<vmem>>, vector<16xi32>,
      tpu.vector_store_idx %arg15[%get3A_249], %broadcast_in_dim3A_8 {add = true} : memref<10000xf32, #tpu.memory_space<vmem>>[vector<16xi32>], vector<16xf32>,
      %get3A_250 = arith.constant 0 : i32
      %get3A_251 = arith.constant 0 : i32
      %get3A_252 = arith.index_cast %get3A_250 : i32 to index
      %get3A_253 = arith.index_cast %get3A_251 : i32 to index
      %get3A_254 = arith.constant 112 : index
      %get3A_255 = tpu.vector_load %arg10[%get3A_252, %get3A_253, %get3A_254] {strides = array<i32>} : memref<2x2x128xi32, #tpu.memory_space<vmem>>, vector<16xi32>,
      tpu.vector_store_idx %arg15[%get3A_255], %broadcast_in_dim3A_8 {add = true} : memref<10000xf32, #tpu.memory_space<vmem>>[vector<16xi32>], vector<16xf32>,
      %get3A_256 = arith.constant 0 : i32
      %get3A_257 = arith.constant 1 : i32
      %get3A_258 = arith.index_cast %get3A_256 : i32 to index
      %get3A_259 = arith.index_cast %get3A_257 : i32 to index
      %get3A_260 = arith.constant 0 : index
      %get3A_261 = tpu.vector_load %arg10[%get3A_258, %get3A_259, %get3A_260] {strides = array<i32>} : memref<2x2x128xi32, #tpu.memory_space<vmem>>, vector<16xi32>,
      tpu.vector_store_idx %arg15[%get3A_261], %broadcast_in_dim3A_8 {add = true} : memref<10000xf32, #tpu.memory_space<vmem>>[vector<16xi32>], vector<16xf32>,
      %get3A_262 = arith.constant 0 : i32
      %get3A_263 = arith.constant 1 : i32
      %get3A_264 = arith.index_cast %get3A_262 : i32 to index
      %get3A_265 = arith.index_cast %get3A_263 : i32 to index
      %get3A_266 = arith.constant 16 : index
      %get3A_267 = tpu.vector_load %arg10[%get3A_264, %get3A_265, %get3A_266] {strides = array<i32>} : memref<2x2x128xi32, #tpu.memory_space<vmem>>, vector<16xi32>,
      tpu.vector_store_idx %arg15[%get3A_267], %broadcast_in_dim3A_8 {add = true} : memref<10000xf32, #tpu.memory_space<vmem>>[vector<16xi32>], vector<16xf32>,
      %get3A_268 = arith.constant 0 : i32
      %get3A_269 = arith.constant 1 : i32
      %get3A_270 = arith.index_cast %get3A_268 : i32 to index
      %get3A_271 = arith.index_cast %get3A_269 : i32 to index
      %get3A_272 = arith.constant 32 : index
      %get3A_273 = tpu.vector_load %arg10[%get3A_270, %get3A_271, %get3A_272] {strides = array<i32>} : memref<2x2x128xi32, #tpu.memory_space<vmem>>, vector<16xi32>,
      tpu.vector_store_idx %arg15[%get3A_273], %broadcast_in_dim3A_8 {add = true} : memref<10000xf32, #tpu.memory_space<vmem>>[vector<16xi32>], vector<16xf32>,
      %get3A_274 = arith.constant 0 : i32
      %get3A_275 = arith.constant 1 : i32
      %get3A_276 = arith.index_cast %get3A_274 : i32 to index
      %get3A_277 = arith.index_cast %get3A_275 : i32 to index
      %get3A_278 = arith.constant 48 : index
      %get3A_279 = tpu.vector_load %arg10[%get3A_276, %get3A_277, %get3A_278] {strides = array<i32>} : memref<2x2x128xi32, #tpu.memory_space<vmem>>, vector<16xi32>,
      tpu.vector_store_idx %arg15[%get3A_279], %broadcast_in_dim3A_8 {add = true} : memref<10000xf32, #tpu.memory_space<vmem>>[vector<16xi32>], vector<16xf32>,
      %get3A_280 = arith.constant 0 : i32
      %get3A_281 = arith.constant 1 : i32
      %get3A_282 = arith.index_cast %get3A_280 : i32 to index
      %get3A_283 = arith.index_cast %get3A_281 : i32 to index
      %get3A_284 = arith.constant 64 : index
      %get3A_285 = tpu.vector_load %arg10[%get3A_282, %get3A_283, %get3A_284] {strides = array<i32>} : memref<2x2x128xi32, #tpu.memory_space<vmem>>, vector<16xi32>,
      tpu.vector_store_idx %arg15[%get3A_285], %broadcast_in_dim3A_8 {add = true} : memref<10000xf32, #tpu.memory_space<vmem>>[vector<16xi32>], vector<16xf32>,
      %get3A_286 = arith.constant 0 : i32
      %get3A_287 = arith.constant 1 : i32
      %get3A_288 = arith.index_cast %get3A_286 : i32 to index
      %get3A_289 = arith.index_cast %get3A_287 : i32 to index
      %get3A_290 = arith.constant 80 : index
      %get3A_291 = tpu.vector_load %arg10[%get3A_288, %get3A_289, %get3A_290] {strides = array<i32>} : memref<2x2x128xi32, #tpu.memory_space<vmem>>, vector<16xi32>,
      tpu.vector_store_idx %arg15[%get3A_291], %broadcast_in_dim3A_8 {add = true} : memref<10000xf32, #tpu.memory_space<vmem>>[vector<16xi32>], vector<16xf32>,
      %get3A_292 = arith.constant 0 : i32
      %get3A_293 = arith.constant 1 : i32
      %get3A_294 = arith.index_cast %get3A_292 : i32 to index
      %get3A_295 = arith.index_cast %get3A_293 : i32 to index
      %get3A_296 = arith.constant 96 : index
      %get3A_297 = tpu.vector_load %arg10[%get3A_294, %get3A_295, %get3A_296] {strides = array<i32>} : memref<2x2x128xi32, #tpu.memory_space<vmem>>, vector<16xi32>,
      tpu.vector_store_idx %arg15[%get3A_297], %broadcast_in_dim3A_8 {add = true} : memref<10000xf32, #tpu.memory_space<vmem>>[vector<16xi32>], vector<16xf32>,
      %get3A_298 = arith.constant 0 : i32
      %get3A_299 = arith.constant 1 : i32
      %get3A_300 = arith.index_cast %get3A_298 : i32 to index
      %get3A_301 = arith.index_cast %get3A_299 : i32 to index
      %get3A_302 = arith.constant 112 : index
      %get3A_303 = tpu.vector_load %arg10[%get3A_300, %get3A_301, %get3A_302] {strides = array<i32>} : memref<2x2x128xi32, #tpu.memory_space<vmem>>, vector<16xi32>,
      tpu.vector_store_idx %arg15[%get3A_303], %broadcast_in_dim3A_8 {add = true} : memref<10000xf32, #tpu.memory_space<vmem>>[vector<16xi32>], vector<16xf32>,
      %dma_wait3A_304 = arith.constant 0 : i32
      %dma_wait3A_305 = arith.constant 0 : i32
      %dma_wait3A_306 = arith.constant 0 : i32
      %dma_wait3A_307 = arith.constant 0 : i32
      %dma_wait3A_308 = arith.constant 0 : i32
      %dma_wait3A_309 = tpu.memref_slice %arg11[%dma_wait3A_306, %dma_wait3A_307, %dma_wait3A_308] : memref<2x128x128xf32, #tpu.memory_space<vmem>> -> memref<1x128x128xf32, #tpu.memory_space<vmem>>
      %dma_wait3A_310 = tpu.memref_squeeze %dma_wait3A_309 : memref<1x128x128xf32, #tpu.memory_space<vmem>> -> memref<128x128xf32, #tpu.memory_space<vmem>>
      %dma_wait3A_311 = arith.constant 0 : i32
      %dma_wait3A_312 = tpu.memref_slice %arg9[%dma_wait3A_304, %dma_wait3A_305, %dma_wait3A_311] : memref<2x2x128xi32, #tpu.memory_space<vmem>> -> memref<1x1x128xi32, #tpu.memory_space<vmem>>
      %dma_wait3A_313 = tpu.memref_squeeze %dma_wait3A_312 : memref<1x1x128xi32, #tpu.memory_space<vmem>> -> memref<128xi32, #tpu.memory_space<vmem>>
      %dma_wait3A_314 = arith.constant 0 : i32
      %dma_wait3A_315 = arith.constant 0 : i32
      %dma_wait3A_316 = tpu.memref_slice %arg2[%dma_wait3A_314, %dma_wait3A_315] : memref<20000x128xf32, #tpu.memory_space<hbm>> -> memref<20000x128xf32, #tpu.memory_space<hbm>>
      tpu.wait_indirect_dma semaphore(%arg18 : memref<!tpu.dma_semaphore, #tpu.memory_space<semaphore_mem>>) src(%dma_wait3A_316 : memref<20000x128xf32, #tpu.memory_space<hbm>>) dst(%dma_wait3A_310 : memref<128x128xf32, #tpu.memory_space<vmem>>)
      %dma_start3A_317 = arith.constant 0 : i32
      %dma_start3A_318 = arith.constant 0 : i32
      %dma_start3A_319 = arith.constant 0 : i32
      %dma_start3A_320 = arith.constant 0 : i32
      %dma_start3A_321 = arith.constant 0 : i32
      %dma_start3A_322 = tpu.memref_slice %arg11[%dma_start3A_317, %dma_start3A_320, %dma_start3A_321] : memref<2x128x128xf32, #tpu.memory_space<vmem>> -> memref<1x128x128xf32, #tpu.memory_space<vmem>>
      %dma_start3A_323 = tpu.memref_squeeze %dma_start3A_322 : memref<1x128x128xf32, #tpu.memory_space<vmem>> -> memref<128x128xf32, #tpu.memory_space<vmem>>
      %dma_start3A_324 = arith.constant 0 : i32
      %dma_start3A_325 = tpu.memref_slice %arg10[%dma_start3A_318, %dma_start3A_319, %dma_start3A_324] : memref<2x2x128xi32, #tpu.memory_space<vmem>> -> memref<1x1x128xi32, #tpu.memory_space<vmem>>
      %dma_start3A_326 = tpu.memref_squeeze %dma_start3A_325 : memref<1x1x128xi32, #tpu.memory_space<vmem>> -> memref<128xi32, #tpu.memory_space<vmem>>
      %dma_start3A_327 = arith.constant 0 : i32
      %dma_start3A_328 = arith.constant 0 : i32
      %dma_start3A_329 = tpu.memref_slice %arg16[%dma_start3A_327, %dma_start3A_328] : memref<10000x128xf32, #tpu.memory_space<vmem_shared>> -> memref<10000x128xf32, #tpu.memory_space<vmem_shared>>
      tpu.enqueue_indirect_dma source(%dma_start3A_323 : memref<128x128xf32, #tpu.memory_space<vmem>>) target(%dma_start3A_329 : memref<10000x128xf32, #tpu.memory_space<vmem_shared>>) offsets(%dma_start3A_326 : memref<128xi32, #tpu.memory_space<vmem>>) semaphore(%arg20 : memref<!tpu.dma_semaphore, #tpu.memory_space<semaphore_mem>>) {add = true}
      %dma_wait3A_330 = arith.constant 0 : i32
      %dma_wait3A_331 = arith.constant 1 : i32
      %dma_wait3A_332 = arith.constant 1 : i32
      %dma_wait3A_333 = arith.constant 0 : i32
      %dma_wait3A_334 = arith.constant 0 : i32
      %dma_wait3A_335 = tpu.memref_slice %arg11[%dma_wait3A_332, %dma_wait3A_333, %dma_wait3A_334] : memref<2x128x128xf32, #tpu.memory_space<vmem>> -> memref<1x128x128xf32, #tpu.memory_space<vmem>>
      %dma_wait3A_336 = tpu.memref_squeeze %dma_wait3A_335 : memref<1x128x128xf32, #tpu.memory_space<vmem>> -> memref<128x128xf32, #tpu.memory_space<vmem>>
      %dma_wait3A_337 = arith.constant 0 : i32
      %dma_wait3A_338 = tpu.memref_slice %arg9[%dma_wait3A_330, %dma_wait3A_331, %dma_wait3A_337] : memref<2x2x128xi32, #tpu.memory_space<vmem>> -> memref<1x1x128xi32, #tpu.memory_space<vmem>>
      %dma_wait3A_339 = tpu.memref_squeeze %dma_wait3A_338 : memref<1x1x128xi32, #tpu.memory_space<vmem>> -> memref<128xi32, #tpu.memory_space<vmem>>
      %dma_wait3A_340 = arith.constant 0 : i32
      %dma_wait3A_341 = arith.constant 0 : i32
      %dma_wait3A_342 = tpu.memref_slice %arg2[%dma_wait3A_340, %dma_wait3A_341] : memref<20000x128xf32, #tpu.memory_space<hbm>> -> memref<20000x128xf32, #tpu.memory_space<hbm>>
      tpu.wait_indirect_dma semaphore(%arg19 : memref<!tpu.dma_semaphore, #tpu.memory_space<semaphore_mem>>) src(%dma_wait3A_342 : memref<20000x128xf32, #tpu.memory_space<hbm>>) dst(%dma_wait3A_336 : memref<128x128xf32, #tpu.memory_space<vmem>>)
      %dma_start3A_343 = arith.constant 1 : i32
      %dma_start3A_344 = arith.constant 0 : i32
      %dma_start3A_345 = arith.constant 1 : i32
      %dma_start3A_346 = arith.constant 0 : i32
      %dma_start3A_347 = arith.constant 0 : i32
      %dma_start3A_348 = tpu.memref_slice %arg11[%dma_start3A_343, %dma_start3A_346, %dma_start3A_347] : memref<2x128x128xf32, #tpu.memory_space<vmem>> -> memref<1x128x128xf32, #tpu.memory_space<vmem>>
      %dma_start3A_349 = tpu.memref_squeeze %dma_start3A_348 : memref<1x128x128xf32, #tpu.memory_space<vmem>> -> memref<128x128xf32, #tpu.memory_space<vmem>>
      %dma_start3A_350 = arith.constant 0 : i32
      %dma_start3A_351 = tpu.memref_slice %arg10[%dma_start3A_344, %dma_start3A_345, %dma_start3A_350] : memref<2x2x128xi32, #tpu.memory_space<vmem>> -> memref<1x1x128xi32, #tpu.memory_space<vmem>>
      %dma_start3A_352 = tpu.memref_squeeze %dma_start3A_351 : memref<1x1x128xi32, #tpu.memory_space<vmem>> -> memref<128xi32, #tpu.memory_space<vmem>>
      %dma_start3A_353 = arith.constant 0 : i32
      %dma_start3A_354 = arith.constant 0 : i32
      %dma_start3A_355 = tpu.memref_slice %arg16[%dma_start3A_353, %dma_start3A_354] : memref<10000x128xf32, #tpu.memory_space<vmem_shared>> -> memref<10000x128xf32, #tpu.memory_space<vmem_shared>>
      tpu.enqueue_indirect_dma source(%dma_start3A_349 : memref<128x128xf32, #tpu.memory_space<vmem>>) target(%dma_start3A_355 : memref<10000x128xf32, #tpu.memory_space<vmem_shared>>) offsets(%dma_start3A_352 : memref<128xi32, #tpu.memory_space<vmem>>) semaphore(%arg21 : memref<!tpu.dma_semaphore, #tpu.memory_space<semaphore_mem>>) {add = true}
      %mul3A_356 = arith.constant 2 : i32
      %mul3A_357 = arith.muli %scan3A_118, %mul3A_356 : i32
      %add3A_358 = arith.constant 1 : i32
      %add3A_359 = arith.addi %mul3A_357, %add3A_358 : i32
      %dma_wait3A_360 = arith.constant 1 : i32
      %dma_wait3A_361 = arith.constant 0 : i32
      %dma_wait3A_362 = arith.constant 0 : i32
      %dma_wait3A_363 = tpu.memref_slice %arg9[%dma_wait3A_360, %dma_wait3A_361, %dma_wait3A_362] : memref<2x2x128xi32, #tpu.memory_space<vmem>> -> memref<1x1x128xi32, #tpu.memory_space<vmem>>
      %dma_wait3A_364 = tpu.memref_squeeze %dma_wait3A_363 : memref<1x1x128xi32, #tpu.memory_space<vmem>> -> memref<128xi32, #tpu.memory_space<vmem>>
      %dma_wait3A_365 = arith.constant 0 : i32
      %dma_wait3A_366 = tpu.memref_slice %arg3[%dma_wait3A_365] : memref<640000xi32, #tpu.memory_space<hbm>> -> memref<128xi32, #tpu.memory_space<hbm>>
      %dma_wait3A_367 = arith.constant 0 : i32
      %dma_wait3A_368 = tpu.memref_slice %arg9[%dma_wait3A_360, %dma_wait3A_361, %dma_wait3A_367] : memref<2x2x128xi32, #tpu.memory_space<vmem>> -> memref<1x1x128xi32, #tpu.memory_space<vmem>>
      %dma_wait3A_369 = tpu.memref_squeeze %dma_wait3A_368 : memref<1x1x128xi32, #tpu.memory_space<vmem>> -> memref<128xi32, #tpu.memory_space<vmem>>
      %dma_wait3A_370 = arith.constant 0 : i32
      %dma_wait3A_371 = tpu.memref_slice %arg3[%dma_wait3A_370] : memref<640000xi32, #tpu.memory_space<hbm>> -> memref<128xi32, #tpu.memory_space<hbm>>
      tpu.wait_dma2 semaphore(%arg17 : memref<!tpu.dma_semaphore, #tpu.memory_space<semaphore_mem>>) src(%dma_wait3A_371 : memref<128xi32, #tpu.memory_space<hbm>>) dst(%dma_wait3A_369 : memref<128xi32, #tpu.memory_space<vmem>>)
      %dma_wait3A_372 = arith.constant 1 : i32
      %dma_wait3A_373 = arith.constant 0 : i32
      %dma_wait3A_374 = arith.constant 0 : i32
      %dma_wait3A_375 = tpu.memref_slice %arg10[%dma_wait3A_372, %dma_wait3A_373, %dma_wait3A_374] : memref<2x2x128xi32, #tpu.memory_space<vmem>> -> memref<1x1x128xi32, #tpu.memory_space<vmem>>
      %dma_wait3A_376 = tpu.memref_squeeze %dma_wait3A_375 : memref<1x1x128xi32, #tpu.memory_space<vmem>> -> memref<128xi32, #tpu.memory_space<vmem>>
      %dma_wait3A_377 = arith.constant 0 : i32
      %dma_wait3A_378 = tpu.memref_slice %arg4[%dma_wait3A_377] : memref<640000xi32, #tpu.memory_space<hbm>> -> memref<128xi32, #tpu.memory_space<hbm>>
      %dma_wait3A_379 = arith.constant 0 : i32
      %dma_wait3A_380 = tpu.memref_slice %arg10[%dma_wait3A_372, %dma_wait3A_373, %dma_wait3A_379] : memref<2x2x128xi32, #tpu.memory_space<vmem>> -> memref<1x1x128xi32, #tpu.memory_space<vmem>>
      %dma_wait3A_381 = tpu.memref_squeeze %dma_wait3A_380 : memref<1x1x128xi32, #tpu.memory_space<vmem>> -> memref<128xi32, #tpu.memory_space<vmem>>
      %dma_wait3A_382 = arith.constant 0 : i32
      %dma_wait3A_383 = tpu.memref_slice %arg4[%dma_wait3A_382] : memref<640000xi32, #tpu.memory_space<hbm>> -> memref<128xi32, #tpu.memory_space<hbm>>
      tpu.wait_dma2 semaphore(%arg17 : memref<!tpu.dma_semaphore, #tpu.memory_space<semaphore_mem>>) src(%dma_wait3A_383 : memref<128xi32, #tpu.memory_space<hbm>>) dst(%dma_wait3A_381 : memref<128xi32, #tpu.memory_space<vmem>>)
      %dma_wait3A_384 = arith.constant 1 : i32
      %dma_wait3A_385 = arith.constant 1 : i32
      %dma_wait3A_386 = arith.constant 0 : i32
      %dma_wait3A_387 = tpu.memref_slice %arg9[%dma_wait3A_384, %dma_wait3A_385, %dma_wait3A_386] : memref<2x2x128xi32, #tpu.memory_space<vmem>> -> memref<1x1x128xi32, #tpu.memory_space<vmem>>
      %dma_wait3A_388 = tpu.memref_squeeze %dma_wait3A_387 : memref<1x1x128xi32, #tpu.memory_space<vmem>> -> memref<128xi32, #tpu.memory_space<vmem>>
      %dma_wait3A_389 = arith.constant 0 : i32
      %dma_wait3A_390 = tpu.memref_slice %arg3[%dma_wait3A_389] : memref<640000xi32, #tpu.memory_space<hbm>> -> memref<128xi32, #tpu.memory_space<hbm>>
      %dma_wait3A_391 = arith.constant 0 : i32
      %dma_wait3A_392 = tpu.memref_slice %arg9[%dma_wait3A_384, %dma_wait3A_385, %dma_wait3A_391] : memref<2x2x128xi32, #tpu.memory_space<vmem>> -> memref<1x1x128xi32, #tpu.memory_space<vmem>>
      %dma_wait3A_393 = tpu.memref_squeeze %dma_wait3A_392 : memref<1x1x128xi32, #tpu.memory_space<vmem>> -> memref<128xi32, #tpu.memory_space<vmem>>
      %dma_wait3A_394 = arith.constant 0 : i32
      %dma_wait3A_395 = tpu.memref_slice %arg3[%dma_wait3A_394] : memref<640000xi32, #tpu.memory_space<hbm>> -> memref<128xi32, #tpu.memory_space<hbm>>
      tpu.wait_dma2 semaphore(%arg17 : memref<!tpu.dma_semaphore, #tpu.memory_space<semaphore_mem>>) src(%dma_wait3A_395 : memref<128xi32, #tpu.memory_space<hbm>>) dst(%dma_wait3A_393 : memref<128xi32, #tpu.memory_space<vmem>>)
      %dma_wait3A_396 = arith.constant 1 : i32
      %dma_wait3A_397 = arith.constant 1 : i32
      %dma_wait3A_398 = arith.constant 0 : i32
      %dma_wait3A_399 = tpu.memref_slice %arg10[%dma_wait3A_396, %dma_wait3A_397, %dma_wait3A_398] : memref<2x2x128xi32, #tpu.memory_space<vmem>> -> memref<1x1x128xi32, #tpu.memory_space<vmem>>
      %dma_wait3A_400 = tpu.memref_squeeze %dma_wait3A_399 : memref<1x1x128xi32, #tpu.memory_space<vmem>> -> memref<128xi32, #tpu.memory_space<vmem>>
      %dma_wait3A_401 = arith.constant 0 : i32
      %dma_wait3A_402 = tpu.memref_slice %arg4[%dma_wait3A_401] : memref<640000xi32, #tpu.memory_space<hbm>> -> memref<128xi32, #tpu.memory_space<hbm>>
      %dma_wait3A_403 = arith.constant 0 : i32
      %dma_wait3A_404 = tpu.memref_slice %arg10[%dma_wait3A_396, %dma_wait3A_397, %dma_wait3A_403] : memref<2x2x128xi32, #tpu.memory_space<vmem>> -> memref<1x1x128xi32, #tpu.memory_space<vmem>>
      %dma_wait3A_405 = tpu.memref_squeeze %dma_wait3A_404 : memref<1x1x128xi32, #tpu.memory_space<vmem>> -> memref<128xi32, #tpu.memory_space<vmem>>
      %dma_wait3A_406 = arith.constant 0 : i32
      %dma_wait3A_407 = tpu.memref_slice %arg4[%dma_wait3A_406] : memref<640000xi32, #tpu.memory_space<hbm>> -> memref<128xi32, #tpu.memory_space<hbm>>
      tpu.wait_dma2 semaphore(%arg17 : memref<!tpu.dma_semaphore, #tpu.memory_space<semaphore_mem>>) src(%dma_wait3A_407 : memref<128xi32, #tpu.memory_space<hbm>>) dst(%dma_wait3A_405 : memref<128xi32, #tpu.memory_space<vmem>>)
      %lt3A_408 = arith.constant 77 : i32
      %lt3A_409 = arith.cmpi slt, %add3A_359, %lt3A_408 : i32
      %convert_element_type3A_410 = arith.extui %lt3A_409 : i1 to i32
      %cond3A_411 = arith.constant 0 : i32
      %cond3A_412 = arith.cmpi ne, %convert_element_type3A_410, %cond3A_411 : i32
      scf.if %cond3A_412 {
        %add3A_597 = arith.constant 1 : i32
        %add3A_598 = arith.addi %add3A_359, %add3A_597 : i32
        %mul3A_599 = arith.constant 256 : i32
        %mul3A_600 = arith.muli %add3A_598, %mul3A_599 : i32
        %add3A_601 = arith.addi %multiple_of3A_7, %mul3A_600 : i32
        %multiple_of3A_602 = tpu.assume_multiple %add3A_601, 8 : i32
        %add3A_603 = arith.constant 0 : i32
        %add3A_604 = arith.addi %multiple_of3A_602, %add3A_603 : i32
        %multiple_of3A_605 = tpu.assume_multiple %add3A_604, 8 : i32
        %dma_start3A_606 = arith.constant 0 : i32
        %dma_start3A_607 = arith.constant 0 : i32
        %dma_start3A_608 = arith.constant 0 : i32
        %dma_start3A_609 = tpu.memref_slice %arg9[%dma_start3A_606, %dma_start3A_607, %dma_start3A_608] : memref<2x2x128xi32, #tpu.memory_space<vmem>> -> memref<1x1x128xi32, #tpu.memory_space<vmem>>
        %dma_start3A_610 = tpu.memref_squeeze %dma_start3A_609 : memref<1x1x128xi32, #tpu.memory_space<vmem>> -> memref<128xi32, #tpu.memory_space<vmem>>
        %dma_start3A_611 = tpu.memref_slice %arg3[%multiple_of3A_605] : memref<640000xi32, #tpu.memory_space<hbm>> -> memref<128xi32, #tpu.memory_space<hbm>>
        %dma_start3A_612 = arith.constant 0 : i32
        %dma_start3A_613 = tpu.memref_slice %arg9[%dma_start3A_606, %dma_start3A_607, %dma_start3A_612] : memref<2x2x128xi32, #tpu.memory_space<vmem>> -> memref<1x1x128xi32, #tpu.memory_space<vmem>>
        %dma_start3A_614 = tpu.memref_squeeze %dma_start3A_613 : memref<1x1x128xi32, #tpu.memory_space<vmem>> -> memref<128xi32, #tpu.memory_space<vmem>>
        %dma_start3A_615 = tpu.memref_slice %arg3[%multiple_of3A_605] : memref<640000xi32, #tpu.memory_space<hbm>> -> memref<128xi32, #tpu.memory_space<hbm>>
        tpu.enqueue_dma source(%dma_start3A_615 : memref<128xi32, #tpu.memory_space<hbm>>) target(%dma_start3A_614 : memref<128xi32, #tpu.memory_space<vmem>>) target_semaphore(%arg17 : memref<!tpu.dma_semaphore, #tpu.memory_space<semaphore_mem>>)
        %dma_start3A_616 = arith.constant 0 : i32
        %dma_start3A_617 = arith.constant 0 : i32
        %dma_start3A_618 = arith.constant 0 : i32
        %dma_start3A_619 = tpu.memref_slice %arg10[%dma_start3A_616, %dma_start3A_617, %dma_start3A_618] : memref<2x2x128xi32, #tpu.memory_space<vmem>> -> memref<1x1x128xi32, #tpu.memory_space<vmem>>
        %dma_start3A_620 = tpu.memref_squeeze %dma_start3A_619 : memref<1x1x128xi32, #tpu.memory_space<vmem>> -> memref<128xi32, #tpu.memory_space<vmem>>
        %dma_start3A_621 = tpu.memref_slice %arg4[%multiple_of3A_605] : memref<640000xi32, #tpu.memory_space<hbm>> -> memref<128xi32, #tpu.memory_space<hbm>>
        %dma_start3A_622 = arith.constant 0 : i32
        %dma_start3A_623 = tpu.memref_slice %arg10[%dma_start3A_616, %dma_start3A_617, %dma_start3A_622] : memref<2x2x128xi32, #tpu.memory_space<vmem>> -> memref<1x1x128xi32, #tpu.memory_space<vmem>>
        %dma_start3A_624 = tpu.memref_squeeze %dma_start3A_623 : memref<1x1x128xi32, #tpu.memory_space<vmem>> -> memref<128xi32, #tpu.memory_space<vmem>>
        %dma_start3A_625 = tpu.memref_slice %arg4[%multiple_of3A_605] : memref<640000xi32, #tpu.memory_space<hbm>> -> memref<128xi32, #tpu.memory_space<hbm>>
        tpu.enqueue_dma source(%dma_start3A_625 : memref<128xi32, #tpu.memory_space<hbm>>) target(%dma_start3A_624 : memref<128xi32, #tpu.memory_space<vmem>>) target_semaphore(%arg17 : memref<!tpu.dma_semaphore, #tpu.memory_space<semaphore_mem>>)
        %add3A_626 = arith.constant 128 : i32
        %add3A_627 = arith.addi %multiple_of3A_602, %add3A_626 : i32
        %multiple_of3A_628 = tpu.assume_multiple %add3A_627, 8 : i32
        %dma_start3A_629 = arith.constant 0 : i32
        %dma_start3A_630 = arith.constant 1 : i32
        %dma_start3A_631 = arith.constant 0 : i32
        %dma_start3A_632 = tpu.memref_slice %arg9[%dma_start3A_629, %dma_start3A_630, %dma_start3A_631] : memref<2x2x128xi32, #tpu.memory_space<vmem>> -> memref<1x1x128xi32, #tpu.memory_space<vmem>>
        %dma_start3A_633 = tpu.memref_squeeze %dma_start3A_632 : memref<1x1x128xi32, #tpu.memory_space<vmem>> -> memref<128xi32, #tpu.memory_space<vmem>>
        %dma_start3A_634 = tpu.memref_slice %arg3[%multiple_of3A_628] : memref<640000xi32, #tpu.memory_space<hbm>> -> memref<128xi32, #tpu.memory_space<hbm>>
        %dma_start3A_635 = arith.constant 0 : i32
        %dma_start3A_636 = tpu.memref_slice %arg9[%dma_start3A_629, %dma_start3A_630, %dma_start3A_635] : memref<2x2x128xi32, #tpu.memory_space<vmem>> -> memref<1x1x128xi32, #tpu.memory_space<vmem>>
        %dma_start3A_637 = tpu.memref_squeeze %dma_start3A_636 : memref<1x1x128xi32, #tpu.memory_space<vmem>> -> memref<128xi32, #tpu.memory_space<vmem>>
        %dma_start3A_638 = tpu.memref_slice %arg3[%multiple_of3A_628] : memref<640000xi32, #tpu.memory_space<hbm>> -> memref<128xi32, #tpu.memory_space<hbm>>
        tpu.enqueue_dma source(%dma_start3A_638 : memref<128xi32, #tpu.memory_space<hbm>>) target(%dma_start3A_637 : memref<128xi32, #tpu.memory_space<vmem>>) target_semaphore(%arg17 : memref<!tpu.dma_semaphore, #tpu.memory_space<semaphore_mem>>)
        %dma_start3A_639 = arith.constant 0 : i32
        %dma_start3A_640 = arith.constant 1 : i32
        %dma_start3A_641 = arith.constant 0 : i32
        %dma_start3A_642 = tpu.memref_slice %arg10[%dma_start3A_639, %dma_start3A_640, %dma_start3A_641] : memref<2x2x128xi32, #tpu.memory_space<vmem>> -> memref<1x1x128xi32, #tpu.memory_space<vmem>>
        %dma_start3A_643 = tpu.memref_squeeze %dma_start3A_642 : memref<1x1x128xi32, #tpu.memory_space<vmem>> -> memref<128xi32, #tpu.memory_space<vmem>>
        %dma_start3A_644 = tpu.memref_slice %arg4[%multiple_of3A_628] : memref<640000xi32, #tpu.memory_space<hbm>> -> memref<128xi32, #tpu.memory_space<hbm>>
        %dma_start3A_645 = arith.constant 0 : i32
        %dma_start3A_646 = tpu.memref_slice %arg10[%dma_start3A_639, %dma_start3A_640, %dma_start3A_645] : memref<2x2x128xi32, #tpu.memory_space<vmem>> -> memref<1x1x128xi32, #tpu.memory_space<vmem>>
        %dma_start3A_647 = tpu.memref_squeeze %dma_start3A_646 : memref<1x1x128xi32, #tpu.memory_space<vmem>> -> memref<128xi32, #tpu.memory_space<vmem>>
        %dma_start3A_648 = tpu.memref_slice %arg4[%multiple_of3A_628] : memref<640000xi32, #tpu.memory_space<hbm>> -> memref<128xi32, #tpu.memory_space<hbm>>
        tpu.enqueue_dma source(%dma_start3A_648 : memref<128xi32, #tpu.memory_space<hbm>>) target(%dma_start3A_647 : memref<128xi32, #tpu.memory_space<vmem>>) target_semaphore(%arg17 : memref<!tpu.dma_semaphore, #tpu.memory_space<semaphore_mem>>)
      } else {
      }
      %gt3A_413 = arith.constant 0 : i32
      %gt3A_414 = arith.cmpi sgt, %add3A_359, %gt3A_413 : i32
      %convert_element_type3A_415 = arith.extui %gt3A_414 : i1 to i32
      %cond3A_416 = arith.constant 0 : i32
      %cond3A_417 = arith.cmpi ne, %convert_element_type3A_415, %cond3A_416 : i32
      scf.if %cond3A_417 {
        %dma_wait3A_597 = arith.constant 0 : i32
        %dma_wait3A_598 = arith.constant 1 : i32
        %dma_wait3A_599 = arith.constant 0 : i32
        %dma_wait3A_600 = arith.constant 0 : i32
        %dma_wait3A_601 = arith.constant 0 : i32
        %dma_wait3A_602 = tpu.memref_slice %arg11[%dma_wait3A_597, %dma_wait3A_600, %dma_wait3A_601] : memref<2x128x128xf32, #tpu.memory_space<vmem>> -> memref<1x128x128xf32, #tpu.memory_space<vmem>>
        %dma_wait3A_603 = tpu.memref_squeeze %dma_wait3A_602 : memref<1x128x128xf32, #tpu.memory_space<vmem>> -> memref<128x128xf32, #tpu.memory_space<vmem>>
        %dma_wait3A_604 = arith.constant 0 : i32
        %dma_wait3A_605 = tpu.memref_slice %arg10[%dma_wait3A_598, %dma_wait3A_599, %dma_wait3A_604] : memref<2x2x128xi32, #tpu.memory_space<vmem>> -> memref<1x1x128xi32, #tpu.memory_space<vmem>>
        %dma_wait3A_606 = tpu.memref_squeeze %dma_wait3A_605 : memref<1x1x128xi32, #tpu.memory_space<vmem>> -> memref<128xi32, #tpu.memory_space<vmem>>
        %dma_wait3A_607 = arith.constant 0 : i32
        %dma_wait3A_608 = arith.constant 0 : i32
        %dma_wait3A_609 = tpu.memref_slice %arg16[%dma_wait3A_607, %dma_wait3A_608] : memref<10000x128xf32, #tpu.memory_space<vmem_shared>> -> memref<10000x128xf32, #tpu.memory_space<vmem_shared>>
        tpu.wait_indirect_dma semaphore(%arg20 : memref<!tpu.dma_semaphore, #tpu.memory_space<semaphore_mem>>) src(%dma_wait3A_603 : memref<128x128xf32, #tpu.memory_space<vmem>>) dst(%dma_wait3A_609 : memref<10000x128xf32, #tpu.memory_space<vmem_shared>>)
      } else {
      }
      %gt3A_418 = arith.constant 0 : i32
      %gt3A_419 = arith.cmpi sgt, %add3A_359, %gt3A_418 : i32
      %convert_element_type3A_420 = arith.extui %gt3A_419 : i1 to i32
      %cond3A_421 = arith.constant 0 : i32
      %cond3A_422 = arith.cmpi ne, %convert_element_type3A_420, %cond3A_421 : i32
      scf.if %cond3A_422 {
        %dma_wait3A_597 = arith.constant 1 : i32
        %dma_wait3A_598 = arith.constant 1 : i32
        %dma_wait3A_599 = arith.constant 1 : i32
        %dma_wait3A_600 = arith.constant 0 : i32
        %dma_wait3A_601 = arith.constant 0 : i32
        %dma_wait3A_602 = tpu.memref_slice %arg11[%dma_wait3A_597, %dma_wait3A_600, %dma_wait3A_601] : memref<2x128x128xf32, #tpu.memory_space<vmem>> -> memref<1x128x128xf32, #tpu.memory_space<vmem>>
        %dma_wait3A_603 = tpu.memref_squeeze %dma_wait3A_602 : memref<1x128x128xf32, #tpu.memory_space<vmem>> -> memref<128x128xf32, #tpu.memory_space<vmem>>
        %dma_wait3A_604 = arith.constant 0 : i32
        %dma_wait3A_605 = tpu.memref_slice %arg10[%dma_wait3A_598, %dma_wait3A_599, %dma_wait3A_604] : memref<2x2x128xi32, #tpu.memory_space<vmem>> -> memref<1x1x128xi32, #tpu.memory_space<vmem>>
        %dma_wait3A_606 = tpu.memref_squeeze %dma_wait3A_605 : memref<1x1x128xi32, #tpu.memory_space<vmem>> -> memref<128xi32, #tpu.memory_space<vmem>>
        %dma_wait3A_607 = arith.constant 0 : i32
        %dma_wait3A_608 = arith.constant 0 : i32
        %dma_wait3A_609 = tpu.memref_slice %arg16[%dma_wait3A_607, %dma_wait3A_608] : memref<10000x128xf32, #tpu.memory_space<vmem_shared>> -> memref<10000x128xf32, #tpu.memory_space<vmem_shared>>
        tpu.wait_indirect_dma semaphore(%arg21 : memref<!tpu.dma_semaphore, #tpu.memory_space<semaphore_mem>>) src(%dma_wait3A_603 : memref<128x128xf32, #tpu.memory_space<vmem>>) dst(%dma_wait3A_609 : memref<10000x128xf32, #tpu.memory_space<vmem_shared>>)
      } else {
      }
      %dma_start3A_423 = arith.constant 1 : i32
      %dma_start3A_424 = arith.constant 0 : i32
      %dma_start3A_425 = arith.constant 0 : i32
      %dma_start3A_426 = arith.constant 0 : i32
      %dma_start3A_427 = arith.constant 0 : i32
      %dma_start3A_428 = tpu.memref_slice %arg11[%dma_start3A_425, %dma_start3A_426, %dma_start3A_427] : memref<2x128x128xf32, #tpu.memory_space<vmem>> -> memref<1x128x128xf32, #tpu.memory_space<vmem>>
      %dma_start3A_429 = tpu.memref_squeeze %dma_start3A_428 : memref<1x128x128xf32, #tpu.memory_space<vmem>> -> memref<128x128xf32, #tpu.memory_space<vmem>>
      %dma_start3A_430 = arith.constant 0 : i32
      %dma_start3A_431 = tpu.memref_slice %arg9[%dma_start3A_423, %dma_start3A_424, %dma_start3A_430] : memref<2x2x128xi32, #tpu.memory_space<vmem>> -> memref<1x1x128xi32, #tpu.memory_space<vmem>>
      %dma_start3A_432 = tpu.memref_squeeze %dma_start3A_431 : memref<1x1x128xi32, #tpu.memory_space<vmem>> -> memref<128xi32, #tpu.memory_space<vmem>>
      %dma_start3A_433 = arith.constant 0 : i32
      %dma_start3A_434 = arith.constant 0 : i32
      %dma_start3A_435 = tpu.memref_slice %arg2[%dma_start3A_433, %dma_start3A_434] : memref<20000x128xf32, #tpu.memory_space<hbm>> -> memref<20000x128xf32, #tpu.memory_space<hbm>>
      tpu.enqueue_indirect_dma source(%dma_start3A_435 : memref<20000x128xf32, #tpu.memory_space<hbm>>) target(%dma_start3A_429 : memref<128x128xf32, #tpu.memory_space<vmem>>) offsets(%dma_start3A_432 : memref<128xi32, #tpu.memory_space<vmem>>) semaphore(%arg18 : memref<!tpu.dma_semaphore, #tpu.memory_space<semaphore_mem>>)
      %dma_start3A_436 = arith.constant 1 : i32
      %dma_start3A_437 = arith.constant 1 : i32
      %dma_start3A_438 = arith.constant 1 : i32
      %dma_start3A_439 = arith.constant 0 : i32
      %dma_start3A_440 = arith.constant 0 : i32
      %dma_start3A_441 = tpu.memref_slice %arg11[%dma_start3A_438, %dma_start3A_439, %dma_start3A_440] : memref<2x128x128xf32, #tpu.memory_space<vmem>> -> memref<1x128x128xf32, #tpu.memory_space<vmem>>
      %dma_start3A_442 = tpu.memref_squeeze %dma_start3A_441 : memref<1x128x128xf32, #tpu.memory_space<vmem>> -> memref<128x128xf32, #tpu.memory_space<vmem>>
      %dma_start3A_443 = arith.constant 0 : i32
      %dma_start3A_444 = tpu.memref_slice %arg9[%dma_start3A_436, %dma_start3A_437, %dma_start3A_443] : memref<2x2x128xi32, #tpu.memory_space<vmem>> -> memref<1x1x128xi32, #tpu.memory_space<vmem>>
      %dma_start3A_445 = tpu.memref_squeeze %dma_start3A_444 : memref<1x1x128xi32, #tpu.memory_space<vmem>> -> memref<128xi32, #tpu.memory_space<vmem>>
      %dma_start3A_446 = arith.constant 0 : i32
      %dma_start3A_447 = arith.constant 0 : i32
      %dma_start3A_448 = tpu.memref_slice %arg2[%dma_start3A_446, %dma_start3A_447] : memref<20000x128xf32, #tpu.memory_space<hbm>> -> memref<20000x128xf32, #tpu.memory_space<hbm>>
      tpu.enqueue_indirect_dma source(%dma_start3A_448 : memref<20000x128xf32, #tpu.memory_space<hbm>>) target(%dma_start3A_442 : memref<128x128xf32, #tpu.memory_space<vmem>>) offsets(%dma_start3A_445 : memref<128xi32, #tpu.memory_space<vmem>>) semaphore(%arg19 : memref<!tpu.dma_semaphore, #tpu.memory_space<semaphore_mem>>)
      %get3A_449 = arith.constant 1 : i32
      %get3A_450 = arith.constant 0 : i32
      %get3A_451 = arith.index_cast %get3A_449 : i32 to index
      %get3A_452 = arith.index_cast %get3A_450 : i32 to index
      %get3A_453 = arith.constant 0 : index
      %get3A_454 = tpu.vector_load %arg10[%get3A_451, %get3A_452, %get3A_453] {strides = array<i32>} : memref<2x2x128xi32, #tpu.memory_space<vmem>>, vector<16xi32>,
      tpu.vector_store_idx %arg15[%get3A_454], %broadcast_in_dim3A_8 {add = true} : memref<10000xf32, #tpu.memory_space<vmem>>[vector<16xi32>], vector<16xf32>,
      %get3A_455 = arith.constant 1 : i32
      %get3A_456 = arith.constant 0 : i32
      %get3A_457 = arith.index_cast %get3A_455 : i32 to index
      %get3A_458 = arith.index_cast %get3A_456 : i32 to index
      %get3A_459 = arith.constant 16 : index
      %get3A_460 = tpu.vector_load %arg10[%get3A_457, %get3A_458, %get3A_459] {strides = array<i32>} : memref<2x2x128xi32, #tpu.memory_space<vmem>>, vector<16xi32>,
      tpu.vector_store_idx %arg15[%get3A_460], %broadcast_in_dim3A_8 {add = true} : memref<10000xf32, #tpu.memory_space<vmem>>[vector<16xi32>], vector<16xf32>,
      %get3A_461 = arith.constant 1 : i32
      %get3A_462 = arith.constant 0 : i32
      %get3A_463 = arith.index_cast %get3A_461 : i32 to index
      %get3A_464 = arith.index_cast %get3A_462 : i32 to index
      %get3A_465 = arith.constant 32 : index
      %get3A_466 = tpu.vector_load %arg10[%get3A_463, %get3A_464, %get3A_465] {strides = array<i32>} : memref<2x2x128xi32, #tpu.memory_space<vmem>>, vector<16xi32>,
      tpu.vector_store_idx %arg15[%get3A_466], %broadcast_in_dim3A_8 {add = true} : memref<10000xf32, #tpu.memory_space<vmem>>[vector<16xi32>], vector<16xf32>,
      %get3A_467 = arith.constant 1 : i32
      %get3A_468 = arith.constant 0 : i32
      %get3A_469 = arith.index_cast %get3A_467 : i32 to index
      %get3A_470 = arith.index_cast %get3A_468 : i32 to index
      %get3A_471 = arith.constant 48 : index
      %get3A_472 = tpu.vector_load %arg10[%get3A_469, %get3A_470, %get3A_471] {strides = array<i32>} : memref<2x2x128xi32, #tpu.memory_space<vmem>>, vector<16xi32>,
      tpu.vector_store_idx %arg15[%get3A_472], %broadcast_in_dim3A_8 {add = true} : memref<10000xf32, #tpu.memory_space<vmem>>[vector<16xi32>], vector<16xf32>,
      %get3A_473 = arith.constant 1 : i32
      %get3A_474 = arith.constant 0 : i32
      %get3A_475 = arith.index_cast %get3A_473 : i32 to index
      %get3A_476 = arith.index_cast %get3A_474 : i32 to index
      %get3A_477 = arith.constant 64 : index
      %get3A_478 = tpu.vector_load %arg10[%get3A_475, %get3A_476, %get3A_477] {strides = array<i32>} : memref<2x2x128xi32, #tpu.memory_space<vmem>>, vector<16xi32>,
      tpu.vector_store_idx %arg15[%get3A_478], %broadcast_in_dim3A_8 {add = true} : memref<10000xf32, #tpu.memory_space<vmem>>[vector<16xi32>], vector<16xf32>,
      %get3A_479 = arith.constant 1 : i32
      %get3A_480 = arith.constant 0 : i32
      %get3A_481 = arith.index_cast %get3A_479 : i32 to index
      %get3A_482 = arith.index_cast %get3A_480 : i32 to index
      %get3A_483 = arith.constant 80 : index
      %get3A_484 = tpu.vector_load %arg10[%get3A_481, %get3A_482, %get3A_483] {strides = array<i32>} : memref<2x2x128xi32, #tpu.memory_space<vmem>>, vector<16xi32>,
      tpu.vector_store_idx %arg15[%get3A_484], %broadcast_in_dim3A_8 {add = true} : memref<10000xf32, #tpu.memory_space<vmem>>[vector<16xi32>], vector<16xf32>,
      %get3A_485 = arith.constant 1 : i32
      %get3A_486 = arith.constant 0 : i32
      %get3A_487 = arith.index_cast %get3A_485 : i32 to index
      %get3A_488 = arith.index_cast %get3A_486 : i32 to index
      %get3A_489 = arith.constant 96 : index
      %get3A_490 = tpu.vector_load %arg10[%get3A_487, %get3A_488, %get3A_489] {strides = array<i32>} : memref<2x2x128xi32, #tpu.memory_space<vmem>>, vector<16xi32>,
      tpu.vector_store_idx %arg15[%get3A_490], %broadcast_in_dim3A_8 {add = true} : memref<10000xf32, #tpu.memory_space<vmem>>[vector<16xi32>], vector<16xf32>,
      %get3A_491 = arith.constant 1 : i32
      %get3A_492 = arith.constant 0 : i32
      %get3A_493 = arith.index_cast %get3A_491 : i32 to index
      %get3A_494 = arith.index_cast %get3A_492 : i32 to index
      %get3A_495 = arith.constant 112 : index
      %get3A_496 = tpu.vector_load %arg10[%get3A_493, %get3A_494, %get3A_495] {strides = array<i32>} : memref<2x2x128xi32, #tpu.memory_space<vmem>>, vector<16xi32>,
      tpu.vector_store_idx %arg15[%get3A_496], %broadcast_in_dim3A_8 {add = true} : memref<10000xf32, #tpu.memory_space<vmem>>[vector<16xi32>], vector<16xf32>,
      %get3A_497 = arith.constant 1 : i32
      %get3A_498 = arith.constant 1 : i32
      %get3A_499 = arith.index_cast %get3A_497 : i32 to index
      %get3A_500 = arith.index_cast %get3A_498 : i32 to index
      %get3A_501 = arith.constant 0 : index
      %get3A_502 = tpu.vector_load %arg10[%get3A_499, %get3A_500, %get3A_501] {strides = array<i32>} : memref<2x2x128xi32, #tpu.memory_space<vmem>>, vector<16xi32>,
      tpu.vector_store_idx %arg15[%get3A_502], %broadcast_in_dim3A_8 {add = true} : memref<10000xf32, #tpu.memory_space<vmem>>[vector<16xi32>], vector<16xf32>,
      %get3A_503 = arith.constant 1 : i32
      %get3A_504 = arith.constant 1 : i32
      %get3A_505 = arith.index_cast %get3A_503 : i32 to index
      %get3A_506 = arith.index_cast %get3A_504 : i32 to index
      %get3A_507 = arith.constant 16 : index
      %get3A_508 = tpu.vector_load %arg10[%get3A_505, %get3A_506, %get3A_507] {strides = array<i32>} : memref<2x2x128xi32, #tpu.memory_space<vmem>>, vector<16xi32>,
      tpu.vector_store_idx %arg15[%get3A_508], %broadcast_in_dim3A_8 {add = true} : memref<10000xf32, #tpu.memory_space<vmem>>[vector<16xi32>], vector<16xf32>,
      %get3A_509 = arith.constant 1 : i32
      %get3A_510 = arith.constant 1 : i32
      %get3A_511 = arith.index_cast %get3A_509 : i32 to index
      %get3A_512 = arith.index_cast %get3A_510 : i32 to index
      %get3A_513 = arith.constant 32 : index
      %get3A_514 = tpu.vector_load %arg10[%get3A_511, %get3A_512, %get3A_513] {strides = array<i32>} : memref<2x2x128xi32, #tpu.memory_space<vmem>>, vector<16xi32>,
      tpu.vector_store_idx %arg15[%get3A_514], %broadcast_in_dim3A_8 {add = true} : memref<10000xf32, #tpu.memory_space<vmem>>[vector<16xi32>], vector<16xf32>,
      %get3A_515 = arith.constant 1 : i32
      %get3A_516 = arith.constant 1 : i32
      %get3A_517 = arith.index_cast %get3A_515 : i32 to index
      %get3A_518 = arith.index_cast %get3A_516 : i32 to index
      %get3A_519 = arith.constant 48 : index
      %get3A_520 = tpu.vector_load %arg10[%get3A_517, %get3A_518, %get3A_519] {strides = array<i32>} : memref<2x2x128xi32, #tpu.memory_space<vmem>>, vector<16xi32>,
      tpu.vector_store_idx %arg15[%get3A_520], %broadcast_in_dim3A_8 {add = true} : memref<10000xf32, #tpu.memory_space<vmem>>[vector<16xi32>], vector<16xf32>,
      %get3A_521 = arith.constant 1 : i32
      %get3A_522 = arith.constant 1 : i32
      %get3A_523 = arith.index_cast %get3A_521 : i32 to index
      %get3A_524 = arith.index_cast %get3A_522 : i32 to index
      %get3A_525 = arith.constant 64 : index
      %get3A_526 = tpu.vector_load %arg10[%get3A_523, %get3A_524, %get3A_525] {strides = array<i32>} : memref<2x2x128xi32, #tpu.memory_space<vmem>>, vector<16xi32>,
      tpu.vector_store_idx %arg15[%get3A_526], %broadcast_in_dim3A_8 {add = true} : memref<10000xf32, #tpu.memory_space<vmem>>[vector<16xi32>], vector<16xf32>,
      %get3A_527 = arith.constant 1 : i32
      %get3A_528 = arith.constant 1 : i32
      %get3A_529 = arith.index_cast %get3A_527 : i32 to index
      %get3A_530 = arith.index_cast %get3A_528 : i32 to index
      %get3A_531 = arith.constant 80 : index
      %get3A_532 = tpu.vector_load %arg10[%get3A_529, %get3A_530, %get3A_531] {strides = array<i32>} : memref<2x2x128xi32, #tpu.memory_space<vmem>>, vector<16xi32>,
      tpu.vector_store_idx %arg15[%get3A_532], %broadcast_in_dim3A_8 {add = true} : memref<10000xf32, #tpu.memory_space<vmem>>[vector<16xi32>], vector<16xf32>,
      %get3A_533 = arith.constant 1 : i32
      %get3A_534 = arith.constant 1 : i32
      %get3A_535 = arith.index_cast %get3A_533 : i32 to index
      %get3A_536 = arith.index_cast %get3A_534 : i32 to index
      %get3A_537 = arith.constant 96 : index
      %get3A_538 = tpu.vector_load %arg10[%get3A_535, %get3A_536, %get3A_537] {strides = array<i32>} : memref<2x2x128xi32, #tpu.memory_space<vmem>>, vector<16xi32>,
      tpu.vector_store_idx %arg15[%get3A_538], %broadcast_in_dim3A_8 {add = true} : memref<10000xf32, #tpu.memory_space<vmem>>[vector<16xi32>], vector<16xf32>,
      %get3A_539 = arith.constant 1 : i32
      %get3A_540 = arith.constant 1 : i32
      %get3A_541 = arith.index_cast %get3A_539 : i32 to index
      %get3A_542 = arith.index_cast %get3A_540 : i32 to index
      %get3A_543 = arith.constant 112 : index
      %get3A_544 = tpu.vector_load %arg10[%get3A_541, %get3A_542, %get3A_543] {strides = array<i32>} : memref<2x2x128xi32, #tpu.memory_space<vmem>>, vector<16xi32>,
      tpu.vector_store_idx %arg15[%get3A_544], %broadcast_in_dim3A_8 {add = true} : memref<10000xf32, #tpu.memory_space<vmem>>[vector<16xi32>], vector<16xf32>,
      %dma_wait3A_545 = arith.constant 1 : i32
      %dma_wait3A_546 = arith.constant 0 : i32
      %dma_wait3A_547 = arith.constant 0 : i32
      %dma_wait3A_548 = arith.constant 0 : i32
      %dma_wait3A_549 = arith.constant 0 : i32
      %dma_wait3A_550 = tpu.memref_slice %arg11[%dma_wait3A_547, %dma_wait3A_548, %dma_wait3A_549] : memref<2x128x128xf32, #tpu.memory_space<vmem>> -> memref<1x128x128xf32, #tpu.memory_space<vmem>>
      %dma_wait3A_551 = tpu.memref_squeeze %dma_wait3A_550 : memref<1x128x128xf32, #tpu.memory_space<vmem>> -> memref<128x128xf32, #tpu.memory_space<vmem>>
      %dma_wait3A_552 = arith.constant 0 : i32
      %dma_wait3A_553 = tpu.memref_slice %arg9[%dma_wait3A_545, %dma_wait3A_546, %dma_wait3A_552] : memref<2x2x128xi32, #tpu.memory_space<vmem>> -> memref<1x1x128xi32, #tpu.memory_space<vmem>>
      %dma_wait3A_554 = tpu.memref_squeeze %dma_wait3A_553 : memref<1x1x128xi32, #tpu.memory_space<vmem>> -> memref<128xi32, #tpu.memory_space<vmem>>
      %dma_wait3A_555 = arith.constant 0 : i32
      %dma_wait3A_556 = arith.constant 0 : i32
      %dma_wait3A_557 = tpu.memref_slice %arg2[%dma_wait3A_555, %dma_wait3A_556] : memref<20000x128xf32, #tpu.memory_space<hbm>> -> memref<20000x128xf32, #tpu.memory_space<hbm>>
      tpu.wait_indirect_dma semaphore(%arg18 : memref<!tpu.dma_semaphore, #tpu.memory_space<semaphore_mem>>) src(%dma_wait3A_557 : memref<20000x128xf32, #tpu.memory_space<hbm>>) dst(%dma_wait3A_551 : memref<128x128xf32, #tpu.memory_space<vmem>>)
      %dma_start3A_558 = arith.constant 0 : i32
      %dma_start3A_559 = arith.constant 1 : i32
      %dma_start3A_560 = arith.constant 0 : i32
      %dma_start3A_561 = arith.constant 0 : i32
      %dma_start3A_562 = arith.constant 0 : i32
      %dma_start3A_563 = tpu.memref_slice %arg11[%dma_start3A_558, %dma_start3A_561, %dma_start3A_562] : memref<2x128x128xf32, #tpu.memory_space<vmem>> -> memref<1x128x128xf32, #tpu.memory_space<vmem>>
      %dma_start3A_564 = tpu.memref_squeeze %dma_start3A_563 : memref<1x128x128xf32, #tpu.memory_space<vmem>> -> memref<128x128xf32, #tpu.memory_space<vmem>>
      %dma_start3A_565 = arith.constant 0 : i32
      %dma_start3A_566 = tpu.memref_slice %arg10[%dma_start3A_559, %dma_start3A_560, %dma_start3A_565] : memref<2x2x128xi32, #tpu.memory_space<vmem>> -> memref<1x1x128xi32, #tpu.memory_space<vmem>>
      %dma_start3A_567 = tpu.memref_squeeze %dma_start3A_566 : memref<1x1x128xi32, #tpu.memory_space<vmem>> -> memref<128xi32, #tpu.memory_space<vmem>>
      %dma_start3A_568 = arith.constant 0 : i32
      %dma_start3A_569 = arith.constant 0 : i32
      %dma_start3A_570 = tpu.memref_slice %arg16[%dma_start3A_568, %dma_start3A_569] : memref<10000x128xf32, #tpu.memory_space<vmem_shared>> -> memref<10000x128xf32, #tpu.memory_space<vmem_shared>>
      tpu.enqueue_indirect_dma source(%dma_start3A_564 : memref<128x128xf32, #tpu.memory_space<vmem>>) target(%dma_start3A_570 : memref<10000x128xf32, #tpu.memory_space<vmem_shared>>) offsets(%dma_start3A_567 : memref<128xi32, #tpu.memory_space<vmem>>) semaphore(%arg20 : memref<!tpu.dma_semaphore, #tpu.memory_space<semaphore_mem>>) {add = true}
      %dma_wait3A_571 = arith.constant 1 : i32
      %dma_wait3A_572 = arith.constant 1 : i32
      %dma_wait3A_573 = arith.constant 1 : i32
      %dma_wait3A_574 = arith.constant 0 : i32
      %dma_wait3A_575 = arith.constant 0 : i32
      %dma_wait3A_576 = tpu.memref_slice %arg11[%dma_wait3A_573, %dma_wait3A_574, %dma_wait3A_575] : memref<2x128x128xf32, #tpu.memory_space<vmem>> -> memref<1x128x128xf32, #tpu.memory_space<vmem>>
      %dma_wait3A_577 = tpu.memref_squeeze %dma_wait3A_576 : memref<1x128x128xf32, #tpu.memory_space<vmem>> -> memref<128x128xf32, #tpu.memory_space<vmem>>
      %dma_wait3A_578 = arith.constant 0 : i32
      %dma_wait3A_579 = tpu.memref_slice %arg9[%dma_wait3A_571, %dma_wait3A_572, %dma_wait3A_578] : memref<2x2x128xi32, #tpu.memory_space<vmem>> -> memref<1x1x128xi32, #tpu.memory_space<vmem>>
      %dma_wait3A_580 = tpu.memref_squeeze %dma_wait3A_579 : memref<1x1x128xi32, #tpu.memory_space<vmem>> -> memref<128xi32, #tpu.memory_space<vmem>>
      %dma_wait3A_581 = arith.constant 0 : i32
      %dma_wait3A_582 = arith.constant 0 : i32
      %dma_wait3A_583 = tpu.memref_slice %arg2[%dma_wait3A_581, %dma_wait3A_582] : memref<20000x128xf32, #tpu.memory_space<hbm>> -> memref<20000x128xf32, #tpu.memory_space<hbm>>
      tpu.wait_indirect_dma semaphore(%arg19 : memref<!tpu.dma_semaphore, #tpu.memory_space<semaphore_mem>>) src(%dma_wait3A_583 : memref<20000x128xf32, #tpu.memory_space<hbm>>) dst(%dma_wait3A_577 : memref<128x128xf32, #tpu.memory_space<vmem>>)
      %dma_start3A_584 = arith.constant 1 : i32
      %dma_start3A_585 = arith.constant 1 : i32
      %dma_start3A_586 = arith.constant 1 : i32
      %dma_start3A_587 = arith.constant 0 : i32
      %dma_start3A_588 = arith.constant 0 : i32
      %dma_start3A_589 = tpu.memref_slice %arg11[%dma_start3A_584, %dma_start3A_587, %dma_start3A_588] : memref<2x128x128xf32, #tpu.memory_space<vmem>> -> memref<1x128x128xf32, #tpu.memory_space<vmem>>
      %dma_start3A_590 = tpu.memref_squeeze %dma_start3A_589 : memref<1x128x128xf32, #tpu.memory_space<vmem>> -> memref<128x128xf32, #tpu.memory_space<vmem>>
      %dma_start3A_591 = arith.constant 0 : i32
      %dma_start3A_592 = tpu.memref_slice %arg10[%dma_start3A_585, %dma_start3A_586, %dma_start3A_591] : memref<2x2x128xi32, #tpu.memory_space<vmem>> -> memref<1x1x128xi32, #tpu.memory_space<vmem>>
      %dma_start3A_593 = tpu.memref_squeeze %dma_start3A_592 : memref<1x1x128xi32, #tpu.memory_space<vmem>> -> memref<128xi32, #tpu.memory_space<vmem>>
      %dma_start3A_594 = arith.constant 0 : i32
      %dma_start3A_595 = arith.constant 0 : i32
      %dma_start3A_596 = tpu.memref_slice %arg16[%dma_start3A_594, %dma_start3A_595] : memref<10000x128xf32, #tpu.memory_space<vmem_shared>> -> memref<10000x128xf32, #tpu.memory_space<vmem_shared>>
      tpu.enqueue_indirect_dma source(%dma_start3A_590 : memref<128x128xf32, #tpu.memory_space<vmem>>) target(%dma_start3A_596 : memref<10000x128xf32, #tpu.memory_space<vmem_shared>>) offsets(%dma_start3A_593 : memref<128xi32, #tpu.memory_space<vmem>>) semaphore(%arg21 : memref<!tpu.dma_semaphore, #tpu.memory_space<semaphore_mem>>) {add = true}
    }
    %scan3A_61 = arith.constant 39 : i32
    %add3A_62 = arith.constant 19968 : i32
    %add3A_63 = arith.addi %multiple_of3A_7, %add3A_62 : i32
    %multiple_of3A_64 = tpu.assume_multiple %add3A_63, 8 : i32
    %dma_start3A_65 = tpu.memref_slice %arg3[%multiple_of3A_64] : memref<640000xi32, #tpu.memory_space<hbm>> -> memref<32xi32, #tpu.memory_space<hbm>>
    %dma_start3A_66 = tpu.memref_slice %arg3[%multiple_of3A_64] : memref<640000xi32, #tpu.memory_space<hbm>> -> memref<32xi32, #tpu.memory_space<hbm>>
    tpu.enqueue_dma source(%dma_start3A_66 : memref<32xi32, #tpu.memory_space<hbm>>) target(%arg12 : memref<32xi32, #tpu.memory_space<vmem>>) target_semaphore(%arg17 : memref<!tpu.dma_semaphore, #tpu.memory_space<semaphore_mem>>)
    %dma_start3A_67 = tpu.memref_slice %arg4[%multiple_of3A_64] : memref<640000xi32, #tpu.memory_space<hbm>> -> memref<32xi32, #tpu.memory_space<hbm>>
    %dma_start3A_68 = tpu.memref_slice %arg4[%multiple_of3A_64] : memref<640000xi32, #tpu.memory_space<hbm>> -> memref<32xi32, #tpu.memory_space<hbm>>
    tpu.enqueue_dma source(%dma_start3A_68 : memref<32xi32, #tpu.memory_space<hbm>>) target(%arg13 : memref<32xi32, #tpu.memory_space<vmem>>) target_semaphore(%arg17 : memref<!tpu.dma_semaphore, #tpu.memory_space<semaphore_mem>>)
    %dma_wait3A = tpu.memref_slice %arg3[%multiple_of3A_64] : memref<640000xi32, #tpu.memory_space<hbm>> -> memref<32xi32, #tpu.memory_space<hbm>>
    %dma_wait3A_69 = tpu.memref_slice %arg3[%multiple_of3A_64] : memref<640000xi32, #tpu.memory_space<hbm>> -> memref<32xi32, #tpu.memory_space<hbm>>
    tpu.wait_dma2 semaphore(%arg17 : memref<!tpu.dma_semaphore, #tpu.memory_space<semaphore_mem>>) src(%dma_wait3A_69 : memref<32xi32, #tpu.memory_space<hbm>>) dst(%arg12 : memref<32xi32, #tpu.memory_space<vmem>>)
    %dma_wait3A_70 = tpu.memref_slice %arg4[%multiple_of3A_64] : memref<640000xi32, #tpu.memory_space<hbm>> -> memref<32xi32, #tpu.memory_space<hbm>>
    %dma_wait3A_71 = tpu.memref_slice %arg4[%multiple_of3A_64] : memref<640000xi32, #tpu.memory_space<hbm>> -> memref<32xi32, #tpu.memory_space<hbm>>
    tpu.wait_dma2 semaphore(%arg17 : memref<!tpu.dma_semaphore, #tpu.memory_space<semaphore_mem>>) src(%dma_wait3A_71 : memref<32xi32, #tpu.memory_space<hbm>>) dst(%arg13 : memref<32xi32, #tpu.memory_space<vmem>>)
    %dma_start3A_72 = arith.constant 0 : i32
    %dma_start3A_73 = arith.constant 0 : i32
    %dma_start3A_74 = tpu.memref_slice %arg2[%dma_start3A_72, %dma_start3A_73] : memref<20000x128xf32, #tpu.memory_space<hbm>> -> memref<20000x128xf32, #tpu.memory_space<hbm>>
    tpu.enqueue_indirect_dma source(%dma_start3A_74 : memref<20000x128xf32, #tpu.memory_space<hbm>>) target(%arg14 : memref<32x128xf32, #tpu.memory_space<vmem>>) offsets(%arg12 : memref<32xi32, #tpu.memory_space<vmem>>) semaphore(%arg17 : memref<!tpu.dma_semaphore, #tpu.memory_space<semaphore_mem>>)
    %get3A = arith.constant 0 : index
    %get3A_75 = tpu.vector_load %arg13[%get3A] {strides = array<i32>} : memref<32xi32, #tpu.memory_space<vmem>>, vector<16xi32>,
    tpu.vector_store_idx %arg15[%get3A_75], %broadcast_in_dim3A_8 {add = true} : memref<10000xf32, #tpu.memory_space<vmem>>[vector<16xi32>], vector<16xf32>,
    %get3A_76 = arith.constant 16 : index
    %get3A_77 = tpu.vector_load %arg13[%get3A_76] {strides = array<i32>} : memref<32xi32, #tpu.memory_space<vmem>>, vector<16xi32>,
    tpu.vector_store_idx %arg15[%get3A_77], %broadcast_in_dim3A_8 {add = true} : memref<10000xf32, #tpu.memory_space<vmem>>[vector<16xi32>], vector<16xf32>,
    %dma_wait3A_78 = arith.constant 0 : i32
    %dma_wait3A_79 = arith.constant 0 : i32
    %dma_wait3A_80 = tpu.memref_slice %arg2[%dma_wait3A_78, %dma_wait3A_79] : memref<20000x128xf32, #tpu.memory_space<hbm>> -> memref<20000x128xf32, #tpu.memory_space<hbm>>
    tpu.wait_indirect_dma semaphore(%arg17 : memref<!tpu.dma_semaphore, #tpu.memory_space<semaphore_mem>>) src(%dma_wait3A_80 : memref<20000x128xf32, #tpu.memory_space<hbm>>) dst(%arg14 : memref<32x128xf32, #tpu.memory_space<vmem>>)
    "tpu.region"() ({
      %run_scoped3A = tpu.sem_alloc : memref<!tpu.dma_semaphore, #tpu.memory_space<semaphore_mem>>
      %dma_start3A_118 = arith.constant 0 : i32
      %dma_start3A_119 = arith.constant 0 : i32
      %dma_start3A_120 = tpu.memref_slice %arg16[%dma_start3A_118, %dma_start3A_119] : memref<10000x128xf32, #tpu.memory_space<vmem_shared>> -> memref<10000x128xf32, #tpu.memory_space<vmem_shared>>
      tpu.enqueue_indirect_dma source(%arg14 : memref<32x128xf32, #tpu.memory_space<vmem>>) target(%dma_start3A_120 : memref<10000x128xf32, #tpu.memory_space<vmem_shared>>) offsets(%arg13 : memref<32xi32, #tpu.memory_space<vmem>>) semaphore(%run_scoped3A : memref<!tpu.dma_semaphore, #tpu.memory_space<semaphore_mem>>) {add = true}
      %dma_wait3A_121 = arith.constant 0 : i32
      %dma_wait3A_122 = arith.constant 0 : i32
      %dma_wait3A_123 = tpu.memref_slice %arg16[%dma_wait3A_121, %dma_wait3A_122] : memref<10000x128xf32, #tpu.memory_space<vmem_shared>> -> memref<10000x128xf32, #tpu.memory_space<vmem_shared>>
      tpu.wait_indirect_dma semaphore(%run_scoped3A : memref<!tpu.dma_semaphore, #tpu.memory_space<semaphore_mem>>) src(%arg14 : memref<32x128xf32, #tpu.memory_space<vmem>>) dst(%dma_wait3A_123 : memref<10000x128xf32, #tpu.memory_space<vmem_shared>>)
      tpu.yield
    }) : () -> ()
    %dma_wait3A_81 = arith.constant 0 : i32
    %dma_wait3A_82 = arith.constant 1 : i32
    %dma_wait3A_83 = arith.constant 0 : i32
    %dma_wait3A_84 = arith.constant 0 : i32
    %dma_wait3A_85 = arith.constant 0 : i32
    %dma_wait3A_86 = tpu.memref_slice %arg11[%dma_wait3A_81, %dma_wait3A_84, %dma_wait3A_85] : memref<2x128x128xf32, #tpu.memory_space<vmem>> -> memref<1x128x128xf32, #tpu.memory_space<vmem>>
    %dma_wait3A_87 = tpu.memref_squeeze %dma_wait3A_86 : memref<1x128x128xf32, #tpu.memory_space<vmem>> -> memref<128x128xf32, #tpu.memory_space<vmem>>
    %dma_wait3A_88 = arith.constant 0 : i32
    %dma_wait3A_89 = tpu.memref_slice %arg10[%dma_wait3A_82, %dma_wait3A_83, %dma_wait3A_88] : memref<2x2x128xi32, #tpu.memory_space<vmem>> -> memref<1x1x128xi32, #tpu.memory_space<vmem>>
    %dma_wait3A_90 = tpu.memref_squeeze %dma_wait3A_89 : memref<1x1x128xi32, #tpu.memory_space<vmem>> -> memref<128xi32, #tpu.memory_space<vmem>>
    %dma_wait3A_91 = arith.constant 0 : i32
    %dma_wait3A_92 = arith.constant 0 : i32
    %dma_wait3A_93 = tpu.memref_slice %arg16[%dma_wait3A_91, %dma_wait3A_92] : memref<10000x128xf32, #tpu.memory_space<vmem_shared>> -> memref<10000x128xf32, #tpu.memory_space<vmem_shared>>
    tpu.wait_indirect_dma semaphore(%arg20 : memref<!tpu.dma_semaphore, #tpu.memory_space<semaphore_mem>>) src(%dma_wait3A_87 : memref<128x128xf32, #tpu.memory_space<vmem>>) dst(%dma_wait3A_93 : memref<10000x128xf32, #tpu.memory_space<vmem_shared>>)
    %dma_wait3A_94 = arith.constant 1 : i32
    %dma_wait3A_95 = arith.constant 1 : i32
    %dma_wait3A_96 = arith.constant 1 : i32
    %dma_wait3A_97 = arith.constant 0 : i32
    %dma_wait3A_98 = arith.constant 0 : i32
    %dma_wait3A_99 = tpu.memref_slice %arg11[%dma_wait3A_94, %dma_wait3A_97, %dma_wait3A_98] : memref<2x128x128xf32, #tpu.memory_space<vmem>> -> memref<1x128x128xf32, #tpu.memory_space<vmem>>
    %dma_wait3A_100 = tpu.memref_squeeze %dma_wait3A_99 : memref<1x128x128xf32, #tpu.memory_space<vmem>> -> memref<128x128xf32, #tpu.memory_space<vmem>>
    %dma_wait3A_101 = arith.constant 0 : i32
    %dma_wait3A_102 = tpu.memref_slice %arg10[%dma_wait3A_95, %dma_wait3A_96, %dma_wait3A_101] : memref<2x2x128xi32, #tpu.memory_space<vmem>> -> memref<1x1x128xi32, #tpu.memory_space<vmem>>
    %dma_wait3A_103 = tpu.memref_squeeze %dma_wait3A_102 : memref<1x1x128xi32, #tpu.memory_space<vmem>> -> memref<128xi32, #tpu.memory_space<vmem>>
    %dma_wait3A_104 = arith.constant 0 : i32
    %dma_wait3A_105 = arith.constant 0 : i32
    %dma_wait3A_106 = tpu.memref_slice %arg16[%dma_wait3A_104, %dma_wait3A_105] : memref<10000x128xf32, #tpu.memory_space<vmem_shared>> -> memref<10000x128xf32, #tpu.memory_space<vmem_shared>>
    tpu.wait_indirect_dma semaphore(%arg21 : memref<!tpu.dma_semaphore, #tpu.memory_space<semaphore_mem>>) src(%dma_wait3A_100 : memref<128x128xf32, #tpu.memory_space<vmem>>) dst(%dma_wait3A_106 : memref<10000x128xf32, #tpu.memory_space<vmem_shared>>)
    %barrier3A_107 = arith.constant 0 : index
    tpu.barrier barrier_id(%barrier3A_107)
    "tpu.region"() ({
      %run_scoped3A = tpu.sem_alloc : memref<!tpu.dma_semaphore, #tpu.memory_space<semaphore_mem>>
      %dma_start3A_118 = arith.constant 0 : i32
      %dma_start3A_119 = tpu.memref_slice %arg7[%arg0, %multiple_of3A, %dma_start3A_118] : memref<2x10000x128xf32, #tpu.memory_space<hbm>> -> memref<1x624x128xf32, #tpu.memory_space<hbm>>
      %dma_start3A_120 = tpu.memref_squeeze %dma_start3A_119 : memref<1x624x128xf32, #tpu.memory_space<hbm>> -> memref<624x128xf32, #tpu.memory_space<hbm>>
      %dma_start3A_121 = arith.constant 0 : i32
      %dma_start3A_122 = tpu.memref_slice %arg16[%multiple_of3A, %dma_start3A_121] : memref<10000x128xf32, #tpu.memory_space<vmem_shared>> -> memref<624x128xf32, #tpu.memory_space<vmem_shared>>
      tpu.enqueue_dma source(%dma_start3A_122 : memref<624x128xf32, #tpu.memory_space<vmem_shared>>) target(%dma_start3A_120 : memref<624x128xf32, #tpu.memory_space<hbm>>) target_semaphore(%run_scoped3A : memref<!tpu.dma_semaphore, #tpu.memory_space<semaphore_mem>>)
      %dma_wait3A_123 = arith.constant 0 : i32
      %dma_wait3A_124 = tpu.memref_slice %arg7[%arg0, %multiple_of3A, %dma_wait3A_123] : memref<2x10000x128xf32, #tpu.memory_space<hbm>> -> memref<1x624x128xf32, #tpu.memory_space<hbm>>
      %dma_wait3A_125 = tpu.memref_squeeze %dma_wait3A_124 : memref<1x624x128xf32, #tpu.memory_space<hbm>> -> memref<624x128xf32, #tpu.memory_space<hbm>>
      %dma_wait3A_126 = arith.constant 0 : i32
      %dma_wait3A_127 = tpu.memref_slice %arg16[%multiple_of3A, %dma_wait3A_126] : memref<10000x128xf32, #tpu.memory_space<vmem_shared>> -> memref<624x128xf32, #tpu.memory_space<vmem_shared>>
      tpu.wait_dma2 semaphore(%run_scoped3A : memref<!tpu.dma_semaphore, #tpu.memory_space<semaphore_mem>>) src(%dma_wait3A_127 : memref<624x128xf32, #tpu.memory_space<vmem_shared>>) dst(%dma_wait3A_125 : memref<624x128xf32, #tpu.memory_space<hbm>>)
      tpu.yield
    }) : () -> ()
    %mul3A_108 = arith.constant 16 : i32
    %mul3A_109 = arith.muli %arg0, %mul3A_108 : i32
    %add3A_110 = arith.addi %mul3A_109, %arg1 : i32
    %mul3A_111 = arith.constant 10000 : i32
    %mul3A_112 = arith.muli %add3A_110, %mul3A_111 : i32
    "tpu.region"() ({
      %run_scoped3A = tpu.sem_alloc : memref<!tpu.dma_semaphore, #tpu.memory_space<semaphore_mem>>
      %dma_start3A_118 = tpu.memref_slice %arg8[%mul3A_112] : memref<320000xf32, #tpu.memory_space<hbm>> -> memref<10000xf32, #tpu.memory_space<hbm>>
      %dma_start3A_119 = tpu.memref_slice %arg8[%mul3A_112] : memref<320000xf32, #tpu.memory_space<hbm>> -> memref<10000xf32, #tpu.memory_space<hbm>>
      tpu.enqueue_dma source(%arg15 : memref<10000xf32, #tpu.memory_space<vmem>>) target(%dma_start3A_119 : memref<10000xf32, #tpu.memory_space<hbm>>) target_semaphore(%run_scoped3A : memref<!tpu.dma_semaphore, #tpu.memory_space<semaphore_mem>>)
      %dma_wait3A_120 = tpu.memref_slice %arg8[%mul3A_112] : memref<320000xf32, #tpu.memory_space<hbm>> -> memref<10000xf32, #tpu.memory_space<hbm>>
      %dma_wait3A_121 = tpu.memref_slice %arg8[%mul3A_112] : memref<320000xf32, #tpu.memory_space<hbm>> -> memref<10000xf32, #tpu.memory_space<hbm>>
      tpu.wait_dma2 semaphore(%run_scoped3A : memref<!tpu.dma_semaphore, #tpu.memory_space<semaphore_mem>>) src(%arg15 : memref<10000xf32, #tpu.memory_space<vmem>>) dst(%dma_wait3A_121 : memref<10000xf32, #tpu.memory_space<hbm>>)
      tpu.yield
    }) : () -> ()
    %eq3A_113 = arith.constant 15 : i32
    %eq3A_114 = arith.cmpi eq, %arg1, %eq3A_113 : i32
    %convert_element_type3A_115 = arith.extui %eq3A_114 : i1 to i32
    %cond3A_116 = arith.constant 0 : i32
    %cond3A_117 = arith.cmpi ne, %convert_element_type3A_115, %cond3A_116 : i32
    scf.if %cond3A_117 {
      "tpu.region"() ({
        %run_scoped3A = tpu.sem_alloc : memref<!tpu.dma_semaphore, #tpu.memory_space<semaphore_mem>>
        %dma_start3A_118 = arith.constant 9984 : i32
        %dma_start3A_119 = arith.constant 0 : i32
        %dma_start3A_120 = tpu.memref_slice %arg7[%arg0, %dma_start3A_118, %dma_start3A_119] : memref<2x10000x128xf32, #tpu.memory_space<hbm>> -> memref<1x16x128xf32, #tpu.memory_space<hbm>>
        %dma_start3A_121 = tpu.memref_squeeze %dma_start3A_120 : memref<1x16x128xf32, #tpu.memory_space<hbm>> -> memref<16x128xf32, #tpu.memory_space<hbm>>
        %dma_start3A_122 = arith.constant 9984 : i32
        %dma_start3A_123 = arith.constant 0 : i32
        %dma_start3A_124 = tpu.memref_slice %arg16[%dma_start3A_122, %dma_start3A_123] : memref<10000x128xf32, #tpu.memory_space<vmem_shared>> -> memref<16x128xf32, #tpu.memory_space<vmem_shared>>
        tpu.enqueue_dma source(%dma_start3A_124 : memref<16x128xf32, #tpu.memory_space<vmem_shared>>) target(%dma_start3A_121 : memref<16x128xf32, #tpu.memory_space<hbm>>) target_semaphore(%run_scoped3A : memref<!tpu.dma_semaphore, #tpu.memory_space<semaphore_mem>>)
        %dma_wait3A_125 = arith.constant 9984 : i32
        %dma_wait3A_126 = arith.constant 0 : i32
        %dma_wait3A_127 = tpu.memref_slice %arg7[%arg0, %dma_wait3A_125, %dma_wait3A_126] : memref<2x10000x128xf32, #tpu.memory_space<hbm>> -> memref<1x16x128xf32, #tpu.memory_space<hbm>>
        %dma_wait3A_128 = tpu.memref_squeeze %dma_wait3A_127 : memref<1x16x128xf32, #tpu.memory_space<hbm>> -> memref<16x128xf32, #tpu.memory_space<hbm>>
        %dma_wait3A_129 = arith.constant 9984 : i32
        %dma_wait3A_130 = arith.constant 0 : i32
        %dma_wait3A_131 = tpu.memref_slice %arg16[%dma_wait3A_129, %dma_wait3A_130] : memref<10000x128xf32, #tpu.memory_space<vmem_shared>> -> memref<16x128xf32, #tpu.memory_space<vmem_shared>>
        tpu.wait_dma2 semaphore(%run_scoped3A : memref<!tpu.dma_semaphore, #tpu.memory_space<semaphore_mem>>) src(%dma_wait3A_131 : memref<16x128xf32, #tpu.memory_space<vmem_shared>>) dst(%dma_wait3A_128 : memref<16x128xf32, #tpu.memory_space<hbm>>)
        tpu.yield
      }) : () -> ()
    } else {
    }
    return
  }
}

#map = affine_map<(d0, d1) -> (0, 0)>
#map1 = affine_map<(d0, d1) -> (0)>
module attributes {stable_mosaic.version = 14 : i64} {
  func.func @_gather_body(%arg0: i32, %arg1: i32, %arg2: memref<20000x128xf32, #tpu.memory_space<hbm>>, %arg3: memref<4096xi32, #tpu.memory_space<hbm>>, %arg4: memref<4096x128xf32, #tpu.memory_space<hbm>>, %arg5: memref<128xi32, #tpu.memory_space<vmem>>, %arg6: memref<128x128xf32, #tpu.memory_space<vmem>>, %arg7: memref<!tpu.dma_semaphore, #tpu.memory_space<semaphore_mem>>) attributes {dimension_semantics = [#tpu.dimension_semantics<core_parallel>, #tpu.dimension_semantics<subcore_parallel>], iteration_bounds = array<i64: 2, 16>, scalar_prefetch = 0 : i64, scratch_operands = 3 : i64, tpu.core_type = #tpu.core_type<sc_vector_subcore>, window_params = [{transform_indices = #map}, {transform_indices = #map1}, {transform_indices = #map}]} {
    %mul3A = arith.constant 16 : i32
    %mul3A_0 = arith.muli %arg0, %mul3A : i32
    %add3A = arith.addi %mul3A_0, %arg1 : i32
    %mul3A_1 = arith.constant 128 : i32
    %mul3A_2 = arith.muli %add3A, %mul3A_1 : i32
    %multiple_of3A = tpu.assume_multiple %mul3A_2, 8 : i32
    "tpu.region"() ({
      %run_scoped3A = tpu.sem_alloc : memref<!tpu.dma_semaphore, #tpu.memory_space<semaphore_mem>>
      %dma_start3A_7 = tpu.memref_slice %arg3[%multiple_of3A] : memref<4096xi32, #tpu.memory_space<hbm>> -> memref<128xi32, #tpu.memory_space<hbm>>
      %dma_start3A_8 = tpu.memref_slice %arg3[%multiple_of3A] : memref<4096xi32, #tpu.memory_space<hbm>> -> memref<128xi32, #tpu.memory_space<hbm>>
      tpu.enqueue_dma source(%dma_start3A_8 : memref<128xi32, #tpu.memory_space<hbm>>) target(%arg5 : memref<128xi32, #tpu.memory_space<vmem>>) target_semaphore(%run_scoped3A : memref<!tpu.dma_semaphore, #tpu.memory_space<semaphore_mem>>)
      %dma_wait3A_9 = tpu.memref_slice %arg3[%multiple_of3A] : memref<4096xi32, #tpu.memory_space<hbm>> -> memref<128xi32, #tpu.memory_space<hbm>>
      %dma_wait3A_10 = tpu.memref_slice %arg3[%multiple_of3A] : memref<4096xi32, #tpu.memory_space<hbm>> -> memref<128xi32, #tpu.memory_space<hbm>>
      tpu.wait_dma2 semaphore(%run_scoped3A : memref<!tpu.dma_semaphore, #tpu.memory_space<semaphore_mem>>) src(%dma_wait3A_10 : memref<128xi32, #tpu.memory_space<hbm>>) dst(%arg5 : memref<128xi32, #tpu.memory_space<vmem>>)
      tpu.yield
    }) : () -> ()
    %dma_start3A = arith.constant 0 : i32
    %dma_start3A_3 = arith.constant 0 : i32
    %dma_start3A_4 = tpu.memref_slice %arg2[%dma_start3A, %dma_start3A_3] : memref<20000x128xf32, #tpu.memory_space<hbm>> -> memref<20000x128xf32, #tpu.memory_space<hbm>>
    tpu.enqueue_indirect_dma source(%dma_start3A_4 : memref<20000x128xf32, #tpu.memory_space<hbm>>) target(%arg6 : memref<128x128xf32, #tpu.memory_space<vmem>>) offsets(%arg5 : memref<128xi32, #tpu.memory_space<vmem>>) semaphore(%arg7 : memref<!tpu.dma_semaphore, #tpu.memory_space<semaphore_mem>>)
    %dma_wait3A = arith.constant 0 : i32
    %dma_wait3A_5 = arith.constant 0 : i32
    %dma_wait3A_6 = tpu.memref_slice %arg2[%dma_wait3A, %dma_wait3A_5] : memref<20000x128xf32, #tpu.memory_space<hbm>> -> memref<20000x128xf32, #tpu.memory_space<hbm>>
    tpu.wait_indirect_dma semaphore(%arg7 : memref<!tpu.dma_semaphore, #tpu.memory_space<semaphore_mem>>) src(%dma_wait3A_6 : memref<20000x128xf32, #tpu.memory_space<hbm>>) dst(%arg6 : memref<128x128xf32, #tpu.memory_space<vmem>>)
    "tpu.region"() ({
      %run_scoped3A = tpu.sem_alloc : memref<!tpu.dma_semaphore, #tpu.memory_space<semaphore_mem>>
      %dma_start3A_7 = arith.constant 0 : i32
      %dma_start3A_8 = tpu.memref_slice %arg4[%multiple_of3A, %dma_start3A_7] : memref<4096x128xf32, #tpu.memory_space<hbm>> -> memref<128x128xf32, #tpu.memory_space<hbm>>
      %dma_start3A_9 = arith.constant 0 : i32
      %dma_start3A_10 = tpu.memref_slice %arg4[%multiple_of3A, %dma_start3A_9] : memref<4096x128xf32, #tpu.memory_space<hbm>> -> memref<128x128xf32, #tpu.memory_space<hbm>>
      tpu.enqueue_dma source(%arg6 : memref<128x128xf32, #tpu.memory_space<vmem>>) target(%dma_start3A_10 : memref<128x128xf32, #tpu.memory_space<hbm>>) target_semaphore(%run_scoped3A : memref<!tpu.dma_semaphore, #tpu.memory_space<semaphore_mem>>)
      %dma_wait3A_11 = arith.constant 0 : i32
      %dma_wait3A_12 = tpu.memref_slice %arg4[%multiple_of3A, %dma_wait3A_11] : memref<4096x128xf32, #tpu.memory_space<hbm>> -> memref<128x128xf32, #tpu.memory_space<hbm>>
      %dma_wait3A_13 = arith.constant 0 : i32
      %dma_wait3A_14 = tpu.memref_slice %arg4[%multiple_of3A, %dma_wait3A_13] : memref<4096x128xf32, #tpu.memory_space<hbm>> -> memref<128x128xf32, #tpu.memory_space<hbm>>
      tpu.wait_dma2 semaphore(%run_scoped3A : memref<!tpu.dma_semaphore, #tpu.memory_space<semaphore_mem>>) src(%arg6 : memref<128x128xf32, #tpu.memory_space<vmem>>) dst(%dma_wait3A_14 : memref<128x128xf32, #tpu.memory_space<hbm>>)
      tpu.yield
    }) : () -> ()
    return
  }
}

module attributes {stable_mosaic.version = 14 : i64} {
  func.func @_mlp_bn_body(%arg0: memref<10000x128xf32, #tpu.memory_space<vmem>>, %arg1: memref<10000x128xf32, #tpu.memory_space<vmem>>, %arg2: memref<128x128xf32, #tpu.memory_space<vmem>>, %arg3: memref<128x128xf32, #tpu.memory_space<vmem>>, %arg4: memref<1x128xf32, #tpu.memory_space<vmem>>, %arg5: memref<1x128xf32, #tpu.memory_space<vmem>>, %arg6: memref<1x128xf32, #tpu.memory_space<vmem>>, %arg7: memref<1x128xf32, #tpu.memory_space<vmem>>, %arg8: memref<1x128xf32, #tpu.memory_space<vmem>>, %arg9: memref<1x128xf32, #tpu.memory_space<vmem>>, %arg10: memref<2x10000x128xf32, #tpu.memory_space<vmem>>) attributes {dimension_semantics = [], scalar_prefetch = 0 : i64, scratch_operands = 0 : i64, tpu.core_type = #tpu.core_type<tc>} {
    %get3A = arith.constant 0 : index
    %get3A_0 = arith.constant 0 : index
    %get3A_1 = vector.load %arg0[%get3A, %get3A_0] : memref<10000x128xf32, #tpu.memory_space<vmem>>, vector<10000x128xf32>
    %get3A_2 = arith.constant 0 : index
    %get3A_3 = arith.constant 0 : index
    %get3A_4 = vector.load %arg2[%get3A_2, %get3A_3] : memref<128x128xf32, #tpu.memory_space<vmem>>, vector<128x128xf32>
    %dot_general3A = arith.constant dense<0.000000e+00> : vector<10000x128xf32>
    %dot_general3A_5 = tpu.matmul %get3A_1, %get3A_4, %dot_general3A {dimension_numbers = #tpu.dot_dimension_numbers<[1], [0], [0], [1], [0, 0, 1, 1], [], []>, transpose_lhs_hint = false} : vector<10000x128xf32>, vector<128x128xf32>, vector<10000x128xf32> -> vector<10000x128xf32>
    %get3A_6 = arith.constant 0 : index
    %get3A_7 = arith.constant 0 : index
    %get3A_8 = vector.load %arg4[%get3A_6, %get3A_7] : memref<1x128xf32, #tpu.memory_space<vmem>>, vector<1x128xf32>
    %add3A = vector.broadcast %get3A_8 : vector<1x128xf32> to vector<10000x128xf32>
    %add3A_9 = arith.addf %dot_general3A_5, %add3A : vector<10000x128xf32>
    %gt3A = arith.constant 0.000000e+00 : f32
    %gt3A_10 = vector.broadcast %gt3A : f32 to vector<10000x128xf32>
    %gt3A_11 = arith.cmpf ogt, %add3A_9, %gt3A_10 : vector<10000x128xf32>
    %mul3A = arith.constant 1.000000e-01 : f32
    %mul3A_12 = vector.broadcast %mul3A : f32 to vector<10000x128xf32>
    %mul3A_13 = arith.mulf %mul3A_12, %add3A_9 : vector<10000x128xf32>
    %select_n3A = arith.select %gt3A_11, %add3A_9, %mul3A_13 : vector<10000x128xi1>, vector<10000x128xf32>
    %reduce_sum3A = arith.constant dense<0.000000e+00> : vector<128xf32>
    %reduce_sum3A_14 = vector.multi_reduction <add>, %select_n3A, %reduce_sum3A [0] : vector<10000x128xf32> to vector<128xf32>
    %broadcast_in_dim3A = vector.shape_cast %reduce_sum3A_14 : vector<128xf32> to vector<1x128xf32>
    %div3A = arith.constant 1.000000e+04 : f32
    %div3A_15 = vector.broadcast %div3A : f32 to vector<1x128xf32>
    %div3A_16 = arith.divf %broadcast_in_dim3A, %div3A_15 : vector<1x128xf32>
    %sub3A = vector.broadcast %div3A_16 : vector<1x128xf32> to vector<10000x128xf32>
    %sub3A_17 = arith.subf %select_n3A, %sub3A : vector<10000x128xf32>
    %mul3A_18 = arith.mulf %sub3A_17, %sub3A_17 : vector<10000x128xf32>
    %reduce_sum3A_19 = arith.constant dense<0.000000e+00> : vector<128xf32>
    %reduce_sum3A_20 = vector.multi_reduction <add>, %mul3A_18, %reduce_sum3A_19 [0] : vector<10000x128xf32> to vector<128xf32>
    %broadcast_in_dim3A_21 = vector.shape_cast %reduce_sum3A_20 : vector<128xf32> to vector<1x128xf32>
    %div3A_22 = arith.constant 1.000000e+04 : f32
    %div3A_23 = vector.broadcast %div3A_22 : f32 to vector<1x128xf32>
    %div3A_24 = arith.divf %broadcast_in_dim3A_21, %div3A_23 : vector<1x128xf32>
    %add3A_25 = arith.constant 9.99999974E-6 : f32
    %add3A_26 = vector.broadcast %add3A_25 : f32 to vector<1x128xf32>
    %add3A_27 = arith.addf %div3A_24, %add3A_26 : vector<1x128xf32>
    %rsqrt3A = math.rsqrt %add3A_27 : vector<1x128xf32>
    %mul3A_28 = vector.broadcast %rsqrt3A : vector<1x128xf32> to vector<10000x128xf32>
    %mul3A_29 = arith.mulf %sub3A_17, %mul3A_28 : vector<10000x128xf32>
    %get3A_30 = arith.constant 0 : index
    %get3A_31 = arith.constant 0 : index
    %get3A_32 = vector.load %arg6[%get3A_30, %get3A_31] : memref<1x128xf32, #tpu.memory_space<vmem>>, vector<1x128xf32>
    %mul3A_33 = vector.broadcast %get3A_32 : vector<1x128xf32> to vector<10000x128xf32>
    %mul3A_34 = arith.mulf %mul3A_29, %mul3A_33 : vector<10000x128xf32>
    %get3A_35 = arith.constant 0 : index
    %get3A_36 = arith.constant 0 : index
    %get3A_37 = vector.load %arg8[%get3A_35, %get3A_36] : memref<1x128xf32, #tpu.memory_space<vmem>>, vector<1x128xf32>
    %add3A_38 = vector.broadcast %get3A_37 : vector<1x128xf32> to vector<10000x128xf32>
    %add3A_39 = arith.addf %mul3A_34, %add3A_38 : vector<10000x128xf32>
    %swap3A = arith.constant 0 : index
    %swap3A_40 = arith.constant 0 : index
    %swap3A_41 = arith.constant 0 : index
    %swap3A_42 = vector.load %arg10[%swap3A, %swap3A_40, %swap3A_41] : memref<2x10000x128xf32, #tpu.memory_space<vmem>>, vector<1x10000x128xf32>
    %swap3A_43 = vector.shape_cast %swap3A_42 : vector<1x10000x128xf32> to vector<10000x128xf32>
    %swap3A_44 = vector.shape_cast %add3A_39 : vector<10000x128xf32> to vector<1x10000x128xf32>
    tpu.vector_store %arg10[%swap3A, %swap3A_40, %swap3A_41], %swap3A_44 {strides = array<i32>} : memref<2x10000x128xf32, #tpu.memory_space<vmem>>, vector<1x10000x128xf32>,
    %get3A_45 = arith.constant 0 : index
    %get3A_46 = arith.constant 0 : index
    %get3A_47 = vector.load %arg1[%get3A_45, %get3A_46] : memref<10000x128xf32, #tpu.memory_space<vmem>>, vector<10000x128xf32>
    %get3A_48 = arith.constant 0 : index
    %get3A_49 = arith.constant 0 : index
    %get3A_50 = vector.load %arg3[%get3A_48, %get3A_49] : memref<128x128xf32, #tpu.memory_space<vmem>>, vector<128x128xf32>
    %dot_general3A_51 = arith.constant dense<0.000000e+00> : vector<10000x128xf32>
    %dot_general3A_52 = tpu.matmul %get3A_47, %get3A_50, %dot_general3A_51 {dimension_numbers = #tpu.dot_dimension_numbers<[1], [0], [0], [1], [0, 0, 1, 1], [], []>, transpose_lhs_hint = false} : vector<10000x128xf32>, vector<128x128xf32>, vector<10000x128xf32> -> vector<10000x128xf32>
    %get3A_53 = arith.constant 0 : index
    %get3A_54 = arith.constant 0 : index
    %get3A_55 = vector.load %arg5[%get3A_53, %get3A_54] : memref<1x128xf32, #tpu.memory_space<vmem>>, vector<1x128xf32>
    %add3A_56 = vector.broadcast %get3A_55 : vector<1x128xf32> to vector<10000x128xf32>
    %add3A_57 = arith.addf %dot_general3A_52, %add3A_56 : vector<10000x128xf32>
    %gt3A_58 = arith.constant 0.000000e+00 : f32
    %gt3A_59 = vector.broadcast %gt3A_58 : f32 to vector<10000x128xf32>
    %gt3A_60 = arith.cmpf ogt, %add3A_57, %gt3A_59 : vector<10000x128xf32>
    %mul3A_61 = arith.constant 1.000000e-01 : f32
    %mul3A_62 = vector.broadcast %mul3A_61 : f32 to vector<10000x128xf32>
    %mul3A_63 = arith.mulf %mul3A_62, %add3A_57 : vector<10000x128xf32>
    %select_n3A_64 = arith.select %gt3A_60, %add3A_57, %mul3A_63 : vector<10000x128xi1>, vector<10000x128xf32>
    %reduce_sum3A_65 = arith.constant dense<0.000000e+00> : vector<128xf32>
    %reduce_sum3A_66 = vector.multi_reduction <add>, %select_n3A_64, %reduce_sum3A_65 [0] : vector<10000x128xf32> to vector<128xf32>
    %broadcast_in_dim3A_67 = vector.shape_cast %reduce_sum3A_66 : vector<128xf32> to vector<1x128xf32>
    %div3A_68 = arith.constant 1.000000e+04 : f32
    %div3A_69 = vector.broadcast %div3A_68 : f32 to vector<1x128xf32>
    %div3A_70 = arith.divf %broadcast_in_dim3A_67, %div3A_69 : vector<1x128xf32>
    %sub3A_71 = vector.broadcast %div3A_70 : vector<1x128xf32> to vector<10000x128xf32>
    %sub3A_72 = arith.subf %select_n3A_64, %sub3A_71 : vector<10000x128xf32>
    %mul3A_73 = arith.mulf %sub3A_72, %sub3A_72 : vector<10000x128xf32>
    %reduce_sum3A_74 = arith.constant dense<0.000000e+00> : vector<128xf32>
    %reduce_sum3A_75 = vector.multi_reduction <add>, %mul3A_73, %reduce_sum3A_74 [0] : vector<10000x128xf32> to vector<128xf32>
    %broadcast_in_dim3A_76 = vector.shape_cast %reduce_sum3A_75 : vector<128xf32> to vector<1x128xf32>
    %div3A_77 = arith.constant 1.000000e+04 : f32
    %div3A_78 = vector.broadcast %div3A_77 : f32 to vector<1x128xf32>
    %div3A_79 = arith.divf %broadcast_in_dim3A_76, %div3A_78 : vector<1x128xf32>
    %add3A_80 = arith.constant 9.99999974E-6 : f32
    %add3A_81 = vector.broadcast %add3A_80 : f32 to vector<1x128xf32>
    %add3A_82 = arith.addf %div3A_79, %add3A_81 : vector<1x128xf32>
    %rsqrt3A_83 = math.rsqrt %add3A_82 : vector<1x128xf32>
    %mul3A_84 = vector.broadcast %rsqrt3A_83 : vector<1x128xf32> to vector<10000x128xf32>
    %mul3A_85 = arith.mulf %sub3A_72, %mul3A_84 : vector<10000x128xf32>
    %get3A_86 = arith.constant 0 : index
    %get3A_87 = arith.constant 0 : index
    %get3A_88 = vector.load %arg7[%get3A_86, %get3A_87] : memref<1x128xf32, #tpu.memory_space<vmem>>, vector<1x128xf32>
    %mul3A_89 = vector.broadcast %get3A_88 : vector<1x128xf32> to vector<10000x128xf32>
    %mul3A_90 = arith.mulf %mul3A_85, %mul3A_89 : vector<10000x128xf32>
    %get3A_91 = arith.constant 0 : index
    %get3A_92 = arith.constant 0 : index
    %get3A_93 = vector.load %arg9[%get3A_91, %get3A_92] : memref<1x128xf32, #tpu.memory_space<vmem>>, vector<1x128xf32>
    %add3A_94 = vector.broadcast %get3A_93 : vector<1x128xf32> to vector<10000x128xf32>
    %add3A_95 = arith.addf %mul3A_90, %add3A_94 : vector<10000x128xf32>
    %swap3A_96 = arith.constant 1 : index
    %swap3A_97 = arith.constant 0 : index
    %swap3A_98 = arith.constant 0 : index
    %swap3A_99 = vector.load %arg10[%swap3A_96, %swap3A_97, %swap3A_98] : memref<2x10000x128xf32, #tpu.memory_space<vmem>>, vector<1x10000x128xf32>
    %swap3A_100 = vector.shape_cast %swap3A_99 : vector<1x10000x128xf32> to vector<10000x128xf32>
    %swap3A_101 = vector.shape_cast %add3A_95 : vector<10000x128xf32> to vector<1x10000x128xf32>
    tpu.vector_store %arg10[%swap3A_96, %swap3A_97, %swap3A_98], %swap3A_101 {strides = array<i32>} : memref<2x10000x128xf32, #tpu.memory_space<vmem>>, vector<1x10000x128xf32>,
    return
  }
}

module attributes {stable_mosaic.version = 14 : i64} {
  func.func @_layer_body(%arg0: memref<2x10000x128xf32, #tpu.memory_space<vmem>>, %arg1: memref<2x10000x128xf32, #tpu.memory_space<vmem>>, %arg2: memref<2x10000x16xf32, #tpu.memory_space<vmem>>, %arg3: memref<128x128xf32, #tpu.memory_space<vmem>>, %arg4: memref<128x128xf32, #tpu.memory_space<vmem>>, %arg5: memref<1x128xf32, #tpu.memory_space<vmem>>, %arg6: memref<128x128xf32, #tpu.memory_space<vmem>>, %arg7: memref<128x128xf32, #tpu.memory_space<vmem>>, %arg8: memref<1x128xf32, #tpu.memory_space<vmem>>, %arg9: memref<2x10000x128xf32, #tpu.memory_space<vmem>>) attributes {dimension_semantics = [], scalar_prefetch = 0 : i64, scratch_operands = 0 : i64, tpu.core_type = #tpu.core_type<tc>} {
    %get3A = arith.constant 0 : index
    %get3A_0 = arith.constant 0 : index
    %get3A_1 = arith.constant 0 : index
    %get3A_2 = vector.load %arg2[%get3A, %get3A_0, %get3A_1] : memref<2x10000x16xf32, #tpu.memory_space<vmem>>, vector<1x10000x16xf32>
    %get3A_3 = vector.shape_cast %get3A_2 : vector<1x10000x16xf32> to vector<10000x16xf32>
    %reduce_sum3A = arith.constant dense<0.000000e+00> : vector<10000xf32>
    %reduce_sum3A_4 = vector.multi_reduction <add>, %get3A_3, %reduce_sum3A [1] : vector<10000x16xf32> to vector<10000xf32>
    %broadcast_in_dim3A = vector.shape_cast %reduce_sum3A_4 : vector<10000xf32> to vector<10000x1xf32>
    %max3A = arith.constant 1.000000e+00 : f32
    %max3A_5 = vector.broadcast %max3A : f32 to vector<10000x1xf32>
    %max3A_6 = arith.maximumf %broadcast_in_dim3A, %max3A_5 : vector<10000x1xf32>
    %get3A_7 = arith.constant 0 : index
    %get3A_8 = arith.constant 0 : index
    %get3A_9 = arith.constant 0 : index
    %get3A_10 = vector.load %arg1[%get3A_7, %get3A_8, %get3A_9] : memref<2x10000x128xf32, #tpu.memory_space<vmem>>, vector<1x10000x128xf32>
    %get3A_11 = vector.shape_cast %get3A_10 : vector<1x10000x128xf32> to vector<10000x128xf32>
    %div3A = vector.broadcast %max3A_6 : vector<10000x1xf32> to vector<10000x128xf32>
    %div3A_12 = arith.divf %get3A_11, %div3A : vector<10000x128xf32>
    %get3A_13 = arith.constant 0 : index
    %get3A_14 = arith.constant 0 : index
    %get3A_15 = arith.constant 0 : index
    %get3A_16 = vector.load %arg0[%get3A_13, %get3A_14, %get3A_15] : memref<2x10000x128xf32, #tpu.memory_space<vmem>>, vector<1x10000x128xf32>
    %get3A_17 = vector.shape_cast %get3A_16 : vector<1x10000x128xf32> to vector<10000x128xf32>
    %get3A_18 = arith.constant 0 : index
    %get3A_19 = arith.constant 0 : index
    %get3A_20 = vector.load %arg3[%get3A_18, %get3A_19] : memref<128x128xf32, #tpu.memory_space<vmem>>, vector<128x128xf32>
    %dot_general3A = arith.constant dense<0.000000e+00> : vector<10000x128xf32>
    %dot_general3A_21 = tpu.matmul %get3A_17, %get3A_20, %dot_general3A {dimension_numbers = #tpu.dot_dimension_numbers<[1], [0], [0], [1], [0, 0, 1, 1], [], []>, transpose_lhs_hint = false} : vector<10000x128xf32>, vector<128x128xf32>, vector<10000x128xf32> -> vector<10000x128xf32>
    %get3A_22 = arith.constant 0 : index
    %get3A_23 = arith.constant 0 : index
    %get3A_24 = vector.load %arg4[%get3A_22, %get3A_23] : memref<128x128xf32, #tpu.memory_space<vmem>>, vector<128x128xf32>
    %dot_general3A_25 = arith.constant dense<0.000000e+00> : vector<10000x128xf32>
    %dot_general3A_26 = tpu.matmul %div3A_12, %get3A_24, %dot_general3A_25 {dimension_numbers = #tpu.dot_dimension_numbers<[1], [0], [0], [1], [0, 0, 1, 1], [], []>, transpose_lhs_hint = false} : vector<10000x128xf32>, vector<128x128xf32>, vector<10000x128xf32> -> vector<10000x128xf32>
    %add3A = arith.addf %dot_general3A_21, %dot_general3A_26 : vector<10000x128xf32>
    %get3A_27 = arith.constant 0 : index
    %get3A_28 = arith.constant 0 : index
    %get3A_29 = vector.load %arg5[%get3A_27, %get3A_28] : memref<1x128xf32, #tpu.memory_space<vmem>>, vector<1x128xf32>
    %add3A_30 = vector.broadcast %get3A_29 : vector<1x128xf32> to vector<10000x128xf32>
    %add3A_31 = arith.addf %add3A, %add3A_30 : vector<10000x128xf32>
    %max3A_32 = arith.constant 0.000000e+00 : f32
    %max3A_33 = vector.broadcast %max3A_32 : f32 to vector<10000x128xf32>
    %max3A_34 = arith.maximumf %add3A_31, %max3A_33 : vector<10000x128xf32>
    %swap3A = arith.constant 0 : index
    %swap3A_35 = arith.constant 0 : index
    %swap3A_36 = arith.constant 0 : index
    %swap3A_37 = vector.load %arg9[%swap3A, %swap3A_35, %swap3A_36] : memref<2x10000x128xf32, #tpu.memory_space<vmem>>, vector<1x10000x128xf32>
    %swap3A_38 = vector.shape_cast %swap3A_37 : vector<1x10000x128xf32> to vector<10000x128xf32>
    %swap3A_39 = vector.shape_cast %max3A_34 : vector<10000x128xf32> to vector<1x10000x128xf32>
    tpu.vector_store %arg9[%swap3A, %swap3A_35, %swap3A_36], %swap3A_39 {strides = array<i32>} : memref<2x10000x128xf32, #tpu.memory_space<vmem>>, vector<1x10000x128xf32>,
    %get3A_40 = arith.constant 1 : index
    %get3A_41 = arith.constant 0 : index
    %get3A_42 = arith.constant 0 : index
    %get3A_43 = vector.load %arg2[%get3A_40, %get3A_41, %get3A_42] : memref<2x10000x16xf32, #tpu.memory_space<vmem>>, vector<1x10000x16xf32>
    %get3A_44 = vector.shape_cast %get3A_43 : vector<1x10000x16xf32> to vector<10000x16xf32>
    %reduce_sum3A_45 = arith.constant dense<0.000000e+00> : vector<10000xf32>
    %reduce_sum3A_46 = vector.multi_reduction <add>, %get3A_44, %reduce_sum3A_45 [1] : vector<10000x16xf32> to vector<10000xf32>
    %broadcast_in_dim3A_47 = vector.shape_cast %reduce_sum3A_46 : vector<10000xf32> to vector<10000x1xf32>
    %max3A_48 = arith.constant 1.000000e+00 : f32
    %max3A_49 = vector.broadcast %max3A_48 : f32 to vector<10000x1xf32>
    %max3A_50 = arith.maximumf %broadcast_in_dim3A_47, %max3A_49 : vector<10000x1xf32>
    %get3A_51 = arith.constant 1 : index
    %get3A_52 = arith.constant 0 : index
    %get3A_53 = arith.constant 0 : index
    %get3A_54 = vector.load %arg1[%get3A_51, %get3A_52, %get3A_53] : memref<2x10000x128xf32, #tpu.memory_space<vmem>>, vector<1x10000x128xf32>
    %get3A_55 = vector.shape_cast %get3A_54 : vector<1x10000x128xf32> to vector<10000x128xf32>
    %div3A_56 = vector.broadcast %max3A_50 : vector<10000x1xf32> to vector<10000x128xf32>
    %div3A_57 = arith.divf %get3A_55, %div3A_56 : vector<10000x128xf32>
    %get3A_58 = arith.constant 1 : index
    %get3A_59 = arith.constant 0 : index
    %get3A_60 = arith.constant 0 : index
    %get3A_61 = vector.load %arg0[%get3A_58, %get3A_59, %get3A_60] : memref<2x10000x128xf32, #tpu.memory_space<vmem>>, vector<1x10000x128xf32>
    %get3A_62 = vector.shape_cast %get3A_61 : vector<1x10000x128xf32> to vector<10000x128xf32>
    %get3A_63 = arith.constant 0 : index
    %get3A_64 = arith.constant 0 : index
    %get3A_65 = vector.load %arg6[%get3A_63, %get3A_64] : memref<128x128xf32, #tpu.memory_space<vmem>>, vector<128x128xf32>
    %dot_general3A_66 = arith.constant dense<0.000000e+00> : vector<10000x128xf32>
    %dot_general3A_67 = tpu.matmul %get3A_62, %get3A_65, %dot_general3A_66 {dimension_numbers = #tpu.dot_dimension_numbers<[1], [0], [0], [1], [0, 0, 1, 1], [], []>, transpose_lhs_hint = false} : vector<10000x128xf32>, vector<128x128xf32>, vector<10000x128xf32> -> vector<10000x128xf32>
    %get3A_68 = arith.constant 0 : index
    %get3A_69 = arith.constant 0 : index
    %get3A_70 = vector.load %arg7[%get3A_68, %get3A_69] : memref<128x128xf32, #tpu.memory_space<vmem>>, vector<128x128xf32>
    %dot_general3A_71 = arith.constant dense<0.000000e+00> : vector<10000x128xf32>
    %dot_general3A_72 = tpu.matmul %div3A_57, %get3A_70, %dot_general3A_71 {dimension_numbers = #tpu.dot_dimension_numbers<[1], [0], [0], [1], [0, 0, 1, 1], [], []>, transpose_lhs_hint = false} : vector<10000x128xf32>, vector<128x128xf32>, vector<10000x128xf32> -> vector<10000x128xf32>
    %add3A_73 = arith.addf %dot_general3A_67, %dot_general3A_72 : vector<10000x128xf32>
    %get3A_74 = arith.constant 0 : index
    %get3A_75 = arith.constant 0 : index
    %get3A_76 = vector.load %arg8[%get3A_74, %get3A_75] : memref<1x128xf32, #tpu.memory_space<vmem>>, vector<1x128xf32>
    %add3A_77 = vector.broadcast %get3A_76 : vector<1x128xf32> to vector<10000x128xf32>
    %add3A_78 = arith.addf %add3A_73, %add3A_77 : vector<10000x128xf32>
    %max3A_79 = arith.constant 0.000000e+00 : f32
    %max3A_80 = vector.broadcast %max3A_79 : f32 to vector<10000x128xf32>
    %max3A_81 = arith.maximumf %add3A_78, %max3A_80 : vector<10000x128xf32>
    %swap3A_82 = arith.constant 1 : index
    %swap3A_83 = arith.constant 0 : index
    %swap3A_84 = arith.constant 0 : index
    %swap3A_85 = vector.load %arg9[%swap3A_82, %swap3A_83, %swap3A_84] : memref<2x10000x128xf32, #tpu.memory_space<vmem>>, vector<1x10000x128xf32>
    %swap3A_86 = vector.shape_cast %swap3A_85 : vector<1x10000x128xf32> to vector<10000x128xf32>
    %swap3A_87 = vector.shape_cast %max3A_81 : vector<10000x128xf32> to vector<1x10000x128xf32>
    tpu.vector_store %arg9[%swap3A_82, %swap3A_83, %swap3A_84], %swap3A_87 {strides = array<i32>} : memref<2x10000x128xf32, #tpu.memory_space<vmem>>, vector<1x10000x128xf32>,
    return
  }
}

module attributes {stable_mosaic.version = 14 : i64} {
  func.func @_loss_body(%arg0: memref<4096x128xf32, #tpu.memory_space<vmem>>, %arg1: memref<2048x64xf32, #tpu.memory_space<vmem>>, %arg2: memref<2048x64xf32, #tpu.memory_space<vmem>>, %arg3: memref<128x64xf32, #tpu.memory_space<vmem>>, %arg4: memref<128x64xf32, #tpu.memory_space<vmem>>, %arg5: memref<1x64xf32, #tpu.memory_space<vmem>>, %arg6: memref<1x64xf32, #tpu.memory_space<vmem>>, %arg7: memref<2x1xf32, #tpu.memory_space<vmem>>) attributes {dimension_semantics = [], scalar_prefetch = 0 : i64, scratch_operands = 0 : i64, tpu.core_type = #tpu.core_type<tc>} {
    %get3A = arith.constant 0 : index
    %get3A_0 = arith.constant 0 : index
    %get3A_1 = vector.load %arg0[%get3A, %get3A_0] : memref<4096x128xf32, #tpu.memory_space<vmem>>, vector<2048x128xf32>
    %get3A_2 = arith.constant 0 : index
    %get3A_3 = arith.constant 0 : index
    %get3A_4 = vector.load %arg3[%get3A_2, %get3A_3] : memref<128x64xf32, #tpu.memory_space<vmem>>, vector<128x64xf32>
    %dot_general3A = arith.constant dense<0.000000e+00> : vector<2048x64xf32>
    %dot_general3A_5 = tpu.matmul %get3A_1, %get3A_4, %dot_general3A {dimension_numbers = #tpu.dot_dimension_numbers<[1], [0], [0], [1], [0, 0, 1, 1], [], []>, transpose_lhs_hint = false} : vector<2048x128xf32>, vector<128x64xf32>, vector<2048x64xf32> -> vector<2048x64xf32>
    %get3A_6 = arith.constant 0 : index
    %get3A_7 = arith.constant 0 : index
    %get3A_8 = vector.load %arg5[%get3A_6, %get3A_7] : memref<1x64xf32, #tpu.memory_space<vmem>>, vector<1x64xf32>
    %add3A = vector.broadcast %get3A_8 : vector<1x64xf32> to vector<2048x64xf32>
    %add3A_9 = arith.addf %dot_general3A_5, %add3A : vector<2048x64xf32>
    %get3A_10 = arith.constant 0 : index
    %get3A_11 = arith.constant 0 : index
    %get3A_12 = vector.load %arg1[%get3A_10, %get3A_11] : memref<2048x64xf32, #tpu.memory_space<vmem>>, vector<2048x64xf32>
    %sub3A = arith.subf %add3A_9, %get3A_12 : vector<2048x64xf32>
    %mul3A = arith.mulf %sub3A, %sub3A : vector<2048x64xf32>
    %reduce_sum3A = vector.shape_cast %mul3A : vector<2048x64xf32> to vector<1x2048x64xf32>
    %reduce_sum3A_13 = arith.constant dense<0.000000e+00> : vector<1xf32>
    %reduce_sum3A_14 = vector.multi_reduction <add>, %reduce_sum3A, %reduce_sum3A_13 [1, 2] : vector<1x2048x64xf32> to vector<1xf32>
    %reduce_sum3A_15 = vector.shape_cast %reduce_sum3A_14 : vector<1xf32> to vector<1x1x1xf32>
    %reduce_sum3A_16 = vector.extract %reduce_sum3A_15[0, 0, 0] : f32 from vector<1x1x1xf32>
    %broadcast_in_dim3A = vector.broadcast %reduce_sum3A_16 : f32 to vector<1x1xf32>
    %mul3A_17 = arith.constant 7.62939453E-6 : f32
    %mul3A_18 = vector.broadcast %mul3A_17 : f32 to vector<1x1xf32>
    %mul3A_19 = arith.mulf %broadcast_in_dim3A, %mul3A_18 : vector<1x1xf32>
    %swap3A = arith.constant 0 : index
    %swap3A_20 = arith.constant 0 : index
    %swap3A_21 = vector.load %arg7[%swap3A, %swap3A_20] : memref<2x1xf32, #tpu.memory_space<vmem>>, vector<1x1xf32>
    tpu.vector_store %arg7[%swap3A, %swap3A_20], %mul3A_19 {strides = array<i32>} : memref<2x1xf32, #tpu.memory_space<vmem>>, vector<1x1xf32>,
    %get3A_22 = arith.constant 2048 : index
    %get3A_23 = arith.constant 0 : index
    %get3A_24 = vector.load %arg0[%get3A_22, %get3A_23] : memref<4096x128xf32, #tpu.memory_space<vmem>>, vector<2048x128xf32>
    %get3A_25 = arith.constant 0 : index
    %get3A_26 = arith.constant 0 : index
    %get3A_27 = vector.load %arg4[%get3A_25, %get3A_26] : memref<128x64xf32, #tpu.memory_space<vmem>>, vector<128x64xf32>
    %dot_general3A_28 = arith.constant dense<0.000000e+00> : vector<2048x64xf32>
    %dot_general3A_29 = tpu.matmul %get3A_24, %get3A_27, %dot_general3A_28 {dimension_numbers = #tpu.dot_dimension_numbers<[1], [0], [0], [1], [0, 0, 1, 1], [], []>, transpose_lhs_hint = false} : vector<2048x128xf32>, vector<128x64xf32>, vector<2048x64xf32> -> vector<2048x64xf32>
    %get3A_30 = arith.constant 0 : index
    %get3A_31 = arith.constant 0 : index
    %get3A_32 = vector.load %arg6[%get3A_30, %get3A_31] : memref<1x64xf32, #tpu.memory_space<vmem>>, vector<1x64xf32>
    %add3A_33 = vector.broadcast %get3A_32 : vector<1x64xf32> to vector<2048x64xf32>
    %add3A_34 = arith.addf %dot_general3A_29, %add3A_33 : vector<2048x64xf32>
    %get3A_35 = arith.constant 0 : index
    %get3A_36 = arith.constant 0 : index
    %get3A_37 = vector.load %arg2[%get3A_35, %get3A_36] : memref<2048x64xf32, #tpu.memory_space<vmem>>, vector<2048x64xf32>
    %sub3A_38 = arith.subf %add3A_34, %get3A_37 : vector<2048x64xf32>
    %mul3A_39 = arith.mulf %sub3A_38, %sub3A_38 : vector<2048x64xf32>
    %reduce_sum3A_40 = vector.shape_cast %mul3A_39 : vector<2048x64xf32> to vector<1x2048x64xf32>
    %reduce_sum3A_41 = arith.constant dense<0.000000e+00> : vector<1xf32>
    %reduce_sum3A_42 = vector.multi_reduction <add>, %reduce_sum3A_40, %reduce_sum3A_41 [1, 2] : vector<1x2048x64xf32> to vector<1xf32>
    %reduce_sum3A_43 = vector.shape_cast %reduce_sum3A_42 : vector<1xf32> to vector<1x1x1xf32>
    %reduce_sum3A_44 = vector.extract %reduce_sum3A_43[0, 0, 0] : f32 from vector<1x1x1xf32>
    %broadcast_in_dim3A_45 = vector.broadcast %reduce_sum3A_44 : f32 to vector<1x1xf32>
    %mul3A_46 = arith.constant 7.62939453E-6 : f32
    %mul3A_47 = vector.broadcast %mul3A_46 : f32 to vector<1x1xf32>
    %mul3A_48 = arith.mulf %broadcast_in_dim3A_45, %mul3A_47 : vector<1x1xf32>
    %swap3A_49 = arith.constant 1 : index
    %swap3A_50 = arith.constant 0 : index
    %swap3A_51 = vector.load %arg7[%swap3A_49, %swap3A_50] : memref<2x1xf32, #tpu.memory_space<vmem>>, vector<1x1xf32>
    tpu.vector_store %arg7[%swap3A_49, %swap3A_50], %mul3A_48 {strides = array<i32>} : memref<2x1xf32, #tpu.memory_space<vmem>>, vector<1x1xf32>,
    return
  }
}

</mosaic_0001>

<sc_bundles>
// kernel: kernel.12.cloned.1.call-start
scs
__scs_entry_jumppad:
0x0: {  	(pc) =	sbr.rel $0x88, $3  }
0x1: {  	(tag) =	ssettag $0x0;
	lr =	simm.s32 $0x1  }
0x2: {  	[smem:$0x3F81] =	sst lr;
	_ =	strace $0xD0000000  }
0x3: {  	_ = 	snop  }
0x4: {  	_ = 	snop  }
0x5: {  	_ = 	snop  }
0x6: {  	_ = 	snop  }
0x7: {  	_ = 	snop  }
__scs_overlays_trampoline_lowered:
0x8: {  	[smem:$0x3F90] =	sst s0  }
0x9: {  	[smem:$0x3F91] =	sst s1  }
0xa: {  	[smem:$0x3F92] =	sst s2  }
0xb: {  	[smem:$0x3F93] =	sst s3  }
0xc: {  	[smem:$0x3F94] =	sst s4  }
0xd: {  	[smem:$0x3F95] =	sst s5  }
0xe: {  	[smem:$0x3F96] =	sst s6  }
0xf: {  	[smem:$0x3F97] =	sst s7  }
0x10: {  	[smem:$0x3F98] =	sst s8  }
0x11: {  	[smem:$0x3F99] =	sst s9;
	s0 =	simm.s32 @!p0 $0x0  }
0x12: {  	s1 =	sld [smem:$0x3F7F];
	s0 =	simm.s32 @p0 $0x1  }
0x13: {  	[smem:$0x3F9A] =	sst s0;
	s0 =	simm.s32 @!p1 $0x0  }
0x14: {  	s2 =	sld [smem:$0x3F7E];
	s0 =	simm.s32 @p1 $0x1  }
0x15: {  	[smem:$0x3F9B] =	sst s0;
	s0 =	simm.s32 @!p2 $0x0  }
0x16: {  	s3 =	sld [smem:$0x3FDB];
	s0 =	simm.s32 @p2 $0x1  }
0x17: {  	s4 =	simm.s32 $0x1BF5;
	[smem:$0x3F9D] =	sst s0  }
0x18: {  	s0 =	sld [smem:$0x3F80];
	_ =	swait.ge [sflag:s4], $0x0  }
0x19: {  	s7 =	sld [smem:$0x3F81]  }
0x1a: {  	s8 =	sadd.s32 $0xFFFFE003, lr  }
0x1b: {  	s9 =	sadd.s32 $0xFFFFFEF7, lr;
	s5 =	simm.s32 $0xFFFFFFFF;
	p2 =	slt.u32 s8, $0xFFFFF086  }
0x1c: {  	p1 =	slt.u32 s9, $0xF7A;
	s5 =	simm.s32 @!p2 $0x0  }
0x1d: {  	s5 =	simm.s32 @p1 $0x1;
	p0 =	seq.s32 s7, s2  }
0x1e: {  	s7 =	smul.u32 @!p0 $0xF7A, s2;
	p2 =	seq.s32 @!p0 s5, $0x0  }
0x1f: {  	s9 =	smul.u32 $0xF7A, s1;
	s8 =	simm.s32 @!p0 $0x1BF5;
	p2 =	por !p2, p0  }
0x20: {  	[sflag:s8] =	ssyncset.s32 @!p0 $0xFFFFF086;
	s6 =	sadd.s32 @!p0 s3, s7;
	s7 =	simm.s32 @!p0 $0x108  }
0x21: {  	s3 =	sadd.s32 s3, s9;
	s6 =	sadd.s32 @!p0 $0x88, s6;
	s7 =	simm.s32 @p2 $0x1082  }
0x22: {  	[simem:s7], [sflag:s8] =	dma.local @!p0 [hbm:s6], $0xF7A  }
0x23: {  	s9 =	sor.u32 $0xD0000000, s2;
	s6 =	simm.s32 $0x108;
	_ =	swait.ge @!p0 [sflag:s8], $0x0  }
0x24: {  	s3 =	sadd.s32 $0x88, s3;
	s6 =	simm.s32 @!p1 $0x1082;
	[sflag:s4] =	ssyncset.s32 $0xFFFFF086  }
0x25: {  	[simem:s6], [sflag:s4] =	dma.local [hbm:s3], $0xF7A  }
0x26: {  	[smem:$0x3F81] =	sst s1;
	(tag) =	ssettag s2;
	_ =	strace s9  }
0x27: {  	s1 =	sld [smem:$0x3F91]  }
0x28: {  	s2 =	sld [smem:$0x3F92]  }
0x29: {  	s4 =	sld [smem:$0x3F94]  }
0x2a: {  	p0 =	seq.s32 s5, $0x0;
	s5 =	sld [smem:$0x3F95]  }
0x2b: {  	s6 =	sld [smem:$0x3F96]  }
0x2c: {  	s7 =	sld [smem:$0x3F97]  }
0x2d: {  	s3 =	simm.s32 $0x108;
	s8 =	sld [smem:$0x3F98]  }
0x2e: {  	s3 =	simm.s32 @!p0 $0x1082;
	s9 =	sld [smem:$0x3F99]  }
0x2f: {  	lr =	sadd.s32 s0, s3;
	s0 =	sld [smem:$0x3F90]  }
0x30: {  	s3 =	sld [smem:$0x3F93]  }
0x31: {  	[smem:$0x3F9C] =	sst s10  }
0x32: {  	s10 =	sld [smem:$0x3F9A];
	_ =	sdelay $0x3  }
0x33: {  	p0 =	seq.s32 s10, $0x1;
	s10 =	sld [smem:$0x3F9C];
	_ =	sdelay $0x3  }
0x34: {  	[smem:$0x3F9C] =	sst s10  }
0x35: {  	s10 =	sld [smem:$0x3F9B];
	_ =	sdelay $0x3  }
0x36: {  	p1 =	seq.s32 s10, $0x1;
	s10 =	sld [smem:$0x3F9C];
	_ =	sdelay $0x3  }
0x37: {  	[smem:$0x3F9C] =	sst s10  }
0x38: {  	s10 =	sld [smem:$0x3F9D]  }
0x39: {  	_ = 	snop;
	(pc) =	sbr.ind lr, $3  }
0x3a: {  	_ = 	snop  }
0x3b: {  	_ = 	snop  }
0x3c: {  	p2 =	seq.s32 s10, $0x1;
	s10 =	sld [smem:$0x3F9C]  }
0x3d: {  	_ =	shalt  }
0x3e: {  	_ =	shalt  }
0x3f: {  	_ =	shalt  }
0x40: {  	_ =	shalt  }
0x41: {  	_ =	shalt  }
0x42: {  	_ =	shalt  }
0x43: {  	_ =	shalt  }
0x44: {  	_ =	shalt  }
0x45: {  	_ =	shalt  }
0x46: {  	_ =	shalt  }
0x47: {  	_ =	shalt  }
0x48: {  	_ =	shalt  }
0x49: {  	_ =	shalt  }
0x4a: {  	_ =	shalt  }
0x4b: {  	_ =	shalt  }
0x4c: {  	_ =	shalt  }
0x4d: {  	_ =	shalt  }
0x4e: {  	_ =	shalt  }
0x4f: {  	_ =	shalt  }
0x50: {  	_ =	shalt  }
0x51: {  	_ =	shalt  }
0x52: {  	_ =	shalt  }
0x53: {  	_ =	shalt  }
0x54: {  	_ =	shalt  }
0x55: {  	_ =	shalt  }
0x56: {  	_ =	shalt  }
0x57: {  	_ =	shalt  }
0x58: {  	_ =	shalt  }
0x59: {  	_ =	shalt  }
0x5a: {  	_ =	shalt  }
0x5b: {  	_ =	shalt  }
0x5c: {  	_ =	shalt  }
0x5d: {  	_ =	shalt  }
0x5e: {  	_ =	shalt  }
0x5f: {  	_ =	shalt  }
0x60: {  	_ =	shalt  }
0x61: {  	_ =	shalt  }
0x62: {  	_ =	shalt  }
0x63: {  	_ =	shalt  }
0x64: {  	_ =	shalt  }
0x65: {  	_ =	shalt  }
0x66: {  	_ =	shalt  }
0x67: {  	_ =	shalt  }
0x68: {  	_ =	shalt  }
0x69: {  	_ =	shalt  }
0x6a: {  	_ =	shalt  }
0x6b: {  	_ =	shalt  }
0x6c: {  	_ =	shalt  }
0x6d: {  	_ =	shalt  }
0x6e: {  	_ =	shalt  }
0x6f: {  	_ =	shalt  }
0x70: {  	_ =	shalt  }
0x71: {  	_ =	shalt  }
0x72: {  	_ =	shalt  }
0x73: {  	_ =	shalt  }
0x74: {  	_ =	shalt  }
0x75: {  	_ =	shalt  }
0x76: {  	_ =	shalt  }
0x77: {  	_ =	shalt  }
0x78: {  	_ =	shalt  }
0x79: {  	_ =	shalt  }
0x7a: {  	_ =	shalt  }
0x7b: {  	_ =	shalt  }
0x7c: {  	_ =	shalt  }
0x7d: {  	_ =	shalt  }
0x7e: {  	_ =	shalt  }
0x7f: {  	_ =	shalt  }
0x80: {  	_ =	shalt  }
0x81: {  	_ =	shalt  }
0x82: {  	_ =	shalt  }
0x83: {  	_ =	shalt  }
0x84: {  	_ =	shalt  }
0x85: {  	_ =	shalt  }
0x86: {  	_ =	shalt  }
0x87: {  	_ =	shalt  }
.Lfunc_end0:
.L_simem_size_0:
called_computation.1_lowered:
.L_overlay_start_0:
0x88: {  	s2 =	sld [smem:$0x3FD9]  }
0x89: {  	s3 =	sld [smem:$0x3FFE];
	_ =	sdelay $0x1  }
0x8a: {  	s1 =	srdreg.scid  }
0x8b: {  	s0 =	sand.u32 $0x1, s1  }
0x8c: {  	s16 =	sshll.u32 s0, $0xA;
	s2 =	sadd.s32 s3, s2  }
0x8d: {  	s2 =	sadd.s32 s2, s16  }
0x8e: {  	[smem:$0x3FA8] =	sst s2  }
0x8f: {  	_ = 	snop  }
0x90: {  	(tm) =	ssettm $0x1  }
0x91: {  	s17 =	sld [smem:$0x3FFB];
	_ =	sdelay $0x3  }
0x92: {  	_ =	strace s17  }
0x93: {  	s2 =	sld [smem:$0x3FFC];
	_ =	sdelay $0x3  }
0x94: {  	_ =	strace s2  }
0x95: {  	s2 =	sld [smem:$0x3FFD];
	_ =	sdelay $0x3  }
0x96: {  	_ =	strace s2  }
0x97: {  	_ =	strace $0x8FFFFFFF  }
0x98: {  	s18 =	sld [smem:$0x3FDB];
	_ =	sdelay $0x1  }
0x99: {  	s19 =	simm.s32 $_scs_section_size  }
0x9a: {  	s4 =	simm.s32 $_size__tile_overlayer_lowered;
	s5 =	simm.s32 $_tile_overlayer_lowered  }
0x9b: {  	s22 =	simm.s32 $0x1BFF;
	s21 =	sshll.u32 s5, $0x1;
	s2 =	sadd.s32 s19, s18  }
0x9c: {  	s6 =	simm.s32 $0x0;
	s20 =	sshll.u32 s4, $0x1;
	s4 =	sadd.s32 s21, s2  }
0x9d: {  	[timem:s6], [sflag:s22] =	dma.local [hbm:s4], s20  }
0x9e: {  	_ =	swait.ge [sflag:s22], s20  }
0x9f: {  	s3 =	ssub.s32 $0x0, s20;
	[sflag:s22] =	ssyncset.done $0x0  }
0xa0: {  	[sflag:s22] =	ssyncadd.s32 s3;
	_ =	sdelay $0x1  }
0xa1: {  	s23 =	simm.s32 $0x1B8B  }
0xa2: {  	_ =	swait.ge [sflag:s23], $0x1  }
0xa3: {  	[sflag:s23] =	ssyncset.done $0x0  }
0xa4: {  	s25 =	simm.s32 $0x1B8E;
	s24 =	sld [smem:$0x3FFE];
	[sflag:s23] =	ssyncadd.s32 $0xFFFFFFFF  }
0xa5: {  	s26 =	simm.s32 $execute0_lowered;
	[smem:$0x3FD2] =	sst s25  }
0xa6: {  	s4 =	sshll.u32 s26, $0x1;
	_ =	strace $0x80000049;
	[dreg:$0x1] =	wrdreg $0xFFFFFFFF  }
0xa7: {  	s28 =	simm.s32 $_size_execute0_lowered;
	s2 =	sadd.s32 s2, s4;
	[dreg:$0x0] =	wrdreg $0x0  }
0xa8: {  	s4 =	sshll.u32 s28, $0x1;
	[dreg:$0x2] =	wrdreg s2  }
0xa9: {  	[dreg:$0x3] =	wrdreg s4  }
0xaa: {  	[dreg:$0x4] =	wrdreg $0xC0  }
0xab: {  	_ =	task [dreg:s6], $0x5FFFF  }
0xac: {  	[dreg:$0x1] =	wrdreg $0xFFFFFFFF  }
0xad: {  	[dreg:$0x0] =	wrdreg $0x60  }
0xae: {  	[dreg:$0x2] =	wrdreg s24  }
0xaf: {  	[dreg:$0x3] =	wrdreg $0x95000  }
0xb0: {  	[dreg:$0x4] =	wrdreg $0x9  }
0xb1: {  	_ =	task.clear_ibuf [dreg:s6], $0x5FFFF;
	_ =	strace $0x90000049  }
0xb2: {  	s29 =	simm.s32 $0x9;
	_ =	strace $0x8000004B  }
0xb3: {  	_ =	swait.ge [sflag:s29], $0x1  }
0xb4: {  	[sflag:s29] =	ssyncadd.s32 $0xFFFFFFFF  }
0xb5: {  	_ =	strace $0x9000004B  }
0xb6: {  	_ =	sfence  }
0xb7: {  	s30 =	sld [smem:$0x0];
	_ =	sdelay $0x2  }
0xb8: {  	s31 =	sshll.u32 s1, $0xD;
	s1 =	sshrl.u32 s1, $0x2  }
0xb9: {  	s3 =	sand.u32 $0x4000, s31;
	s1 =	sadd.s32 s1, s30  }
0xba: {  	s0 =	sor.u32 s3, s0;
	s1 =	sshll.u32 s1, $0x11  }
0xbb: {  	s0 =	sor.u32 s1, s0  }
0xbc: {  	s0 =	sadd.s32 $0x8F2B, s0  }
0xbd: {  	[sflag:s0] =	ssyncadd.remote.s32 $0x1  }
0xbe: {  	_ =	sfence.sel $0xFFFF  }
0xbf: {  	[dreg:$0x0] =	wrdreg $0xFFFFFFFF;
	(pc) =	sbr.abs _section_cstart, $3  }
0xc0: {  	[dreg:$0x1] =	wrdreg $0xFFFFFFFF  }
0xc1: {  	_ =	task.clear_ibuf [dreg:s6], $0x2FFFF;
	_ =	strace $0x9FFFFFFF  }
0xc2: {  	(tm) =	ssettm $0x7FFFFFFF  }
0xc3: {  	_ =	shalt  }
tec
execute0_lowered:
.L_overlay_start_1:
0x0: {  	(tag) =	ssettag $0x1  }
0x1: {  	s0 =	rddreg [dreg:$0x0]  }
0x2: {  	s2 =	rddreg [dreg:$0x1];
	s3 =	simm.s32 $0x0  }
0x3: {  	s15 =	stileid.u32;
	s7 =	srdreg.scid;
	s28 =	simm.s32 $0x100  }
0x4: {  	s29 =	simm.s32 $0x300;
	s30 =	simm.s32 $0x180;
	s31 =	simm.s32 $0x380  }
0x5: {  	[smem:$0x7FF] =	sst s3;
	s4 =	sadd.s32 $0x2D600, s0;
	s1 =	smul.u32 $0x13800, s15  }
0x6: {  	s5 =	sadd.s32 $0x6200, s0;
	s6 =	sadd.s32 $0x19C00, s0;
	s9 =	smul.u32 $0x4E000, s15  }
0x7: {  	s7 =	sand.u32 $0x1, s7;
	s13 =	smul.u32 $0x4E20, s15;
	s14 =	sadd.s32 $0xACE00, s0  }
0x8: {  	s18 =	sshll.u32 s15, $0x6;
	s19 =	sadd.s32 $0x138000, s2;
	p0 =	sne.s32 s15, $0xF  }
0x9: {  	_ =	strace $0x8000004A;
	s10 =	ssub.s32 $0x2, s7;
	s11 =	smul.u32 $0x4E200, s7  }
0xa: {  	[dreg:$0xb] =	wrdreg s19;
	s7 =	smul.u32 $0x138800, s7;
	s8 =	sshrl.u32 s1, $0x3  }
0xb: {  	s12 =	sshrl.u32 s10, $0x1;
	s9 =	sshrl.u32 s9, $0x2;
	s8 =	sadd.s32 s8, s0  }
0xc: {  	s10 =	ssub.s32 s10, s12;
	s9 =	sadd.s32 s9, s2;
	s11 =	sadd.s32 s13, s11  }
0xd: {  	s0 =	sadd.s32 $0xA2800, s0;
	s1 =	sadd.s32 s1, s7;
	s13 =	sshrl.u32 s7, $0x3  }
0xe: {  	s7 =	simm.s32 $0x2;
	[dreg:$0x9] =	wrdreg s9;
	s8 =	sadd.s32 $0x7B800, s8  }
0xf: {  	s9 =	sor.u32 $0x1C06, s18;
	s20 =	sshrl.u32 s11, $0x3;
	[dreg:$0xc] =	wrdreg s0  }
0x10: {  	s1 =	sshrl.u32 s1, $0x3;
	[dreg:$0xa] =	wrdreg s8;
	s22 =	sadd.s32 s5, s20  }
0x11: {  	s26 =	sadd.s32 $0x280, s11;
	s23 =	sadd.s32 s6, s20;
	[dreg:$0xd] =	wrdreg s22  }
0x12: {  	s21 =	sadd.s32 $0x10, s20;
	s1 =	sadd.s32 s14, s1;
	[dreg:$0xe] =	wrdreg s23  }
0x13: {  	s12 =	sshrl.u32 s26, $0x3;
	s26 =	sadd.s32 $0x200, s11;
	[dreg:$0x13] =	wrdreg s1  }
0x14: {  	s17 =	sadd.s32 $0x100, s11;
	s24 =	sadd.s32 s5, s21;
	[dreg:$0x16] =	wrdreg s26  }
0x15: {  	s25 =	sadd.s32 $0x9C0, s20;
	s0 =	sadd.s32 s6, s21;
	[dreg:$0xf] =	wrdreg s24  }
0x16: {  	s18 =	sshrl.u32 s17, $0x3;
	s8 =	sadd.s32 s5, s25;
	[dreg:$0x10] =	wrdreg s0  }
0x17: {  	s20 =	sadd.s32 $0x180, s11;
	s16 =	sadd.s32 s12, s6;
	[dreg:$0x11] =	wrdreg s8  }
0x18: {  	s11 =	simm.s32 $0x5;
	s19 =	sadd.s32 s18, s6;
	[dreg:$0x3] =	wrdreg s16  }
0x19: {  	s21 =	sadd.s32 s18, s5;
	s22 =	sshrl.u32 s20, $0x3;
	[dreg:$0x5] =	wrdreg s19  }
0x1a: {  	s1 =	sadd.s32 s14, s13;
	s0 =	sadd.s32 s6, s25;
	[dreg:$0x6] =	wrdreg s21  }
0x1b: {  	s26 =	simm.s32 $0x1;
	s1 =	sadd.s32 $0x27000, s1;
	[dreg:$0x12] =	wrdreg s0  }
0x1c: {  	s23 =	sadd.s32 s22, s6;
	s24 =	sadd.s32 s22, s5;
	[dreg:$0x14] =	wrdreg s1  }
0x1d: {  	s25 =	smax.u32 s10, $0x1;
	s22 =	simm.s32 $0x6;
	[dreg:$0x7] =	wrdreg s23  }
0x1e: {  	s8 =	simm.s32 $0x3;
	s10 =	simm.s32 $0x4;
	[dreg:$0x15] =	wrdreg s25  }
0x1f: {  	s16 =	simm.s32 $0x0;
	s0 =	sadd.s32 s12, s5;
	[dreg:$0x8] =	wrdreg s24  }
0x20: {  	s23 =	simm.s32 $0x200;
	s24 =	simm.s32 $0x80;
	s25 =	simm.s32 $0x280  }
0x21: {  	s1 =	simm.s32 $0x4400;
	[dreg:$0x4] =	wrdreg s0;
	s0 =	simm.s32 $0x400  }
.LBB2_1:
0x22: {  	s12 =	rddreg [dreg:$0x9]  }
0x23: {  	s18 =	rddreg [dreg:$0xa];
	s13 =	sshrl.u32 s12, $0x3  }
0x24: {  	[dreg:$0x17] =	wrdreg s13  }
0x25: {  	[spmem:s13], [sflag:s9] =	dma.local [hbm:s18], $0x2700  }
0x26: {  	_ =	swait.ge [sflag:s22], $0x2700  }
0x27: {  	s12 =	rddreg [dreg:$0xb]  }
0x28: {  	[sflag:s22] =	ssyncset.done $0x0;
	s13 =	sshrl.u32 @!p0 s12, $0x3;
	s12 =	rddreg [dreg:$0xc]  }
0x29: {  	[sflag:s22] =	ssyncadd.s32 $0xFFFFD900;
	[dreg:$0x18] =	wrdreg s13  }
0x2a: {  	[spmem:s13], [sflag:s9] =	dma.local @!p0 [hbm:s12], $0x100  }
0x2b: {  	s12 =	simm.s32 @!p0 $0x6  }
0x2c: {  	_ =	swait.ge @!p0 [sflag:s12], $0x100  }
0x2d: {  	[sflag:s12] =	ssyncset.done @!p0 $0x0  }
0x2e: {  	[sflag:s12] =	ssyncadd.s32 @!p0 $0xFFFFFF00  }
0x2f: {  	[bflag:$0x0] =	sbarrier.arrive $0xFFFF  }
0x30: {  	s19 =	rddreg [dreg:$0xd]  }
0x31: {  	[tilespmem:s3], [sflag:$0x1] =	stream.linear.gather [hbm4b:s19+s3], $0x80, $0x38;
	[tilespmem:$0x1CD80] =	vst v63  }
0x32: {  	s20 =	rddreg [dreg:$0xe]  }
0x33: {  	[tilespmem:s23], [sflag:$0x1] =	stream.linear.gather [hbm4b:s20+s3], $0x80, $0x38;
	[tilespmem:$0x1CD80] =	vst v63  }
0x34: {  	s21 =	rddreg [dreg:$0xf]  }
0x35: {  	[tilespmem:s24], [sflag:$0x1] =	stream.linear.gather [hbm4b:s21+s3], $0x80, $0x38;
	[tilespmem:$0x1CD80] =	vst v63  }
0x36: {  	s13 =	rddreg [dreg:$0x10]  }
0x37: {  	[tilespmem:s25], [sflag:$0x1] =	stream.linear.gather [hbm4b:s13+s3], $0x80, $0x38;
	[tilespmem:$0x1CD80] =	vst v63  }
0x38: {  	_ =	swait.ge [sflag:s26], $0x80  }
0x39: {  	[sflag:s26] =	ssyncset.done $0x0  }
0x3a: {  	[sflag:s26] =	ssyncadd.s32 $0xFFFFFF80  }
0x3b: {  	_ =	swait.ge [sflag:s26], $0x80  }
0x3c: {  	[sflag:s26] =	ssyncset.done $0x0  }
0x3d: {  	[sflag:s26] =	ssyncadd.s32 $0xFFFFFF80  }
0x3e: {  	_ =	swait.ge [sflag:s26], $0x80  }
0x3f: {  	[sflag:s26] =	ssyncset.done $0x0  }
0x40: {  	[sflag:s26] =	ssyncadd.s32 $0xFFFFFF80  }
0x41: {  	_ =	swait.ge [sflag:s26], $0x80  }
0x42: {  	s14 =	rddreg [dreg:$0x6];
	[sflag:s26] =	ssyncset.done $0x0  }
0x43: {  	s15 =	rddreg [dreg:$0x5];
	[sflag:s26] =	ssyncadd.s32 $0xFFFFFF80;
	s12 =	sadd.s32 $0x0, s14  }
0x44: {  	[tilespmem:s28], [sflag:$0x1] =	stream.linear.gather [hbm4b:s12+s3], $0x80, $0x38;
	[tilespmem:$0x1CD80] =	vst v63  }
0x45: {  	s19 =	rddreg [dreg:$0x8];
	s17 =	sadd.s32 $0x0, s15  }
0x46: {  	[tilespmem:s29], [sflag:$0x1] =	stream.linear.gather [hbm4b:s17+s3], $0x80, $0x38;
	[tilespmem:$0x1CD80] =	vst v63  }
0x47: {  	p1 =	por $0x1, $0x1;
	s18 =	rddreg [dreg:$0x7];
	s20 =	sadd.s32 $0x0, s19  }
0x48: {  	[tilespmem:s30], [sflag:$0x1] =	stream.linear.gather [hbm4b:s20+s3], $0x80, $0x38;
	[tilespmem:$0x1CD80] =	vst v63  }
0x49: {  	s21 =	sadd.s32 $0x0, s18;
	s12 =	simm.s32 @!p1 $0x4  }
0x4a: {  	[tilespmem:s31], [sflag:$0x1] =	stream.linear.gather [hbm4b:s21+s3], $0x80, $0x38;
	[tilespmem:$0x1CD80] =	vst v63  }
0x4b: {  	_ =	swait.ge @!p1 [sflag:s12], $0x4000  }
0x4c: {  	[sflag:s12] =	ssyncset.done @!p1 $0x0  }
0x4d: {  	s13 =	simm.s32 @!p1 $0x5;
	[sflag:s12] =	ssyncadd.s32 @!p1 $0xFFFFC000  }
0x4e: {  	_ =	swait.ge @!p1 [sflag:s13], $0x4000  }
0x4f: {  	[sflag:s13] =	ssyncset.done @!p1 $0x0  }
0x50: {  	[sflag:s13] =	ssyncadd.s32 @!p1 $0xFFFFC000  }
0x51: {  	[tilespmem:s0], [sflag:$0x2] =	stream.indirect.gather [hbm4b:s4+s24], $0x80, s3, s24, $0xb8;
	[tilespmem:$0x1CD80] =	vst v63  }
0x52: {  	_ = 	snop  }
0x53: {  	[tilespmem:s1], [sflag:$0x3] =	stream.indirect.gather [hbm4b:s4+s24], $0x80, s24, s24, $0xb8;
	[tilespmem:$0x1CD80] =	vst v63  }
0x54: {  	_ =	swait.ge [sflag:s7], $0x4000  }
0x55: {  	[sflag:s7] =	ssyncset.done $0x0  }
0x56: {  	[sflag:s7] =	ssyncadd.s32 $0xFFFFC000  }
0x57: {  	[spmem:s2] =	stream.indirect.scatter.add.f32 [tilespmem:s0], [sflag:$0x4], $0x80, s23, s24, $0xb8;
	[tilespmem:$0x1CD80] =	vst v63  }
0x58: {  	_ =	swait.ge [sflag:s8], $0x4000  }
0x59: {  	[sflag:s8] =	ssyncset.done $0x0  }
0x5a: {  	[sflag:s8] =	ssyncadd.s32 $0xFFFFC000  }
0x5b: {  	[spmem:s2] =	stream.indirect.scatter.add.f32 [tilespmem:s1], [sflag:$0x5], $0x80, s25, s24, $0xb8;
	[tilespmem:$0x1CD80] =	vst v63  }
0x5c: {  	_ =	swait.ge [sflag:s26], $0x80  }
0x5d: {  	[sflag:s26] =	ssyncset.done $0x0  }
0x5e: {  	[sflag:s26] =	ssyncadd.s32 $0xFFFFFF80  }
0x5f: {  	_ =	swait.ge [sflag:s26], $0x80  }
0x60: {  	[sflag:s26] =	ssyncset.done $0x0  }
0x61: {  	[sflag:s26] =	ssyncadd.s32 $0xFFFFFF80  }
0x62: {  	_ =	swait.ge [sflag:s26], $0x80  }
0x63: {  	[sflag:s26] =	ssyncset.done $0x0  }
0x64: {  	[sflag:s26] =	ssyncadd.s32 $0xFFFFFF80  }
0x65: {  	_ =	swait.ge [sflag:s26], $0x80  }
0x66: {  	p1 =	por $0x0, $0x0;
	s14 =	rddreg [dreg:$0x16]  }
0x67: {  	[sflag:s26] =	ssyncset.done $0x0;
	s12 =	sshrl.u32 @!p1 s14, $0x3  }
0x68: {  	s19 =	simm.s32 @!p1 $0x0;
	[sflag:s26] =	ssyncadd.s32 $0xFFFFFF80;
	s13 =	sadd.s32 @!p1 s5, s12  }
0x69: {  	[tilespmem:s19], [sflag:$0x1] =	stream.linear.gather @!p1 [hbm4b:s13+s19], $0x80, $0x38;
	[tilespmem:$0x1CD80] =	vst v63  }
0x6a: {  	s20 =	simm.s32 @!p1 $0x200;
	s12 =	sadd.s32 @!p1 s6, s12;
	s13 =	rddreg [dreg:$0x4]  }
0x6b: {  	[tilespmem:s20], [sflag:$0x1] =	stream.linear.gather @!p1 [hbm4b:s12+s19], $0x80, $0x38;
	[tilespmem:$0x1CD80] =	vst v63  }
0x6c: {  	s13 =	sadd.s32 @!p1 $0x0, s13;
	s12 =	rddreg [dreg:$0x3];
	s20 =	simm.s32 @!p1 $0x80  }
0x6d: {  	[tilespmem:s20], [sflag:$0x1] =	stream.linear.gather @!p1 [hbm4b:s13+s19], $0x80, $0x38;
	[tilespmem:$0x1CD80] =	vst v63  }
0x6e: {  	s12 =	sadd.s32 @!p1 $0x0, s12;
	s13 =	simm.s32 @!p1 $0x280  }
0x6f: {  	[tilespmem:s13], [sflag:$0x1] =	stream.linear.gather @!p1 [hbm4b:s12+s19], $0x80, $0x38;
	[tilespmem:$0x1CD80] =	vst v63  }
0x70: {  	_ =	swait.ge [sflag:s10], $0x4000  }
0x71: {  	[sflag:s10] =	ssyncset.done $0x0  }
0x72: {  	[sflag:s10] =	ssyncadd.s32 $0xFFFFC000  }
0x73: {  	_ =	swait.ge [sflag:s11], $0x4000  }
0x74: {  	[sflag:s11] =	ssyncset.done $0x0  }
0x75: {  	[sflag:s11] =	ssyncadd.s32 $0xFFFFC000  }
0x76: {  	[tilespmem:s0], [sflag:$0x2] =	stream.indirect.gather [hbm4b:s4+s24], $0x80, s28, s24, $0xb8;
	[tilespmem:$0x1CD80] =	vst v63  }
0x77: {  	_ = 	snop  }
0x78: {  	[tilespmem:s1], [sflag:$0x3] =	stream.indirect.gather [hbm4b:s4+s24], $0x80, s30, s24, $0xb8;
	[tilespmem:$0x1CD80] =	vst v63  }
0x79: {  	_ =	swait.ge [sflag:s7], $0x4000  }
0x7a: {  	[sflag:s7] =	ssyncset.done $0x0  }
0x7b: {  	[sflag:s7] =	ssyncadd.s32 $0xFFFFC000  }
0x7c: {  	[spmem:s2] =	stream.indirect.scatter.add.f32 [tilespmem:s0], [sflag:$0x4], $0x80, s29, s24, $0xb8;
	[tilespmem:$0x1CD80] =	vst v63  }
0x7d: {  	s20 =	sadd.s32 $0x200, s14;
	_ =	swait.ge [sflag:s8], $0x4000  }
0x7e: {  	s19 =	simm.s32 $0x40;
	s12 =	simm.s32 $0x0;
	[sflag:s8] =	ssyncset.done $0x0  }
.LBB2_2:
0x7f: {  	[sflag:s8] =	ssyncadd.s32 $0xFFFFC000  }
0x80: {  	[spmem:s2] =	stream.indirect.scatter.add.f32 [tilespmem:s1], [sflag:$0x5], $0x80, s31, s24, $0xb8;
	[tilespmem:$0x1CD80] =	vst v63  }
0x81: {  	_ =	swait.ge [sflag:s26], $0x80  }
0x82: {  	[sflag:s26] =	ssyncset.done $0x0  }
0x83: {  	[sflag:s26] =	ssyncadd.s32 $0xFFFFFF80  }
0x84: {  	_ =	swait.ge [sflag:s26], $0x80  }
0x85: {  	[sflag:s26] =	ssyncset.done $0x0  }
0x86: {  	[sflag:s26] =	ssyncadd.s32 $0xFFFFFF80  }
0x87: {  	_ =	swait.ge [sflag:s26], $0x80  }
0x88: {  	[sflag:s26] =	ssyncset.done $0x0  }
0x89: {  	[sflag:s26] =	ssyncadd.s32 $0xFFFFFF80  }
0x8a: {  	_ =	swait.ge [sflag:s26], $0x80  }
0x8b: {  	s13 =	smov.u32 s19;
	s14 =	rddreg [dreg:$0x6];
	[sflag:s26] =	ssyncset.done $0x0  }
0x8c: {  	s15 =	rddreg [dreg:$0x5];
	[sflag:s26] =	ssyncadd.s32 $0xFFFFFF80;
	s14 =	sadd.s32 s13, s14  }
0x8d: {  	[tilespmem:s28], [sflag:$0x1] =	stream.linear.gather [hbm4b:s14+s3], $0x80, $0x38;
	[tilespmem:$0x1CD80] =	vst v63  }
0x8e: {  	s21 =	rddreg [dreg:$0x8];
	s15 =	sadd.s32 s13, s15  }
0x8f: {  	[tilespmem:s29], [sflag:$0x1] =	stream.linear.gather [hbm4b:s15+s3], $0x80, $0x38;
	[tilespmem:$0x1CD80] =	vst v63  }
0x90: {  	p2 =	seq.s32 s13, $0x0;
	s17 =	rddreg [dreg:$0x7];
	s18 =	sadd.s32 s13, s21  }
0x91: {  	[tilespmem:s30], [sflag:$0x1] =	stream.linear.gather [hbm4b:s18+s3], $0x80, $0x38;
	[tilespmem:$0x1CD80] =	vst v63  }
0x92: {  	s21 =	sadd.s32 s13, s17;
	s14 =	simm.s32 @!p2 $0x4  }
0x93: {  	[tilespmem:s31], [sflag:$0x1] =	stream.linear.gather [hbm4b:s21+s3], $0x80, $0x38;
	[tilespmem:$0x1CD80] =	vst v63  }
0x94: {  	_ =	swait.ge @!p2 [sflag:s14], $0x4000  }
0x95: {  	[sflag:s14] =	ssyncset.done @!p2 $0x0  }
0x96: {  	s15 =	simm.s32 @!p2 $0x5;
	[sflag:s14] =	ssyncadd.s32 @!p2 $0xFFFFC000  }
0x97: {  	_ =	swait.ge @!p2 [sflag:s15], $0x4000  }
0x98: {  	[sflag:s15] =	ssyncset.done @!p2 $0x0  }
0x99: {  	[sflag:s15] =	ssyncadd.s32 @!p2 $0xFFFFC000  }
0x9a: {  	[tilespmem:s0], [sflag:$0x2] =	stream.indirect.gather [hbm4b:s4+s24], $0x80, s3, s24, $0xb8;
	[tilespmem:$0x1CD80] =	vst v63  }
0x9b: {  	_ = 	snop  }
0x9c: {  	[tilespmem:s1], [sflag:$0x3] =	stream.indirect.gather [hbm4b:s4+s24], $0x80, s24, s24, $0xb8;
	[tilespmem:$0x1CD80] =	vst v63  }
0x9d: {  	_ =	swait.ge [sflag:s7], $0x4000  }
0x9e: {  	[sflag:s7] =	ssyncset.done $0x0  }
0x9f: {  	[sflag:s7] =	ssyncadd.s32 $0xFFFFC000  }
0xa0: {  	[spmem:s2] =	stream.indirect.scatter.add.f32 [tilespmem:s0], [sflag:$0x4], $0x80, s23, s24, $0xb8;
	[tilespmem:$0x1CD80] =	vst v63  }
0xa1: {  	_ =	swait.ge [sflag:s8], $0x4000  }
0xa2: {  	[sflag:s8] =	ssyncset.done $0x0  }
0xa3: {  	[sflag:s8] =	ssyncadd.s32 $0xFFFFC000  }
0xa4: {  	[spmem:s2] =	stream.indirect.scatter.add.f32 [tilespmem:s1], [sflag:$0x5], $0x80, s25, s24, $0xb8;
	[tilespmem:$0x1CD80] =	vst v63  }
0xa5: {  	_ =	swait.ge [sflag:s26], $0x80  }
0xa6: {  	[sflag:s26] =	ssyncset.done $0x0  }
0xa7: {  	[sflag:s26] =	ssyncadd.s32 $0xFFFFFF80  }
0xa8: {  	_ =	swait.ge [sflag:s26], $0x80  }
0xa9: {  	[sflag:s26] =	ssyncset.done $0x0  }
0xaa: {  	[sflag:s26] =	ssyncadd.s32 $0xFFFFFF80  }
0xab: {  	_ =	swait.ge [sflag:s26], $0x80  }
0xac: {  	[sflag:s26] =	ssyncset.done $0x0  }
0xad: {  	s12 =	sadd.s32 $0x1, s12;
	[sflag:s26] =	ssyncadd.s32 $0xFFFFFF80  }
0xae: {  	p2 =	sgt.u32 s12, $0x25;
	_ =	swait.ge [sflag:s26], $0x80  }
0xaf: {  	s14 =	sshrl.u32 @!p2 s20, $0x3;
	[sflag:s26] =	ssyncset.done $0x0  }
0xb0: {  	s21 =	simm.s32 @!p2 $0x0;
	s15 =	sadd.s32 @!p2 s5, s14;
	[sflag:s26] =	ssyncadd.s32 $0xFFFFFF80  }
0xb1: {  	[tilespmem:s21], [sflag:$0x1] =	stream.linear.gather @!p2 [hbm4b:s15+s21], $0x80, $0x38;
	[tilespmem:$0x1CD80] =	vst v63  }
0xb2: {  	s14 =	sadd.s32 @!p2 s6, s14;
	s17 =	rddreg [dreg:$0x4];
	s15 =	simm.s32 @!p2 $0x200  }
0xb3: {  	[tilespmem:s15], [sflag:$0x1] =	stream.linear.gather @!p2 [hbm4b:s14+s21], $0x80, $0x38;
	[tilespmem:$0x1CD80] =	vst v63  }
0xb4: {  	s18 =	rddreg [dreg:$0x3];
	s14 =	sadd.s32 @!p2 s13, s17;
	s15 =	simm.s32 @!p2 $0x80  }
0xb5: {  	[tilespmem:s15], [sflag:$0x1] =	stream.linear.gather @!p2 [hbm4b:s14+s21], $0x80, $0x38;
	[tilespmem:$0x1CD80] =	vst v63  }
0xb6: {  	s17 =	simm.s32 @!p2 $0x280;
	s13 =	sadd.s32 @!p2 s13, s18  }
0xb7: {  	[tilespmem:s17], [sflag:$0x1] =	stream.linear.gather @!p2 [hbm4b:s13+s21], $0x80, $0x38;
	[tilespmem:$0x1CD80] =	vst v63  }
0xb8: {  	_ =	swait.ge [sflag:s10], $0x4000  }
0xb9: {  	[sflag:s10] =	ssyncset.done $0x0  }
0xba: {  	[sflag:s10] =	ssyncadd.s32 $0xFFFFC000  }
0xbb: {  	_ =	swait.ge [sflag:s11], $0x4000  }
0xbc: {  	[sflag:s11] =	ssyncset.done $0x0  }
0xbd: {  	[sflag:s11] =	ssyncadd.s32 $0xFFFFC000  }
0xbe: {  	[tilespmem:s0], [sflag:$0x2] =	stream.indirect.gather [hbm4b:s4+s24], $0x80, s28, s24, $0xb8;
	[tilespmem:$0x1CD80] =	vst v63  }
0xbf: {  	s19 =	sadd.s32 $0x40, s19  }
0xc0: {  	[tilespmem:s1], [sflag:$0x3] =	stream.indirect.gather [hbm4b:s4+s24], $0x80, s30, s24, $0xb8;
	[tilespmem:$0x1CD80] =	vst v63  }
0xc1: {  	p1 =	sne.s32 s19, $0x9C0;
	_ =	swait.ge [sflag:s7], $0x4000  }
.Ltmp0:
0xc2: {  	[sflag:s7] =	ssyncset.done $0x0;
	(pc) =	sbr.rel @p1 .LBB2_2-.Ltmp0, $4  }
0xc3: {  	[sflag:s7] =	ssyncadd.s32 $0xFFFFC000  }
0xc4: {  	[spmem:s2] =	stream.indirect.scatter.add.f32 [tilespmem:s0], [sflag:$0x4], $0x80, s29, s24, $0xb8;
	[tilespmem:$0x1CD80] =	vst v63  }
0xc5: {  	_ =	swait.ge [sflag:s8], $0x4000  }
0xc6: {  	s20 =	sadd.s32 $0x200, s20;
	[sflag:s8] =	ssyncset.done $0x0  }
0xc7: {  	[sflag:s8] =	ssyncadd.s32 $0xFFFFC000  }
0xc8: {  	[spmem:s2] =	stream.indirect.scatter.add.f32 [tilespmem:s1], [sflag:$0x5], $0x80, s31, s24, $0xb8;
	[tilespmem:$0x1CD80] =	vst v63  }
0xc9: {  	s12 =	rddreg [dreg:$0x11];
	s13 =	simm.s32 $0x8400  }
0xca: {  	[tilespmem:s13], [sflag:$0x1] =	stream.linear.gather [hbm4b:s12+s3], $0x20, $0x38;
	[tilespmem:$0x1CD80] =	vst v63  }
0xcb: {  	s17 =	rddreg [dreg:$0x12];
	s14 =	simm.s32 $0x8480  }
0xcc: {  	[tilespmem:s14], [sflag:$0x1] =	stream.linear.gather [hbm4b:s17+s3], $0x20, $0x38;
	[tilespmem:$0x1CD80] =	vst v63  }
0xcd: {  	_ =	swait.ge [sflag:s26], $0x20  }
0xce: {  	[sflag:s26] =	ssyncset.done $0x0  }
0xcf: {  	[sflag:s26] =	ssyncadd.s32 $0xFFFFFFE0  }
0xd0: {  	_ =	swait.ge [sflag:s26], $0x20  }
0xd1: {  	[sflag:s26] =	ssyncset.done $0x0  }
0xd2: {  	s18 =	simm.s32 $0x20;
	s15 =	simm.s32 $0x8500;
	[sflag:s26] =	ssyncadd.s32 $0xFFFFFFE0  }
0xd3: {  	[tilespmem:s15], [sflag:$0x1] =	stream.indirect.gather [hbm4b:s4+s18], $0x80, s13, s18, $0xb8;
	[tilespmem:$0x1CD80] =	vst v63  }
0xd4: {  	_ =	swait.ge [sflag:s26], $0x1000  }
0xd5: {  	[sflag:s26] =	ssyncset.done $0x0  }
0xd6: {  	[sflag:s26] =	ssyncadd.s32 $0xFFFFF000  }
0xd7: {  	[spmem:s2] =	stream.indirect.scatter.add.f32 [tilespmem:s15], [sflag:$0x6], $0x80, s14, s18, $0xb8;
	[tilespmem:$0x1CD80] =	vst v63  }
0xd8: {  	_ =	swait.ge [sflag:s22], $0x1000  }
0xd9: {  	[sflag:s22] =	ssyncset.done $0x0  }
0xda: {  	[sflag:s22] =	ssyncadd.s32 $0xFFFFF000  }
0xdb: {  	_ =	swait.ge [sflag:s10], $0x4000  }
0xdc: {  	[sflag:s10] =	ssyncset.done $0x0  }
0xdd: {  	[sflag:s10] =	ssyncadd.s32 $0xFFFFC000  }
0xde: {  	_ =	swait.ge [sflag:s11], $0x4000  }
0xdf: {  	[sflag:s11] =	ssyncset.done $0x0  }
0xe0: {  	[sflag:s11] =	ssyncadd.s32 $0xFFFFC000  }
0xe1: {  	[bflag:$0x0] =	sbarrier.arrive $0xFFFF  }
0xe2: {  	s19 =	rddreg [dreg:$0x13]  }
0xe3: {  	s20 =	rddreg [dreg:$0x17]  }
0xe4: {  	[hbm:s19], [sflag:s9] =	dma.local [spmem:s20], $0x2700  }
0xe5: {  	_ =	swait.ge [sflag:s22], $0x2700  }
0xe6: {  	[sflag:s22] =	ssyncset.done $0x0;
	s12 =	rddreg [dreg:$0x14]  }
0xe7: {  	s13 =	rddreg [dreg:$0x18];
	[sflag:s22] =	ssyncadd.s32 $0xFFFFD900  }
0xe8: {  	[hbm:s12], [sflag:s9] =	dma.local @!p0 [spmem:s13], $0x100  }
0xe9: {  	s12 =	simm.s32 @!p0 $0x6  }
0xea: {  	_ =	swait.ge @!p0 [sflag:s12], $0x100  }
0xeb: {  	s16 =	sadd.s32 $0x1, s16;
	s21 =	rddreg [dreg:$0x15]  }
0xec: {  	p1 =	sne.s32 s16, s21  }
.Ltmp1:
0xed: {  	_ = 	snop;
	(pc) =	sbr.rel @p1 .LBB2_1-.Ltmp1, $3  }
0xee: {  	_ =	sdelay $0x1  }
0xef: {  	[sflag:s12] =	ssyncset.done @!p0 $0x0  }
0xf0: {  	[sflag:s12] =	ssyncadd.s32 @!p0 $0xFFFFFF00  }
0xf1: {  	_ =	sfence.sel $0x180000  }
0xf2: {  	[bflag:$0x0] =	sbarrier.arrive $0xFFFF  }
0xf3: {  	_ =	strace $0x9000004A  }
0xf4: {  	s0 =	stileid.u32;
	[bflag:$0x2] =	sbarrier.arrive $0xFFFF  }
0xf5: {  	p0 =	sne.s32 s0, $0x0;
	s0 =	rddreg [dreg:$0x2]  }
0xf6: {  	s0 =	sadd.s32 @!p0 $0x100000, s0  }
0xf7: {  	[sflag:s0] =	ssyncadd.tile.s32 @!p0 $0x1;
	_ =	shalt  }
.Lfunc_end2:
_tile_overlayer_lowered:
.L_overlay_start_2:
0xf8: {  	(tag) =	ssettag $0x2  }
0xf9: {  	s0 =	rddreg [dreg:$0x0];
	s2 =	stileid.u32  }
0xfa: {  	s1 =	rddreg [dreg:$0x1];
	p0 =	sne.s32 s2, $0x0  }
0xfb: {  	s3 =	rddreg [dreg:$0x2];
	[bflag:$0x3] =	sbarrier.arrive $0xFFFF;
	s2 =	simm.s32 @!p0 $0x1C06  }
0xfc: {  	[timem:s3], [sflag:s2] =	dma.local @!p0 [hbm:s0], s1  }
0xfd: {  	s0 =	simm.s32 @!p0 $0x6  }
0xfe: {  	_ =	swait.ge @!p0 [sflag:s0], s1  }
0xff: {  	s1 =	ssub.s32 @!p0 $0x0, s1;
	[sflag:s0] =	ssyncset.done @!p0 $0x0  }
0x100: {  	[sflag:s0] =	ssyncadd.s32 @!p0 s1  }
0x101: {  	[bflag:$0x3] =	sbarrier.arrive $0xFFFF  }
0x102: {  	_ =	shalt  }

// kernel: kernel.15.cloned.1.call-start
scs
__scs_entry_jumppad:
0x0: {  	(pc) =	sbr.rel $0x88, $3  }
0x1: {  	(tag) =	ssettag $0x0;
	lr =	simm.s32 $0x1  }
0x2: {  	[smem:$0x3F81] =	sst lr;
	_ =	strace $0xD0000000  }
0x3: {  	_ = 	snop  }
0x4: {  	_ = 	snop  }
0x5: {  	_ = 	snop  }
0x6: {  	_ = 	snop  }
0x7: {  	_ = 	snop  }
__scs_overlays_trampoline_lowered:
0x8: {  	[smem:$0x3F90] =	sst s0  }
0x9: {  	[smem:$0x3F91] =	sst s1  }
0xa: {  	[smem:$0x3F92] =	sst s2  }
0xb: {  	[smem:$0x3F93] =	sst s3  }
0xc: {  	[smem:$0x3F94] =	sst s4  }
0xd: {  	[smem:$0x3F95] =	sst s5  }
0xe: {  	[smem:$0x3F96] =	sst s6  }
0xf: {  	[smem:$0x3F97] =	sst s7  }
0x10: {  	[smem:$0x3F98] =	sst s8  }
0x11: {  	[smem:$0x3F99] =	sst s9;
	s0 =	simm.s32 @!p0 $0x0  }
0x12: {  	s1 =	sld [smem:$0x3F7F];
	s0 =	simm.s32 @p0 $0x1  }
0x13: {  	[smem:$0x3F9A] =	sst s0;
	s0 =	simm.s32 @!p1 $0x0  }
0x14: {  	s2 =	sld [smem:$0x3F7E];
	s0 =	simm.s32 @p1 $0x1  }
0x15: {  	[smem:$0x3F9B] =	sst s0;
	s0 =	simm.s32 @!p2 $0x0  }
0x16: {  	s3 =	sld [smem:$0x3FDB];
	s0 =	simm.s32 @p2 $0x1  }
0x17: {  	s4 =	simm.s32 $0x1BF5;
	[smem:$0x3F9D] =	sst s0  }
0x18: {  	s0 =	sld [smem:$0x3F80];
	_ =	swait.ge [sflag:s4], $0x0  }
0x19: {  	s7 =	sld [smem:$0x3F81]  }
0x1a: {  	s8 =	sadd.s32 $0xFFFFE003, lr  }
0x1b: {  	s9 =	sadd.s32 $0xFFFFFEF7, lr;
	s5 =	simm.s32 $0xFFFFFFFF;
	p2 =	slt.u32 s8, $0xFFFFF086  }
0x1c: {  	p1 =	slt.u32 s9, $0xF7A;
	s5 =	simm.s32 @!p2 $0x0  }
0x1d: {  	s5 =	simm.s32 @p1 $0x1;
	p0 =	seq.s32 s7, s2  }
0x1e: {  	s7 =	smul.u32 @!p0 $0xF7A, s2;
	p2 =	seq.s32 @!p0 s5, $0x0  }
0x1f: {  	s9 =	smul.u32 $0xF7A, s1;
	s8 =	simm.s32 @!p0 $0x1BF5;
	p2 =	por !p2, p0  }
0x20: {  	[sflag:s8] =	ssyncset.s32 @!p0 $0xFFFFF086;
	s6 =	sadd.s32 @!p0 s3, s7;
	s7 =	simm.s32 @!p0 $0x108  }
0x21: {  	s3 =	sadd.s32 s3, s9;
	s6 =	sadd.s32 @!p0 $0x88, s6;
	s7 =	simm.s32 @p2 $0x1082  }
0x22: {  	[simem:s7], [sflag:s8] =	dma.local @!p0 [hbm:s6], $0xF7A  }
0x23: {  	s9 =	sor.u32 $0xD0000000, s2;
	s6 =	simm.s32 $0x108;
	_ =	swait.ge @!p0 [sflag:s8], $0x0  }
0x24: {  	s3 =	sadd.s32 $0x88, s3;
	s6 =	simm.s32 @!p1 $0x1082;
	[sflag:s4] =	ssyncset.s32 $0xFFFFF086  }
0x25: {  	[simem:s6], [sflag:s4] =	dma.local [hbm:s3], $0xF7A  }
0x26: {  	[smem:$0x3F81] =	sst s1;
	(tag) =	ssettag s2;
	_ =	strace s9  }
0x27: {  	s1 =	sld [smem:$0x3F91]  }
0x28: {  	s2 =	sld [smem:$0x3F92]  }
0x29: {  	s4 =	sld [smem:$0x3F94]  }
0x2a: {  	p0 =	seq.s32 s5, $0x0;
	s5 =	sld [smem:$0x3F95]  }
0x2b: {  	s6 =	sld [smem:$0x3F96]  }
0x2c: {  	s7 =	sld [smem:$0x3F97]  }
0x2d: {  	s3 =	simm.s32 $0x108;
	s8 =	sld [smem:$0x3F98]  }
0x2e: {  	s3 =	simm.s32 @!p0 $0x1082;
	s9 =	sld [smem:$0x3F99]  }
0x2f: {  	lr =	sadd.s32 s0, s3;
	s0 =	sld [smem:$0x3F90]  }
0x30: {  	s3 =	sld [smem:$0x3F93]  }
0x31: {  	[smem:$0x3F9C] =	sst s10  }
0x32: {  	s10 =	sld [smem:$0x3F9A];
	_ =	sdelay $0x3  }
0x33: {  	p0 =	seq.s32 s10, $0x1;
	s10 =	sld [smem:$0x3F9C];
	_ =	sdelay $0x3  }
0x34: {  	[smem:$0x3F9C] =	sst s10  }
0x35: {  	s10 =	sld [smem:$0x3F9B];
	_ =	sdelay $0x3  }
0x36: {  	p1 =	seq.s32 s10, $0x1;
	s10 =	sld [smem:$0x3F9C];
	_ =	sdelay $0x3  }
0x37: {  	[smem:$0x3F9C] =	sst s10  }
0x38: {  	s10 =	sld [smem:$0x3F9D]  }
0x39: {  	_ = 	snop;
	(pc) =	sbr.ind lr, $3  }
0x3a: {  	_ = 	snop  }
0x3b: {  	_ = 	snop  }
0x3c: {  	p2 =	seq.s32 s10, $0x1;
	s10 =	sld [smem:$0x3F9C]  }
0x3d: {  	_ =	shalt  }
0x3e: {  	_ =	shalt  }
0x3f: {  	_ =	shalt  }
0x40: {  	_ =	shalt  }
0x41: {  	_ =	shalt  }
0x42: {  	_ =	shalt  }
0x43: {  	_ =	shalt  }
0x44: {  	_ =	shalt  }
0x45: {  	_ =	shalt  }
0x46: {  	_ =	shalt  }
0x47: {  	_ =	shalt  }
0x48: {  	_ =	shalt  }
0x49: {  	_ =	shalt  }
0x4a: {  	_ =	shalt  }
0x4b: {  	_ =	shalt  }
0x4c: {  	_ =	shalt  }
0x4d: {  	_ =	shalt  }
0x4e: {  	_ =	shalt  }
0x4f: {  	_ =	shalt  }
0x50: {  	_ =	shalt  }
0x51: {  	_ =	shalt  }
0x52: {  	_ =	shalt  }
0x53: {  	_ =	shalt  }
0x54: {  	_ =	shalt  }
0x55: {  	_ =	shalt  }
0x56: {  	_ =	shalt  }
0x57: {  	_ =	shalt  }
0x58: {  	_ =	shalt  }
0x59: {  	_ =	shalt  }
0x5a: {  	_ =	shalt  }
0x5b: {  	_ =	shalt  }
0x5c: {  	_ =	shalt  }
0x5d: {  	_ =	shalt  }
0x5e: {  	_ =	shalt  }
0x5f: {  	_ =	shalt  }
0x60: {  	_ =	shalt  }
0x61: {  	_ =	shalt  }
0x62: {  	_ =	shalt  }
0x63: {  	_ =	shalt  }
0x64: {  	_ =	shalt  }
0x65: {  	_ =	shalt  }
0x66: {  	_ =	shalt  }
0x67: {  	_ =	shalt  }
0x68: {  	_ =	shalt  }
0x69: {  	_ =	shalt  }
0x6a: {  	_ =	shalt  }
0x6b: {  	_ =	shalt  }
0x6c: {  	_ =	shalt  }
0x6d: {  	_ =	shalt  }
0x6e: {  	_ =	shalt  }
0x6f: {  	_ =	shalt  }
0x70: {  	_ =	shalt  }
0x71: {  	_ =	shalt  }
0x72: {  	_ =	shalt  }
0x73: {  	_ =	shalt  }
0x74: {  	_ =	shalt  }
0x75: {  	_ =	shalt  }
0x76: {  	_ =	shalt  }
0x77: {  	_ =	shalt  }
0x78: {  	_ =	shalt  }
0x79: {  	_ =	shalt  }
0x7a: {  	_ =	shalt  }
0x7b: {  	_ =	shalt  }
0x7c: {  	_ =	shalt  }
0x7d: {  	_ =	shalt  }
0x7e: {  	_ =	shalt  }
0x7f: {  	_ =	shalt  }
0x80: {  	_ =	shalt  }
0x81: {  	_ =	shalt  }
0x82: {  	_ =	shalt  }
0x83: {  	_ =	shalt  }
0x84: {  	_ =	shalt  }
0x85: {  	_ =	shalt  }
0x86: {  	_ =	shalt  }
0x87: {  	_ =	shalt  }
.Lfunc_end0:
.L_simem_size_0:
called_computation.2_lowered:
.L_overlay_start_0:
0x88: {  	s2 =	sld [smem:$0x3FD9]  }
0x89: {  	s3 =	sld [smem:$0x3FFE];
	_ =	sdelay $0x1  }
0x8a: {  	s1 =	srdreg.scid  }
0x8b: {  	s0 =	sand.u32 $0x1, s1  }
0x8c: {  	s16 =	sshll.u32 s0, $0xA;
	s2 =	sadd.s32 s3, s2  }
0x8d: {  	s2 =	sadd.s32 s2, s16  }
0x8e: {  	[smem:$0x3FA8] =	sst s2  }
0x8f: {  	_ = 	snop  }
0x90: {  	(tm) =	ssettm $0x1  }
0x91: {  	s17 =	sld [smem:$0x3FFB];
	_ =	sdelay $0x3  }
0x92: {  	_ =	strace s17  }
0x93: {  	s2 =	sld [smem:$0x3FFC];
	_ =	sdelay $0x3  }
0x94: {  	_ =	strace s2  }
0x95: {  	s2 =	sld [smem:$0x3FFD];
	_ =	sdelay $0x3  }
0x96: {  	_ =	strace s2  }
0x97: {  	_ =	strace $0x8FFFFFFF  }
0x98: {  	s18 =	sld [smem:$0x3FDB];
	_ =	sdelay $0x1  }
0x99: {  	s19 =	simm.s32 $_scs_section_size  }
0x9a: {  	s4 =	simm.s32 $_size__tile_overlayer_lowered;
	s5 =	simm.s32 $_tile_overlayer_lowered  }
0x9b: {  	s22 =	simm.s32 $0x1BFF;
	s21 =	sshll.u32 s5, $0x1;
	s2 =	sadd.s32 s19, s18  }
0x9c: {  	s6 =	simm.s32 $0x0;
	s20 =	sshll.u32 s4, $0x1;
	s4 =	sadd.s32 s21, s2  }
0x9d: {  	[timem:s6], [sflag:s22] =	dma.local [hbm:s4], s20  }
0x9e: {  	_ =	swait.ge [sflag:s22], s20  }
0x9f: {  	s3 =	ssub.s32 $0x0, s20;
	[sflag:s22] =	ssyncset.done $0x0  }
0xa0: {  	[sflag:s22] =	ssyncadd.s32 s3;
	_ =	sdelay $0x1  }
0xa1: {  	s23 =	simm.s32 $0x1B8B  }
0xa2: {  	_ =	swait.ge [sflag:s23], $0x1  }
0xa3: {  	[sflag:s23] =	ssyncset.done $0x0  }
0xa4: {  	s25 =	simm.s32 $0x1B8E;
	s24 =	sld [smem:$0x3FFE];
	[sflag:s23] =	ssyncadd.s32 $0xFFFFFFFF  }
0xa5: {  	s26 =	simm.s32 $execute0_lowered;
	[smem:$0x3FD2] =	sst s25  }
0xa6: {  	s4 =	sshll.u32 s26, $0x1;
	_ =	strace $0x8000004C;
	[dreg:$0x1] =	wrdreg $0xFFFFFFFF  }
0xa7: {  	s28 =	simm.s32 $_size_execute0_lowered;
	s2 =	sadd.s32 s2, s4;
	[dreg:$0x0] =	wrdreg $0x0  }
0xa8: {  	s4 =	sshll.u32 s28, $0x1;
	[dreg:$0x2] =	wrdreg s2  }
0xa9: {  	[dreg:$0x3] =	wrdreg s4  }
0xaa: {  	[dreg:$0x4] =	wrdreg $0xC0  }
0xab: {  	_ =	task [dreg:s6], $0x5FFFF  }
0xac: {  	[dreg:$0x1] =	wrdreg $0xFFFFFFFF  }
0xad: {  	[dreg:$0x0] =	wrdreg $0x60  }
0xae: {  	[dreg:$0x2] =	wrdreg s24  }
0xaf: {  	[dreg:$0x3] =	wrdreg $0x9  }
0xb0: {  	_ =	task.clear_ibuf [dreg:s6], $0x4FFFF;
	_ =	strace $0x9000004C  }
0xb1: {  	s29 =	simm.s32 $0x9;
	_ =	strace $0x8000004E  }
0xb2: {  	_ =	swait.ge [sflag:s29], $0x1  }
0xb3: {  	[sflag:s29] =	ssyncadd.s32 $0xFFFFFFFF  }
0xb4: {  	_ =	strace $0x9000004E  }
0xb5: {  	_ =	sfence  }
0xb6: {  	s30 =	sld [smem:$0x0];
	_ =	sdelay $0x2  }
0xb7: {  	s31 =	sshll.u32 s1, $0xD;
	s1 =	sshrl.u32 s1, $0x2  }
0xb8: {  	s3 =	sand.u32 $0x4000, s31;
	s1 =	sadd.s32 s1, s30  }
0xb9: {  	s0 =	sor.u32 s3, s0;
	s1 =	sshll.u32 s1, $0x11  }
0xba: {  	s0 =	sor.u32 s1, s0  }
0xbb: {  	s0 =	sadd.s32 $0x8F2B, s0  }
0xbc: {  	[sflag:s0] =	ssyncadd.remote.s32 $0x1  }
0xbd: {  	_ =	sfence.sel $0xFFFF  }
0xbe: {  	[dreg:$0x0] =	wrdreg $0xFFFFFFFF;
	(pc) =	sbr.abs _section_cstart, $3  }
0xbf: {  	[dreg:$0x1] =	wrdreg $0xFFFFFFFF  }
0xc0: {  	_ =	task.clear_ibuf [dreg:s6], $0x2FFFF;
	_ =	strace $0x9FFFFFFF  }
0xc1: {  	(tm) =	ssettm $0x7FFFFFFF  }
tec
execute0_lowered:
.L_overlay_start_1:
0x0: {  	(tag) =	ssettag $0x1  }
0x1: {  	s1 =	srdreg.scid  }
0x2: {  	s0 =	stileid.u32;
	s6 =	sand.u32 $0x1, s1  }
0x3: {  	s8 =	rddreg [dreg:$0x0];
	s2 =	sshll.u32 s0, $0x7;
	s1 =	sshll.u32 s6, $0xB  }
0x4: {  	s7 =	simm.s32 $0x1;
	s5 =	sadd.s32 $0x6200, s8;
	s9 =	sor.u32 s2, s1  }
0x5: {  	s1 =	rddreg [dreg:$0x1];
	s2 =	simm.s32 $0x0;
	s3 =	sshrl.u32 s9, $0x3  }
0x6: {  	s10 =	ssub.s32 $0x2, s6;
	[smem:$0x7FF] =	sst s2;
	s3 =	sadd.s32 s3, s8  }
0x7: {  	_ =	strace $0x8000004D;
	s4 =	sadd.s32 $0x149200, s3;
	s3 =	simm.s32 $0x2  }
0x8: {  	[tilespmem:s2], [sflag:$0x2] =	stream.linear.gather [hbm4b:s4+s2], $0x80, $0x38;
	[tilespmem:$0x4080] =	vst v63  }
0x9: {  	s6 =	simm.s32 $0x80;
	s11 =	sshrl.u32 s10, $0x1;
	_ =	swait.ge [sflag:s3], $0x80  }
0xa: {  	s9 =	sshll.u32 s9, $0x4;
	s31 =	ssub.s32 s10, s11;
	[sflag:s3] =	ssyncset.done $0x0  }
0xb: {  	s8 =	sadd.s32 s9, s8;
	s9 =	smax.u32 s31, $0x1;
	[sflag:s3] =	ssyncadd.s32 $0xFFFFFF80  }
0xc: {  	[tilespmem:s6], [sflag:$0x1] =	stream.indirect.gather [hbm4b:s5+s6], $0x80, s2, s6, $0xb8;
	[tilespmem:$0x4080] =	vst v63  }
0xd: {  	p0 =	sne.s32 s9, $0x1;
	_ =	swait.ge [sflag:s7], $0x4000  }
.Ltmp0:
0xe: {  	[sflag:s7] =	ssyncset.done $0x0;
	(pc) =	sbr.rel @!p0 .LBB2_2-.Ltmp0, $4  }
0xf: {  	s8 =	sadd.s32 $0x54400, s8;
	[sflag:s7] =	ssyncadd.s32 $0xFFFFC000  }
0x10: {  	[hbm4b:s8+s2] =	stream.linear.scatter [tilespmem:s6], [sflag:$0x2], $0x4000, $0x38;
	[tilespmem:$0x4080] =	vst v63  }
0x11: {  	_ =	swait.ge [sflag:s3], $0x4000  }
0x12: {  	s9 =	sadd.s32 $0xFFFFFFFF, s9;
	[sflag:s3] =	ssyncset.done $0x0  }
.LBB2_1:
0x13: {  	p0 =	sne.s32 s9, $0x1;
	s9 =	sadd.s32 $0xFFFFFFFF, s9;
	[sflag:s3] =	ssyncadd.s32 $0xFFFFC000  }
0x14: {  	[tilespmem:s2], [sflag:$0x2] =	stream.linear.gather [hbm4b:s4+s2], $0x80, $0x38;
	[tilespmem:$0x4080] =	vst v63  }
0x15: {  	_ =	swait.ge [sflag:s3], $0x80  }
0x16: {  	[sflag:s3] =	ssyncset.done $0x0  }
0x17: {  	[sflag:s3] =	ssyncadd.s32 $0xFFFFFF80  }
0x18: {  	[tilespmem:s6], [sflag:$0x1] =	stream.indirect.gather [hbm4b:s5+s6], $0x80, s2, s6, $0xb8;
	[tilespmem:$0x4080] =	vst v63  }
0x19: {  	_ =	swait.ge [sflag:s7], $0x4000  }
.Ltmp1:
0x1a: {  	[sflag:s7] =	ssyncset.done $0x0;
	(pc) =	sbr.rel @p0 .LBB2_1-.Ltmp1, $4  }
0x1b: {  	[sflag:s7] =	ssyncadd.s32 $0xFFFFC000  }
0x1c: {  	[hbm4b:s8+s2] =	stream.linear.scatter [tilespmem:s6], [sflag:$0x2], $0x4000, $0x38;
	[tilespmem:$0x4080] =	vst v63  }
0x1d: {  	_ =	swait.ge [sflag:s3], $0x4000  }
0x1e: {  	[sflag:s3] =	ssyncset.done $0x0  }
.LBB2_2:
0x1f: {  	[sflag:s3] =	ssyncadd.s32 $0xFFFFC000  }
0x20: {  	_ =	sfence.sel $0x180000  }
0x21: {  	[bflag:$0x0] =	sbarrier.arrive $0xFFFF  }
0x22: {  	p0 =	sne.s32 s0, $0x0;
	_ =	strace $0x9000004D  }
0x23: {  	s0 =	sadd.s32 @!p0 $0x100000, s1;
	[bflag:$0x2] =	sbarrier.arrive $0xFFFF  }
0x24: {  	[sflag:s0] =	ssyncadd.tile.s32 @!p0 $0x1;
	_ =	shalt  }
.Lfunc_end2:
_tile_overlayer_lowered:
.L_overlay_start_2:
0x25: {  	(tag) =	ssettag $0x2  }
0x26: {  	s0 =	rddreg [dreg:$0x0];
	s2 =	stileid.u32  }
0x27: {  	s1 =	rddreg [dreg:$0x1];
	p0 =	sne.s32 s2, $0x0  }
0x28: {  	s3 =	rddreg [dreg:$0x2];
	[bflag:$0x3] =	sbarrier.arrive $0xFFFF;
	s2 =	simm.s32 @!p0 $0x1C02  }
0x29: {  	[timem:s3], [sflag:s2] =	dma.local @!p0 [hbm:s0], s1  }
0x2a: {  	s0 =	simm.s32 @!p0 $0x2  }
0x2b: {  	_ =	swait.ge @!p0 [sflag:s0], s1  }
0x2c: {  	s1 =	ssub.s32 @!p0 $0x0, s1;
	[sflag:s0] =	ssyncset.done @!p0 $0x0  }
0x2d: {  	[sflag:s0] =	ssyncadd.s32 @!p0 s1  }
0x2e: {  	[bflag:$0x3] =	sbarrier.arrive $0xFFFF  }
0x2f: {  	_ =	shalt  }

// kernel: kernel.9.cloned.1.call-start
scs
__scs_entry_jumppad:
0x0: {  	(pc) =	sbr.rel $0x88, $3  }
0x1: {  	(tag) =	ssettag $0x0;
	lr =	simm.s32 $0x1  }
0x2: {  	[smem:$0x3F81] =	sst lr;
	_ =	strace $0xD0000000  }
0x3: {  	_ = 	snop  }
0x4: {  	_ = 	snop  }
0x5: {  	_ = 	snop  }
0x6: {  	_ = 	snop  }
0x7: {  	_ = 	snop  }
__scs_overlays_trampoline_lowered:
0x8: {  	[smem:$0x3F90] =	sst s0  }
0x9: {  	[smem:$0x3F91] =	sst s1  }
0xa: {  	[smem:$0x3F92] =	sst s2  }
0xb: {  	[smem:$0x3F93] =	sst s3  }
0xc: {  	[smem:$0x3F94] =	sst s4  }
0xd: {  	[smem:$0x3F95] =	sst s5  }
0xe: {  	[smem:$0x3F96] =	sst s6  }
0xf: {  	[smem:$0x3F97] =	sst s7  }
0x10: {  	[smem:$0x3F98] =	sst s8  }
0x11: {  	[smem:$0x3F99] =	sst s9;
	s0 =	simm.s32 @!p0 $0x0  }
0x12: {  	s1 =	sld [smem:$0x3F7F];
	s0 =	simm.s32 @p0 $0x1  }
0x13: {  	[smem:$0x3F9A] =	sst s0;
	s0 =	simm.s32 @!p1 $0x0  }
0x14: {  	s2 =	sld [smem:$0x3F7E];
	s0 =	simm.s32 @p1 $0x1  }
0x15: {  	[smem:$0x3F9B] =	sst s0;
	s0 =	simm.s32 @!p2 $0x0  }
0x16: {  	s3 =	sld [smem:$0x3FDB];
	s0 =	simm.s32 @p2 $0x1  }
0x17: {  	s4 =	simm.s32 $0x1BF5;
	[smem:$0x3F9D] =	sst s0  }
0x18: {  	s0 =	sld [smem:$0x3F80];
	_ =	swait.ge [sflag:s4], $0x0  }
0x19: {  	s7 =	sld [smem:$0x3F81]  }
0x1a: {  	s8 =	sadd.s32 $0xFFFFE003, lr  }
0x1b: {  	s9 =	sadd.s32 $0xFFFFFEF7, lr;
	s5 =	simm.s32 $0xFFFFFFFF;
	p2 =	slt.u32 s8, $0xFFFFF086  }
0x1c: {  	p1 =	slt.u32 s9, $0xF7A;
	s5 =	simm.s32 @!p2 $0x0  }
0x1d: {  	s5 =	simm.s32 @p1 $0x1;
	p0 =	seq.s32 s7, s2  }
0x1e: {  	s7 =	smul.u32 @!p0 $0xF7A, s2;
	p2 =	seq.s32 @!p0 s5, $0x0  }
0x1f: {  	s9 =	smul.u32 $0xF7A, s1;
	s8 =	simm.s32 @!p0 $0x1BF5;
	p2 =	por !p2, p0  }
0x20: {  	[sflag:s8] =	ssyncset.s32 @!p0 $0xFFFFF086;
	s6 =	sadd.s32 @!p0 s3, s7;
	s7 =	simm.s32 @!p0 $0x108  }
0x21: {  	s3 =	sadd.s32 s3, s9;
	s6 =	sadd.s32 @!p0 $0x88, s6;
	s7 =	simm.s32 @p2 $0x1082  }
0x22: {  	[simem:s7], [sflag:s8] =	dma.local @!p0 [hbm:s6], $0xF7A  }
0x23: {  	s9 =	sor.u32 $0xD0000000, s2;
	s6 =	simm.s32 $0x108;
	_ =	swait.ge @!p0 [sflag:s8], $0x0  }
0x24: {  	s3 =	sadd.s32 $0x88, s3;
	s6 =	simm.s32 @!p1 $0x1082;
	[sflag:s4] =	ssyncset.s32 $0xFFFFF086  }
0x25: {  	[simem:s6], [sflag:s4] =	dma.local [hbm:s3], $0xF7A  }
0x26: {  	[smem:$0x3F81] =	sst s1;
	(tag) =	ssettag s2;
	_ =	strace s9  }
0x27: {  	s1 =	sld [smem:$0x3F91]  }
0x28: {  	s2 =	sld [smem:$0x3F92]  }
0x29: {  	s4 =	sld [smem:$0x3F94]  }
0x2a: {  	p0 =	seq.s32 s5, $0x0;
	s5 =	sld [smem:$0x3F95]  }
0x2b: {  	s6 =	sld [smem:$0x3F96]  }
0x2c: {  	s7 =	sld [smem:$0x3F97]  }
0x2d: {  	s3 =	simm.s32 $0x108;
	s8 =	sld [smem:$0x3F98]  }
0x2e: {  	s3 =	simm.s32 @!p0 $0x1082;
	s9 =	sld [smem:$0x3F99]  }
0x2f: {  	lr =	sadd.s32 s0, s3;
	s0 =	sld [smem:$0x3F90]  }
0x30: {  	s3 =	sld [smem:$0x3F93]  }
0x31: {  	[smem:$0x3F9C] =	sst s10  }
0x32: {  	s10 =	sld [smem:$0x3F9A];
	_ =	sdelay $0x3  }
0x33: {  	p0 =	seq.s32 s10, $0x1;
	s10 =	sld [smem:$0x3F9C];
	_ =	sdelay $0x3  }
0x34: {  	[smem:$0x3F9C] =	sst s10  }
0x35: {  	s10 =	sld [smem:$0x3F9B];
	_ =	sdelay $0x3  }
0x36: {  	p1 =	seq.s32 s10, $0x1;
	s10 =	sld [smem:$0x3F9C];
	_ =	sdelay $0x3  }
0x37: {  	[smem:$0x3F9C] =	sst s10  }
0x38: {  	s10 =	sld [smem:$0x3F9D]  }
0x39: {  	_ = 	snop;
	(pc) =	sbr.ind lr, $3  }
0x3a: {  	_ = 	snop  }
0x3b: {  	_ = 	snop  }
0x3c: {  	p2 =	seq.s32 s10, $0x1;
	s10 =	sld [smem:$0x3F9C]  }
0x3d: {  	_ =	shalt  }
0x3e: {  	_ =	shalt  }
0x3f: {  	_ =	shalt  }
0x40: {  	_ =	shalt  }
0x41: {  	_ =	shalt  }
0x42: {  	_ =	shalt  }
0x43: {  	_ =	shalt  }
0x44: {  	_ =	shalt  }
0x45: {  	_ =	shalt  }
0x46: {  	_ =	shalt  }
0x47: {  	_ =	shalt  }
0x48: {  	_ =	shalt  }
0x49: {  	_ =	shalt  }
0x4a: {  	_ =	shalt  }
0x4b: {  	_ =	shalt  }
0x4c: {  	_ =	shalt  }
0x4d: {  	_ =	shalt  }
0x4e: {  	_ =	shalt  }
0x4f: {  	_ =	shalt  }
0x50: {  	_ =	shalt  }
0x51: {  	_ =	shalt  }
0x52: {  	_ =	shalt  }
0x53: {  	_ =	shalt  }
0x54: {  	_ =	shalt  }
0x55: {  	_ =	shalt  }
0x56: {  	_ =	shalt  }
0x57: {  	_ =	shalt  }
0x58: {  	_ =	shalt  }
0x59: {  	_ =	shalt  }
0x5a: {  	_ =	shalt  }
0x5b: {  	_ =	shalt  }
0x5c: {  	_ =	shalt  }
0x5d: {  	_ =	shalt  }
0x5e: {  	_ =	shalt  }
0x5f: {  	_ =	shalt  }
0x60: {  	_ =	shalt  }
0x61: {  	_ =	shalt  }
0x62: {  	_ =	shalt  }
0x63: {  	_ =	shalt  }
0x64: {  	_ =	shalt  }
0x65: {  	_ =	shalt  }
0x66: {  	_ =	shalt  }
0x67: {  	_ =	shalt  }
0x68: {  	_ =	shalt  }
0x69: {  	_ =	shalt  }
0x6a: {  	_ =	shalt  }
0x6b: {  	_ =	shalt  }
0x6c: {  	_ =	shalt  }
0x6d: {  	_ =	shalt  }
0x6e: {  	_ =	shalt  }
0x6f: {  	_ =	shalt  }
0x70: {  	_ =	shalt  }
0x71: {  	_ =	shalt  }
0x72: {  	_ =	shalt  }
0x73: {  	_ =	shalt  }
0x74: {  	_ =	shalt  }
0x75: {  	_ =	shalt  }
0x76: {  	_ =	shalt  }
0x77: {  	_ =	shalt  }
0x78: {  	_ =	shalt  }
0x79: {  	_ =	shalt  }
0x7a: {  	_ =	shalt  }
0x7b: {  	_ =	shalt  }
0x7c: {  	_ =	shalt  }
0x7d: {  	_ =	shalt  }
0x7e: {  	_ =	shalt  }
0x7f: {  	_ =	shalt  }
0x80: {  	_ =	shalt  }
0x81: {  	_ =	shalt  }
0x82: {  	_ =	shalt  }
0x83: {  	_ =	shalt  }
0x84: {  	_ =	shalt  }
0x85: {  	_ =	shalt  }
0x86: {  	_ =	shalt  }
0x87: {  	_ =	shalt  }
.Lfunc_end0:
.L_simem_size_0:
called_computation_lowered:
.L_overlay_start_0:
0x88: {  	s2 =	sld [smem:$0x3FD9]  }
0x89: {  	s3 =	sld [smem:$0x3FFE];
	_ =	sdelay $0x1  }
0x8a: {  	s1 =	srdreg.scid  }
0x8b: {  	s0 =	sand.u32 $0x1, s1  }
0x8c: {  	s16 =	sshll.u32 s0, $0xA;
	s2 =	sadd.s32 s3, s2  }
0x8d: {  	s2 =	sadd.s32 s2, s16  }
0x8e: {  	[smem:$0x3FA8] =	sst s2  }
0x8f: {  	_ = 	snop  }
0x90: {  	(tm) =	ssettm $0x1  }
0x91: {  	s17 =	sld [smem:$0x3FFB];
	_ =	sdelay $0x3  }
0x92: {  	_ =	strace s17  }
0x93: {  	s2 =	sld [smem:$0x3FFC];
	_ =	sdelay $0x3  }
0x94: {  	_ =	strace s2  }
0x95: {  	s2 =	sld [smem:$0x3FFD];
	_ =	sdelay $0x3  }
0x96: {  	_ =	strace s2  }
0x97: {  	_ =	strace $0x8FFFFFFF  }
0x98: {  	s18 =	sld [smem:$0x3FDB];
	_ =	sdelay $0x1  }
0x99: {  	s19 =	simm.s32 $_scs_section_size  }
0x9a: {  	s4 =	simm.s32 $_size__tile_overlayer_lowered;
	s5 =	simm.s32 $_tile_overlayer_lowered  }
0x9b: {  	s22 =	simm.s32 $0x1BFF;
	s21 =	sshll.u32 s5, $0x1;
	s2 =	sadd.s32 s19, s18  }
0x9c: {  	s6 =	simm.s32 $0x0;
	s20 =	sshll.u32 s4, $0x1;
	s4 =	sadd.s32 s21, s2  }
0x9d: {  	[timem:s6], [sflag:s22] =	dma.local [hbm:s4], s20  }
0x9e: {  	_ =	swait.ge [sflag:s22], s20  }
0x9f: {  	s3 =	ssub.s32 $0x0, s20;
	[sflag:s22] =	ssyncset.done $0x0  }
0xa0: {  	[sflag:s22] =	ssyncadd.s32 s3;
	_ =	sdelay $0x1  }
0xa1: {  	s23 =	simm.s32 $0x1B8B  }
0xa2: {  	_ =	swait.ge [sflag:s23], $0x1  }
0xa3: {  	[sflag:s23] =	ssyncset.done $0x0  }
0xa4: {  	s25 =	simm.s32 $0x1B8E;
	s24 =	sld [smem:$0x3FFE];
	[sflag:s23] =	ssyncadd.s32 $0xFFFFFFFF  }
0xa5: {  	s26 =	simm.s32 $execute0_lowered;
	[smem:$0x3FD2] =	sst s25  }
0xa6: {  	s4 =	sshll.u32 s26, $0x1;
	_ =	strace $0x80000046;
	[dreg:$0x1] =	wrdreg $0xFFFFFFFF  }
0xa7: {  	s28 =	simm.s32 $_size_execute0_lowered;
	s2 =	sadd.s32 s2, s4;
	[dreg:$0x0] =	wrdreg $0x0  }
0xa8: {  	s4 =	sshll.u32 s28, $0x1;
	[dreg:$0x2] =	wrdreg s2  }
0xa9: {  	[dreg:$0x3] =	wrdreg s4  }
0xaa: {  	[dreg:$0x4] =	wrdreg $0xC0  }
0xab: {  	_ =	task [dreg:s6], $0x5FFFF  }
0xac: {  	[dreg:$0x1] =	wrdreg $0xFFFFFFFF  }
0xad: {  	[dreg:$0x0] =	wrdreg $0x60  }
0xae: {  	[dreg:$0x2] =	wrdreg s24  }
0xaf: {  	[dreg:$0x3] =	wrdreg $0xBC800  }
0xb0: {  	[dreg:$0x4] =	wrdreg $0x9  }
0xb1: {  	_ =	task.clear_ibuf [dreg:s6], $0x5FFFF;
	_ =	strace $0x90000046  }
0xb2: {  	s29 =	simm.s32 $0x9;
	_ =	strace $0x80000048  }
0xb3: {  	_ =	swait.ge [sflag:s29], $0x1  }
0xb4: {  	[sflag:s29] =	ssyncadd.s32 $0xFFFFFFFF  }
0xb5: {  	_ =	strace $0x90000048  }
0xb6: {  	_ =	sfence  }
0xb7: {  	s30 =	sld [smem:$0x0];
	_ =	sdelay $0x2  }
0xb8: {  	s31 =	sshll.u32 s1, $0xD;
	s1 =	sshrl.u32 s1, $0x2  }
0xb9: {  	s3 =	sand.u32 $0x4000, s31;
	s1 =	sadd.s32 s1, s30  }
0xba: {  	s0 =	sor.u32 s3, s0;
	s1 =	sshll.u32 s1, $0x11  }
0xbb: {  	s0 =	sor.u32 s1, s0  }
0xbc: {  	s0 =	sadd.s32 $0x8F2B, s0  }
0xbd: {  	[sflag:s0] =	ssyncadd.remote.s32 $0x1  }
0xbe: {  	_ =	sfence.sel $0xFFFF  }
0xbf: {  	[dreg:$0x0] =	wrdreg $0xFFFFFFFF;
	(pc) =	sbr.abs _section_cstart, $3  }
0xc0: {  	[dreg:$0x1] =	wrdreg $0xFFFFFFFF  }
0xc1: {  	_ =	task.clear_ibuf [dreg:s6], $0x2FFFF;
	_ =	strace $0x9FFFFFFF  }
0xc2: {  	(tm) =	ssettm $0x7FFFFFFF  }
0xc3: {  	_ =	shalt  }
tec
execute0_lowered:
.L_overlay_start_1:
0x0: {  	(tag) =	ssettag $0x1  }
0x1: {  	s0 =	rddreg [dreg:$0x0]  }
0x2: {  	s2 =	rddreg [dreg:$0x1];
	s3 =	simm.s32 $0x0;
	s15 =	stileid.u32  }
0x3: {  	s1 =	srdreg.scid;
	s28 =	simm.s32 $0x80;
	s29 =	simm.s32 $0x280  }
0x4: {  	s30 =	simm.s32 $0x1;
	s31 =	simm.s32 $0x100;
	[smem:$0x7FF] =	sst s3  }
0x5: {  	s7 =	smul.u32 $0x13800, s15;
	s1 =	sand.u32 $0x1, s1;
	s4 =	sadd.s32 $0x2D600, s0  }
0x6: {  	s5 =	sadd.s32 $0x6200, s0;
	s6 =	sadd.s32 $0x19C00, s0;
	s12 =	smul.u32 $0x4E000, s15  }
0x7: {  	s10 =	sadd.s32 $0xA2A00, s0;
	s11 =	sadd.s32 $0xACE00, s0;
	s18 =	smul.u32 $0x4E20, s15  }
0x8: {  	s19 =	sshll.u32 s15, $0x6;
	s20 =	sadd.s32 $0x138000, s2;
	p0 =	sne.s32 s15, $0xF  }
0x9: {  	_ =	strace $0x80000047;
	s8 =	sshll.u32 s1, $0x4;
	[dreg:$0x9] =	wrdreg s10  }
0xa: {  	s16 =	ssub.s32 $0x2, s1;
	s14 =	smul.u32 $0x4E200, s1;
	[dreg:$0xd] =	wrdreg s20  }
0xb: {  	s1 =	smul.u32 $0x138800, s1;
	s9 =	sshrl.u32 s7, $0x3;
	s8 =	sor.u32 s15, s8  }
0xc: {  	s13 =	sshrl.u32 s16, $0x1;
	s17 =	sshrl.u32 s12, $0x2;
	s9 =	sadd.s32 s9, s0  }
0xd: {  	s8 =	smul.u32 $0x4E2, s8;
	s13 =	ssub.s32 s16, s13;
	s10 =	sadd.s32 s17, s2  }
0xe: {  	s16 =	sor.u32 $0x1C06, s19;
	s7 =	sadd.s32 s7, s1;
	s1 =	sshrl.u32 s1, $0x3  }
0xf: {  	[dreg:$0xa] =	wrdreg s10;
	s9 =	sadd.s32 $0x7B800, s9;
	s7 =	sshrl.u32 s7, $0x3  }
0x10: {  	s1 =	sadd.s32 s11, s1;
	[dreg:$0xc] =	wrdreg s16;
	s8 =	sadd.s32 s8, s0  }
0x11: {  	[dreg:$0xb] =	wrdreg s9;
	s9 =	sadd.s32 s18, s14;
	s0 =	sadd.s32 $0xA2800, s0  }
0x12: {  	s7 =	sadd.s32 s11, s7;
	s1 =	sadd.s32 $0x27000, s1;
	[dreg:$0xe] =	wrdreg s0  }
0x13: {  	s11 =	simm.s32 $0x2;
	s21 =	sshrl.u32 s9, $0x3;
	[dreg:$0x13] =	wrdreg s7  }
0x14: {  	s10 =	sadd.s32 $0x280, s9;
	[dreg:$0x17] =	wrdreg s1;
	s22 =	sadd.s32 s5, s21  }
0x15: {  	s23 =	sadd.s32 s6, s21;
	s24 =	sadd.s32 $0x10, s21;
	[dreg:$0xf] =	wrdreg s22  }
0x16: {  	s17 =	sadd.s32 $0x100, s9;
	[dreg:$0x10] =	wrdreg s23;
	s25 =	sadd.s32 s5, s24  }
0x17: {  	s12 =	sshrl.u32 s10, $0x3;
	s26 =	sadd.s32 s6, s24;
	[dreg:$0x11] =	wrdreg s25  }
0x18: {  	s0 =	sadd.s32 $0x9C0, s21;
	s14 =	sadd.s32 s12, s6;
	[dreg:$0x12] =	wrdreg s26  }
0x19: {  	s1 =	simm.s32 $0x180;
	s19 =	sadd.s32 s5, s0;
	[dreg:$0x3] =	wrdreg s14  }
0x1a: {  	s18 =	sshrl.u32 s17, $0x3;
	s7 =	sadd.s32 s12, s5;
	[dreg:$0x14] =	wrdreg s19  }
0x1b: {  	s21 =	sadd.s32 $0x180, s9;
	s0 =	sadd.s32 s6, s0;
	[dreg:$0x4] =	wrdreg s7  }
0x1c: {  	s20 =	sadd.s32 s18, s6;
	s22 =	sadd.s32 $0xA3000, s8;
	[dreg:$0x15] =	wrdreg s0  }
0x1d: {  	s23 =	sadd.s32 s18, s5;
	s8 =	simm.s32 $0x400;
	[dreg:$0x5] =	wrdreg s20  }
0x1e: {  	s12 =	simm.s32 $0x3;
	[dreg:$0x16] =	wrdreg s22;
	s0 =	sshrl.u32 s21, $0x3  }
0x1f: {  	[dreg:$0x6] =	wrdreg s23;
	s25 =	smax.u32 s13, $0x1;
	s26 =	sadd.s32 $0x200, s9  }
0x20: {  	s7 =	simm.s32 $0x380;
	s9 =	simm.s32 $0x4400;
	s13 =	simm.s32 $0x4  }
0x21: {  	s14 =	simm.s32 $0x5;
	s19 =	simm.s32 $0x0;
	[dreg:$0x18] =	wrdreg s25  }
0x22: {  	s24 =	sadd.s32 s0, s6;
	s0 =	sadd.s32 s0, s5;
	[dreg:$0x19] =	wrdreg s26  }
0x23: {  	s25 =	simm.s32 $0x9500;
	s26 =	simm.s32 $0x200;
	[dreg:$0x7] =	wrdreg s24  }
0x24: {  	v0 =	vimm.f32 $1.000000000e+00;
	[dreg:$0x8] =	wrdreg s0;
	s24 =	simm.s32 $0x6;
	s0 =	simm.s32 $0x300  }
.LBB2_1:
0x25: {  	s10 =	rddreg [dreg:$0xa]  }
0x26: {  	s23 =	rddreg [dreg:$0xb];
	s20 =	sshrl.u32 s10, $0x3  }
0x27: {  	[spmem:s20], [sflag:s16] =	dma.local [hbm:s23], $0x2700  }
0x28: {  	_ =	swait.ge [sflag:s24], $0x2700  }
0x29: {  	[sflag:s24] =	ssyncset.done $0x0  }
0x2a: {  	s15 =	rddreg [dreg:$0x9];
	[sflag:s24] =	ssyncadd.s32 $0xFFFFD900  }
0x2b: {  	[tilespmem:s25], [sflag:$0x6] =	stream.linear.gather [hbm4b:s15+s3], $0x2780, $0x38;
	[tilespmem:$0x1F500] =	vst v63  }
0x2c: {  	_ =	swait.ge [sflag:s24], $0x2780  }
0x2d: {  	s15 =	simm.s32 @!p0 $0x6;
	[sflag:s24] =	ssyncset.done $0x0;
	s10 =	rddreg [dreg:$0xd]  }
0x2e: {  	[sflag:s24] =	ssyncadd.s32 $0xFFFFD880;
	s21 =	sshrl.u32 @!p0 s10, $0x3;
	s10 =	rddreg [dreg:$0xe]  }
0x2f: {  	[spmem:s21], [sflag:s16] =	dma.local @!p0 [hbm:s10], $0x100  }
0x30: {  	_ =	swait.ge @!p0 [sflag:s15], $0x100  }
0x31: {  	[sflag:s15] =	ssyncset.done @!p0 $0x0  }
0x32: {  	[sflag:s15] =	ssyncadd.s32 @!p0 $0xFFFFFF00  }
0x33: {  	[bflag:$0x0] =	sbarrier.arrive $0xFFFF  }
0x34: {  	s17 =	rddreg [dreg:$0xf]  }
0x35: {  	[tilespmem:s3], [sflag:$0x1] =	stream.linear.gather [hbm4b:s17+s3], $0x80, $0x38;
	[tilespmem:$0x1F500] =	vst v63  }
0x36: {  	s18 =	rddreg [dreg:$0x10]  }
0x37: {  	[tilespmem:s26], [sflag:$0x1] =	stream.linear.gather [hbm4b:s18+s3], $0x80, $0x38;
	[tilespmem:$0x1F500] =	vst v63  }
0x38: {  	s22 =	rddreg [dreg:$0x11]  }
0x39: {  	[tilespmem:s28], [sflag:$0x1] =	stream.linear.gather [hbm4b:s22+s3], $0x80, $0x38;
	[tilespmem:$0x1F500] =	vst v63  }
0x3a: {  	s23 =	rddreg [dreg:$0x12]  }
0x3b: {  	[tilespmem:s29], [sflag:$0x1] =	stream.linear.gather [hbm4b:s23+s3], $0x80, $0x38;
	[tilespmem:$0x1F500] =	vst v63  }
0x3c: {  	s15 =	simm.s32 $0x0;
	s22 =	simm.s32 $0x0;
	s23 =	rddreg [dreg:$0x19]  }
.LBB2_2:
0x3d: {  	_ =	swait.ge [sflag:s30], $0x80  }
0x3e: {  	[sflag:s30] =	ssyncset.done $0x0  }
0x3f: {  	[sflag:s30] =	ssyncadd.s32 $0xFFFFFF80  }
0x40: {  	_ =	swait.ge [sflag:s30], $0x80  }
0x41: {  	[sflag:s30] =	ssyncset.done $0x0  }
0x42: {  	[sflag:s30] =	ssyncadd.s32 $0xFFFFFF80  }
0x43: {  	_ =	swait.ge [sflag:s30], $0x80  }
0x44: {  	[sflag:s30] =	ssyncset.done $0x0  }
0x45: {  	[sflag:s30] =	ssyncadd.s32 $0xFFFFFF80  }
0x46: {  	_ =	swait.ge [sflag:s30], $0x80  }
0x47: {  	s16 =	rddreg [dreg:$0x6];
	[sflag:s30] =	ssyncset.done $0x0  }
0x48: {  	s17 =	rddreg [dreg:$0x5];
	[sflag:s30] =	ssyncadd.s32 $0xFFFFFF80;
	s16 =	sadd.s32 s22, s16  }
0x49: {  	[tilespmem:s31], [sflag:$0x1] =	stream.linear.gather [hbm4b:s16+s3], $0x80, $0x38;
	[tilespmem:$0x1F500] =	vst v63  }
0x4a: {  	s10 =	rddreg [dreg:$0x8];
	s18 =	sadd.s32 s22, s17  }
0x4b: {  	[tilespmem:s0], [sflag:$0x1] =	stream.linear.gather [hbm4b:s18+s3], $0x80, $0x38;
	[tilespmem:$0x1F500] =	vst v63  }
0x4c: {  	s17 =	sadd.s32 s22, s10;
	s18 =	rddreg [dreg:$0x7]  }
0x4d: {  	[tilespmem:s1], [sflag:$0x1] =	stream.linear.gather [hbm4b:s17+s3], $0x80, $0x38;
	[tilespmem:$0x1F500] =	vst v63  }
0x4e: {  	p1 =	seq.s32 s22, $0x0;
	s16 =	sadd.s32 s22, s18  }
0x4f: {  	[tilespmem:s7], [sflag:$0x1] =	stream.linear.gather [hbm4b:s16+s3], $0x80, $0x38;
	[tilespmem:$0x1F500] =	vst v63  }
0x50: {  	s16 =	simm.s32 @!p1 $0x4  }
0x51: {  	_ =	swait.ge @!p1 [sflag:s16], $0x4000  }
0x52: {  	[sflag:s16] =	ssyncset.done @!p1 $0x0  }
0x53: {  	[sflag:s16] =	ssyncadd.s32 @!p1 $0xFFFFC000;
	s16 =	simm.s32 @!p1 $0x5  }
0x54: {  	_ =	swait.ge @!p1 [sflag:s16], $0x4000  }
0x55: {  	[sflag:s16] =	ssyncset.done @!p1 $0x0  }
0x56: {  	[sflag:s16] =	ssyncadd.s32 @!p1 $0xFFFFC000  }
0x57: {  	[tilespmem:s8], [sflag:$0x2] =	stream.indirect.gather [hbm4b:s4+s28], $0x80, s3, s28, $0xb8;
	[tilespmem:$0x1F500] =	vst v63  }
0x58: {  	_ = 	snop  }
0x59: {  	[tilespmem:s9], [sflag:$0x3] =	stream.indirect.gather [hbm4b:s4+s28], $0x80, s28, s28, $0xb8;
	[tilespmem:$0x1F500] =	vst v63  }
0x5a: {  	v1 =	vld [tilespmem:$0x200];
	_ =	sdelay $0x7  }
0x5b: {  	[tilespmem:v1+s25+$0x0] =	vst.idx.add.f32.msk $0xffff, v0  }
0x5c: {  	v1 =	vld [tilespmem:$0x210];
	_ =	sdelay $0x7  }
0x5d: {  	[tilespmem:v1+s25+$0x0] =	vst.idx.add.f32.msk $0xffff, v0  }
0x5e: {  	v1 =	vld [tilespmem:$0x220];
	_ =	sdelay $0x7  }
0x5f: {  	[tilespmem:v1+s25+$0x0] =	vst.idx.add.f32.msk $0xffff, v0  }
0x60: {  	v1 =	vld [tilespmem:$0x230];
	_ =	sdelay $0x7  }
0x61: {  	[tilespmem:v1+s25+$0x0] =	vst.idx.add.f32.msk $0xffff, v0  }
0x62: {  	v1 =	vld [tilespmem:$0x240];
	_ =	sdelay $0x7  }
0x63: {  	[tilespmem:v1+s25+$0x0] =	vst.idx.add.f32.msk $0xffff, v0  }
0x64: {  	v1 =	vld [tilespmem:$0x250];
	_ =	sdelay $0x7  }
0x65: {  	[tilespmem:v1+s25+$0x0] =	vst.idx.add.f32.msk $0xffff, v0  }
0x66: {  	v1 =	vld [tilespmem:$0x260];
	_ =	sdelay $0x7  }
0x67: {  	[tilespmem:v1+s25+$0x0] =	vst.idx.add.f32.msk $0xffff, v0  }
0x68: {  	v1 =	vld [tilespmem:$0x270];
	_ =	sdelay $0x7  }
0x69: {  	[tilespmem:v1+s25+$0x0] =	vst.idx.add.f32.msk $0xffff, v0  }
0x6a: {  	v1 =	vld [tilespmem:$0x280];
	_ =	sdelay $0x7  }
0x6b: {  	[tilespmem:v1+s25+$0x0] =	vst.idx.add.f32.msk $0xffff, v0  }
0x6c: {  	v1 =	vld [tilespmem:$0x290];
	_ =	sdelay $0x7  }
0x6d: {  	[tilespmem:v1+s25+$0x0] =	vst.idx.add.f32.msk $0xffff, v0  }
0x6e: {  	v1 =	vld [tilespmem:$0x2A0];
	_ =	sdelay $0x7  }
0x6f: {  	[tilespmem:v1+s25+$0x0] =	vst.idx.add.f32.msk $0xffff, v0  }
0x70: {  	v1 =	vld [tilespmem:$0x2B0];
	_ =	sdelay $0x7  }
0x71: {  	[tilespmem:v1+s25+$0x0] =	vst.idx.add.f32.msk $0xffff, v0  }
0x72: {  	v1 =	vld [tilespmem:$0x2C0];
	_ =	sdelay $0x7  }
0x73: {  	[tilespmem:v1+s25+$0x0] =	vst.idx.add.f32.msk $0xffff, v0  }
0x74: {  	v1 =	vld [tilespmem:$0x2D0];
	_ =	sdelay $0x7  }
0x75: {  	[tilespmem:v1+s25+$0x0] =	vst.idx.add.f32.msk $0xffff, v0  }
0x76: {  	v1 =	vld [tilespmem:$0x2E0];
	_ =	sdelay $0x7  }
0x77: {  	[tilespmem:v1+s25+$0x0] =	vst.idx.add.f32.msk $0xffff, v0  }
0x78: {  	v1 =	vld [tilespmem:$0x2F0];
	_ =	sdelay $0x7  }
0x79: {  	[tilespmem:v1+s25+$0x0] =	vst.idx.add.f32.msk $0xffff, v0  }
0x7a: {  	_ =	swait.ge [sflag:s11], $0x4000  }
0x7b: {  	[sflag:s11] =	ssyncset.done $0x0  }
0x7c: {  	[sflag:s11] =	ssyncadd.s32 $0xFFFFC000  }
0x7d: {  	[spmem:s2] =	stream.indirect.scatter.add.f32 [tilespmem:s8], [sflag:$0x4], $0x80, s26, s28, $0xb8;
	[tilespmem:$0x1F500] =	vst v63  }
0x7e: {  	_ =	swait.ge [sflag:s12], $0x4000  }
0x7f: {  	[sflag:s12] =	ssyncset.done $0x0  }
0x80: {  	[sflag:s12] =	ssyncadd.s32 $0xFFFFC000  }
0x81: {  	[spmem:s2] =	stream.indirect.scatter.add.f32 [tilespmem:s9], [sflag:$0x5], $0x80, s29, s28, $0xb8;
	[tilespmem:$0x1F500] =	vst v63  }
0x82: {  	_ =	swait.ge [sflag:s30], $0x80  }
0x83: {  	[sflag:s30] =	ssyncset.done $0x0  }
0x84: {  	[sflag:s30] =	ssyncadd.s32 $0xFFFFFF80  }
0x85: {  	_ =	swait.ge [sflag:s30], $0x80  }
0x86: {  	[sflag:s30] =	ssyncset.done $0x0  }
0x87: {  	[sflag:s30] =	ssyncadd.s32 $0xFFFFFF80  }
0x88: {  	_ =	swait.ge [sflag:s30], $0x80  }
0x89: {  	[sflag:s30] =	ssyncset.done $0x0  }
0x8a: {  	[sflag:s30] =	ssyncadd.s32 $0xFFFFFF80  }
0x8b: {  	p1 =	sgt.u32 s15, $0x25;
	_ =	swait.ge [sflag:s30], $0x80  }
0x8c: {  	s16 =	sshrl.u32 @!p1 s23, $0x3;
	[sflag:s30] =	ssyncset.done $0x0  }
0x8d: {  	s18 =	simm.s32 @!p1 $0x0;
	s17 =	sadd.s32 @!p1 s5, s16;
	[sflag:s30] =	ssyncadd.s32 $0xFFFFFF80  }
0x8e: {  	[tilespmem:s18], [sflag:$0x1] =	stream.linear.gather @!p1 [hbm4b:s17+s18], $0x80, $0x38;
	[tilespmem:$0x1F500] =	vst v63  }
0x8f: {  	s16 =	sadd.s32 @!p1 s6, s16;
	s10 =	rddreg [dreg:$0x4];
	s17 =	simm.s32 @!p1 $0x200  }
0x90: {  	[tilespmem:s17], [sflag:$0x1] =	stream.linear.gather @!p1 [hbm4b:s16+s18], $0x80, $0x38;
	[tilespmem:$0x1F500] =	vst v63  }
0x91: {  	s10 =	sadd.s32 @!p1 s22, s10;
	s16 =	rddreg [dreg:$0x3];
	s17 =	simm.s32 @!p1 $0x80  }
0x92: {  	[tilespmem:s17], [sflag:$0x1] =	stream.linear.gather @!p1 [hbm4b:s10+s18], $0x80, $0x38;
	[tilespmem:$0x1F500] =	vst v63  }
0x93: {  	s10 =	sadd.s32 @!p1 s22, s16;
	s16 =	simm.s32 @!p1 $0x280  }
0x94: {  	[tilespmem:s16], [sflag:$0x1] =	stream.linear.gather @!p1 [hbm4b:s10+s18], $0x80, $0x38;
	[tilespmem:$0x1F500] =	vst v63  }
0x95: {  	_ =	swait.ge [sflag:s13], $0x4000  }
0x96: {  	[sflag:s13] =	ssyncset.done $0x0  }
0x97: {  	[sflag:s13] =	ssyncadd.s32 $0xFFFFC000  }
0x98: {  	_ =	swait.ge [sflag:s14], $0x4000  }
0x99: {  	[sflag:s14] =	ssyncset.done $0x0  }
0x9a: {  	[sflag:s14] =	ssyncadd.s32 $0xFFFFC000  }
0x9b: {  	[tilespmem:s8], [sflag:$0x2] =	stream.indirect.gather [hbm4b:s4+s28], $0x80, s31, s28, $0xb8;
	[tilespmem:$0x1F500] =	vst v63  }
0x9c: {  	_ = 	snop  }
0x9d: {  	[tilespmem:s9], [sflag:$0x3] =	stream.indirect.gather [hbm4b:s4+s28], $0x80, s1, s28, $0xb8;
	[tilespmem:$0x1F500] =	vst v63  }
0x9e: {  	v1 =	vld [tilespmem:$0x300];
	_ =	sdelay $0x7  }
0x9f: {  	[tilespmem:v1+s25+$0x0] =	vst.idx.add.f32.msk $0xffff, v0  }
0xa0: {  	v1 =	vld [tilespmem:$0x310];
	_ =	sdelay $0x7  }
0xa1: {  	[tilespmem:v1+s25+$0x0] =	vst.idx.add.f32.msk $0xffff, v0  }
0xa2: {  	v1 =	vld [tilespmem:$0x320];
	_ =	sdelay $0x7  }
0xa3: {  	[tilespmem:v1+s25+$0x0] =	vst.idx.add.f32.msk $0xffff, v0  }
0xa4: {  	v1 =	vld [tilespmem:$0x330];
	_ =	sdelay $0x7  }
0xa5: {  	[tilespmem:v1+s25+$0x0] =	vst.idx.add.f32.msk $0xffff, v0  }
0xa6: {  	v1 =	vld [tilespmem:$0x340];
	_ =	sdelay $0x7  }
0xa7: {  	[tilespmem:v1+s25+$0x0] =	vst.idx.add.f32.msk $0xffff, v0  }
0xa8: {  	v1 =	vld [tilespmem:$0x350];
	_ =	sdelay $0x7  }
0xa9: {  	[tilespmem:v1+s25+$0x0] =	vst.idx.add.f32.msk $0xffff, v0  }
0xaa: {  	v1 =	vld [tilespmem:$0x360];
	_ =	sdelay $0x7  }
0xab: {  	[tilespmem:v1+s25+$0x0] =	vst.idx.add.f32.msk $0xffff, v0  }
0xac: {  	v1 =	vld [tilespmem:$0x370];
	_ =	sdelay $0x7  }
0xad: {  	[tilespmem:v1+s25+$0x0] =	vst.idx.add.f32.msk $0xffff, v0  }
0xae: {  	v1 =	vld [tilespmem:$0x380];
	_ =	sdelay $0x7  }
0xaf: {  	[tilespmem:v1+s25+$0x0] =	vst.idx.add.f32.msk $0xffff, v0  }
0xb0: {  	v1 =	vld [tilespmem:$0x390];
	_ =	sdelay $0x7  }
0xb1: {  	[tilespmem:v1+s25+$0x0] =	vst.idx.add.f32.msk $0xffff, v0  }
0xb2: {  	v1 =	vld [tilespmem:$0x3A0];
	_ =	sdelay $0x7  }
0xb3: {  	[tilespmem:v1+s25+$0x0] =	vst.idx.add.f32.msk $0xffff, v0  }
0xb4: {  	v1 =	vld [tilespmem:$0x3B0];
	_ =	sdelay $0x7  }
0xb5: {  	[tilespmem:v1+s25+$0x0] =	vst.idx.add.f32.msk $0xffff, v0  }
0xb6: {  	v1 =	vld [tilespmem:$0x3C0];
	_ =	sdelay $0x7  }
0xb7: {  	[tilespmem:v1+s25+$0x0] =	vst.idx.add.f32.msk $0xffff, v0  }
0xb8: {  	v1 =	vld [tilespmem:$0x3D0];
	_ =	sdelay $0x7  }
0xb9: {  	[tilespmem:v1+s25+$0x0] =	vst.idx.add.f32.msk $0xffff, v0  }
0xba: {  	v1 =	vld [tilespmem:$0x3E0];
	_ =	sdelay $0x7  }
0xbb: {  	[tilespmem:v1+s25+$0x0] =	vst.idx.add.f32.msk $0xffff, v0  }
0xbc: {  	v1 =	vld [tilespmem:$0x3F0];
	_ =	sdelay $0x7  }
0xbd: {  	[tilespmem:v1+s25+$0x0] =	vst.idx.add.f32.msk $0xffff, v0  }
0xbe: {  	_ =	swait.ge [sflag:s11], $0x4000  }
0xbf: {  	s22 =	sadd.s32 $0x40, s22;
	[sflag:s11] =	ssyncset.done $0x0  }
0xc0: {  	p1 =	sne.s32 s22, $0x9C0;
	[sflag:s11] =	ssyncadd.s32 $0xFFFFC000  }
0xc1: {  	[spmem:s2] =	stream.indirect.scatter.add.f32 [tilespmem:s8], [sflag:$0x4], $0x80, s0, s28, $0xb8;
	[tilespmem:$0x1F500] =	vst v63  }
.Ltmp0:
0xc2: {  	_ = 	snop;
	(pc) =	sbr.rel @p1 .LBB2_2-.Ltmp0, $4  }
0xc3: {  	_ =	swait.ge [sflag:s12], $0x4000  }
0xc4: {  	[sflag:s12] =	ssyncset.done $0x0  }
0xc5: {  	s15 =	sadd.s32 $0x1, s15;
	s23 =	sadd.s32 $0x200, s23;
	[sflag:s12] =	ssyncadd.s32 $0xFFFFC000  }
0xc6: {  	[spmem:s2] =	stream.indirect.scatter.add.f32 [tilespmem:s9], [sflag:$0x5], $0x80, s7, s28, $0xb8;
	[tilespmem:$0x1F500] =	vst v63  }
0xc7: {  	s10 =	rddreg [dreg:$0x14];
	s15 =	simm.s32 $0x8400  }
0xc8: {  	[tilespmem:s15], [sflag:$0x1] =	stream.linear.gather [hbm4b:s10+s3], $0x20, $0x38;
	[tilespmem:$0x1F500] =	vst v63  }
0xc9: {  	s22 =	rddreg [dreg:$0x15];
	s16 =	simm.s32 $0x8480  }
0xca: {  	[tilespmem:s16], [sflag:$0x1] =	stream.linear.gather [hbm4b:s22+s3], $0x20, $0x38;
	[tilespmem:$0x1F500] =	vst v63  }
0xcb: {  	_ =	swait.ge [sflag:s30], $0x20  }
0xcc: {  	[sflag:s30] =	ssyncset.done $0x0  }
0xcd: {  	[sflag:s30] =	ssyncadd.s32 $0xFFFFFFE0  }
0xce: {  	_ =	swait.ge [sflag:s30], $0x20  }
0xcf: {  	[sflag:s30] =	ssyncset.done $0x0  }
0xd0: {  	s23 =	simm.s32 $0x20;
	s17 =	simm.s32 $0x8500;
	[sflag:s30] =	ssyncadd.s32 $0xFFFFFFE0  }
0xd1: {  	[tilespmem:s17], [sflag:$0x1] =	stream.indirect.gather [hbm4b:s4+s23], $0x80, s15, s23, $0xb8;
	[tilespmem:$0x1F500] =	vst v63  }
0xd2: {  	v1 =	vld [tilespmem:$0x8480];
	_ =	sdelay $0x7  }
0xd3: {  	[tilespmem:v1+s25+$0x0] =	vst.idx.add.f32.msk $0xffff, v0  }
0xd4: {  	v1 =	vld [tilespmem:$0x8490];
	_ =	sdelay $0x7  }
0xd5: {  	[tilespmem:v1+s25+$0x0] =	vst.idx.add.f32.msk $0xffff, v0  }
0xd6: {  	_ =	swait.ge [sflag:s30], $0x1000  }
0xd7: {  	[sflag:s30] =	ssyncset.done $0x0  }
0xd8: {  	[sflag:s30] =	ssyncadd.s32 $0xFFFFF000  }
0xd9: {  	[spmem:s2] =	stream.indirect.scatter.add.f32 [tilespmem:s17], [sflag:$0x6], $0x80, s16, s23, $0xb8;
	[tilespmem:$0x1F500] =	vst v63  }
0xda: {  	_ =	swait.ge [sflag:s24], $0x1000  }
0xdb: {  	[sflag:s24] =	ssyncset.done $0x0  }
0xdc: {  	[sflag:s24] =	ssyncadd.s32 $0xFFFFF000  }
0xdd: {  	_ =	swait.ge [sflag:s13], $0x4000  }
0xde: {  	[sflag:s13] =	ssyncset.done $0x0  }
0xdf: {  	[sflag:s13] =	ssyncadd.s32 $0xFFFFC000  }
0xe0: {  	_ =	swait.ge [sflag:s14], $0x4000  }
0xe1: {  	[sflag:s14] =	ssyncset.done $0x0  }
0xe2: {  	[sflag:s14] =	ssyncadd.s32 $0xFFFFC000  }
0xe3: {  	[bflag:$0x0] =	sbarrier.arrive $0xFFFF  }
0xe4: {  	s16 =	rddreg [dreg:$0xc]  }
0xe5: {  	s18 =	rddreg [dreg:$0x13]  }
0xe6: {  	[hbm:s18], [sflag:s16] =	dma.local [spmem:s20], $0x2700  }
0xe7: {  	_ =	swait.ge [sflag:s24], $0x2700  }
0xe8: {  	[sflag:s24] =	ssyncset.done $0x0  }
0xe9: {  	s22 =	rddreg [dreg:$0x16];
	[sflag:s24] =	ssyncadd.s32 $0xFFFFD900  }
0xea: {  	[hbm4b:s22+s3] =	stream.linear.scatter [tilespmem:s25], [sflag:$0x6], $0x2710, $0x38;
	[tilespmem:$0x1F500] =	vst v63  }
0xeb: {  	_ =	swait.ge [sflag:s24], $0x2710  }
0xec: {  	[sflag:s24] =	ssyncset.done $0x0  }
0xed: {  	s10 =	rddreg [dreg:$0x17];
	[sflag:s24] =	ssyncadd.s32 $0xFFFFD8F0  }
0xee: {  	[hbm:s10], [sflag:s16] =	dma.local @!p0 [spmem:s21], $0x100  }
0xef: {  	s10 =	simm.s32 @!p0 $0x6  }
0xf0: {  	_ =	swait.ge @!p0 [sflag:s10], $0x100  }
0xf1: {  	s19 =	sadd.s32 $0x1, s19;
	s23 =	rddreg [dreg:$0x18]  }
0xf2: {  	p1 =	sne.s32 s19, s23  }
.Ltmp1:
0xf3: {  	_ = 	snop;
	(pc) =	sbr.rel @p1 .LBB2_1-.Ltmp1, $3  }
0xf4: {  	_ =	sdelay $0x1  }
0xf5: {  	[sflag:s10] =	ssyncset.done @!p0 $0x0  }
0xf6: {  	[sflag:s10] =	ssyncadd.s32 @!p0 $0xFFFFFF00  }
0xf7: {  	_ =	sfence.sel $0x180000  }
0xf8: {  	[bflag:$0x0] =	sbarrier.arrive $0xFFFF  }
0xf9: {  	_ =	strace $0x90000047  }
0xfa: {  	s0 =	stileid.u32;
	[bflag:$0x2] =	sbarrier.arrive $0xFFFF  }
0xfb: {  	p0 =	sne.s32 s0, $0x0;
	s0 =	rddreg [dreg:$0x2]  }
0xfc: {  	s0 =	sadd.s32 @!p0 $0x100000, s0  }
0xfd: {  	[sflag:s0] =	ssyncadd.tile.s32 @!p0 $0x1;
	_ =	shalt  }
.Lfunc_end2:
_tile_overlayer_lowered:
.L_overlay_start_2:
0xfe: {  	(tag) =	ssettag $0x2  }
0xff: {  	s0 =	rddreg [dreg:$0x0];
	s2 =	stileid.u32  }
0x100: {  	s1 =	rddreg [dreg:$0x1];
	p0 =	sne.s32 s2, $0x0  }
0x101: {  	s3 =	rddreg [dreg:$0x2];
	[bflag:$0x3] =	sbarrier.arrive $0xFFFF;
	s2 =	simm.s32 @!p0 $0x1C06  }
0x102: {  	[timem:s3], [sflag:s2] =	dma.local @!p0 [hbm:s0], s1  }
0x103: {  	s0 =	simm.s32 @!p0 $0x6  }
0x104: {  	_ =	swait.ge @!p0 [sflag:s0], s1  }
0x105: {  	s1 =	ssub.s32 @!p0 $0x0, s1;
	[sflag:s0] =	ssyncset.done @!p0 $0x0  }
0x106: {  	[sflag:s0] =	ssyncadd.s32 @!p0 s1  }
0x107: {  	[bflag:$0x3] =	sbarrier.arrive $0xFFFF  }
0x108: {  	_ =	shalt  }

</sc_bundles>
